<compile_context>
chip_gen: v7x
topology: tpu7x:2x2x1
jax: 0.10.2.dev20260603
libtpu: 0.0.44.dev20260713+nightly
codegen_flags: <defaults>
</compile_context>

<pallas_src>
import functools

import jax
import jax.numpy as jnp
from jax import lax
from jax.experimental import pallas as pl
from jax.experimental.pallas import tpu as pltpu
from jax.experimental.pallas import tpu_sc as plsc

_NC = 2
_NS = 16
_NW = _NC * _NS
_CHUNK = 128
_BLK = 2528
_G = 128
_LANES = 16

_DOT = dict(preferred_element_type=jnp.float32, precision=lax.Precision.HIGHEST)


def _mm(a, b):
    return lax.dot_general(a, b, (((1,), (0,)), ((), ())), **_DOT)




def _sc_aggregate(p_pad, edges):
    n_pad, h = p_pad.shape
    cpw, ch = edges.shape[2], edges.shape[3]
    rows_per_tile = n_pad // _NS
    nfull = rows_per_tile // ch
    rem = rows_per_tile % ch
    tile_budget = (2097151 * 4 - 2 * n_pad * h * 4) // _NS
    idx_bytes = 2 * cpw * ch * 4
    nring = max(2, min(6, (tile_budget - idx_bytes - 4096) // (ch * h * 4)))
    mesh = plsc.VectorSubcoreMesh(core_axis_name="c", subcore_axis_name="s")

    def body(p_hbm, edges_hbm, out0, out1,
             src_v, dst_v, rows, acc, p_spm, gsems):
        zbuf = rows[0]
        cid = lax.axis_index("c")
        sid = lax.axis_index("s")
        wid = sid * _NC + cid
        r0 = sid * rows_per_tile

        pltpu.async_copy(p_hbm.at[pl.ds(r0, rows_per_tile)],
                         p_spm.at[pl.ds(r0, rows_per_tile)], gsems[0])

        zv = jnp.zeros((_LANES,), jnp.float32)

        def zrow(r, carry):
            for c in range(h // _LANES):
                zbuf[r, pl.ds(c * _LANES, _LANES)] = zv
            return carry

        lax.fori_loop(0, ch, zrow, 0)
        for k in range(nfull):
            pltpu.sync_copy(zbuf, acc.at[pl.ds(r0 + k * ch, ch)])
        if rem:
            pltpu.sync_copy(zbuf.at[pl.ds(0, rem)],
                            acc.at[pl.ds(r0 + nfull * ch, rem)])

        pltpu.sync_copy(edges_hbm.at[0, wid], src_v)
        pltpu.sync_copy(edges_hbm.at[1, wid], dst_v)
        pltpu.make_async_copy(p_hbm.at[pl.ds(r0, rows_per_tile)],
                              p_spm.at[pl.ds(r0, rows_per_tile)],
                              gsems[0]).wait()

        plsc.subcore_barrier()

        def gdesc(c, b):
            return pltpu.make_async_copy(p_spm.at[src_v.at[c]], rows[b],
                                         gsems[b])

        for b in range(min(nring, cpw)):
            gdesc(b, b).start()

        def handle(jj, b):
            gdesc(jj, b).wait()
            pltpu.sync_copy(rows[b], acc.at[dst_v.at[jj]], add=True)

            @pl.when(jj + nring < cpw)
            def _():
                gdesc(jj + nring, b).start()

        def step(t, carry):
            for b in range(nring):
                handle(t * nring + b, b)
            return carry

        main = cpw // nring
        lax.fori_loop(0, main, step, 0)
        for b in range(cpw - main * nring):
            handle(main * nring + b, b)

        plsc.subcore_barrier()

        @pl.when(cid == 0)
        def _():
            pltpu.sync_copy(acc.at[pl.ds(r0, rows_per_tile)],
                            out0.at[pl.ds(r0, rows_per_tile)])

        @pl.when(cid == 1)
        def _():
            pltpu.sync_copy(acc.at[pl.ds(r0, rows_per_tile)],
                            out1.at[pl.ds(r0, rows_per_tile)])

    fn = pl.kernel(
        body,
        out_type=(jax.ShapeDtypeStruct((n_pad, h), jnp.float32),
                  jax.ShapeDtypeStruct((n_pad, h), jnp.float32)),
        mesh=mesh,
        scratch_types=[
            pltpu.VMEM((cpw, ch), jnp.int32),
            pltpu.VMEM((cpw, ch), jnp.int32),
            [pltpu.VMEM((ch, h), jnp.float32)] * nring,
            pltpu.VMEM_SHARED((n_pad, h), jnp.float32),
            pltpu.VMEM_SHARED((n_pad, h), jnp.float32),
            [pltpu.SemaphoreType.DMA] * nring,
        ],
        compiler_params=pltpu.CompilerParams(use_tc_tiling_on_sc=False),
    )
    return fn(p_pad, edges)




def _rmask(limit, blk_rows, blk):
    i = pl.program_id(0)
    rows = i * blk + lax.broadcasted_iota(jnp.int32, (blk_rows, 1), 0)
    return (rows < limit).astype(jnp.float32)




def _proj_body(n2, blk2, x_ref, w_ref, o_ref):
    xv = jnp.where(_rmask(n2, x_ref.shape[0], blk2) > 0.0, x_ref[...], 0.0)
    o_ref[...] = _mm(xv, w_ref[...])


def _stats_body(n2, blk2, p_ref, a0_ref, a1_ref, b1_ref, w2_ref, b2_ref,
                v_ref, st_ref):
    i = pl.program_id(0)
    u = jnp.maximum(p_ref[...] + a0_ref[...] + a1_ref[...] + b1_ref[...], 0.0)
    v = _mm(u, w2_ref[...]) + b2_ref[...]
    v_ref[...] = v
    vm = v * _rmask(n2, v.shape[0], blk2)
    s = jnp.concatenate([jnp.sum(vm, axis=0, keepdims=True),
                         jnp.sum(vm * vm, axis=0, keepdims=True)], axis=0)

    @pl.when(i == 0)
    def _():
        st_ref[...] = jnp.zeros_like(st_ref)

    st_ref[...] += s


def _bnorm(n, n2, blk2, h, v_ref, st_ref, g_ref, be_ref):
    s = st_ref[...]
    fold = lambda r: r[:, :h] + r[:, h:]
    mean = fold(s[0:1, :]) / n
    var = fold(s[1:2, :]) / n - mean * mean
    inv = lax.rsqrt(var + 1e-5)
    mean2 = jnp.concatenate([mean, mean], axis=1)
    inv2 = jnp.concatenate([inv, inv], axis=1)
    hh = jnp.maximum((v_ref[...] - mean2) * inv2 * g_ref[...] + be_ref[...],
                     0.0)
    return hh * _rmask(n2, v_ref.shape[0], blk2)


def _norm_proj_body(n, n2, blk2, h, v_ref, st_ref, g_ref, be_ref, w1n_ref,
                    o_ref):
    o_ref[...] = _mm(_bnorm(n, n2, blk2, h, v_ref, st_ref, g_ref, be_ref),
                     w1n_ref[...])


def _pool_head_body(n, n2, blk2, h, nb, v_ref, st_ref, g_ref, be_ref,
                    be_e_ref, be_o_ref, wh1_ref, bh1_ref, wh2_ref, bh2_ref,
                    o_ref, hg_ref):
    i = pl.program_id(0)
    hh = _bnorm(n, n2, blk2, h, v_ref, st_ref, g_ref, be_ref)
    gi = lax.broadcasted_iota(jnp.int32, (_G, hh.shape[0]), 0)
    oe = (gi == be_e_ref[0]).astype(jnp.float32)
    oo = (gi == be_o_ref[0]).astype(jnp.float32)
    contrib = _mm(oe, hh)[:, :h] + _mm(oo, hh)[:, h:]

    @pl.when(i == 0)
    def _():
        hg_ref[...] = contrib

    @pl.when(i > 0)
    def _():
        hg_ref[...] += contrib

    @pl.when(i == nb - 1)
    def _():
        t = jnp.maximum(_mm(hg_ref[...], wh1_ref[...]) + bh1_ref[...], 0.0)
        o_ref[...] = _mm(t, wh2_ref[...]) + bh2_ref[...]




def kernel(x, edge_index, batch,
           W1_0, b1_0, W2_0, b2_0, g_0, be_0,
           W1_1, b1_1, W2_1, b2_1, g_1, be_1,
           W1_2, b1_2, W2_2, b2_2, g_2, be_2,
           Wh1, bh1, Wh2, bh2):
    n, d = x.shape
    h = W1_0.shape[1]
    e = edge_index.shape[1]
    c = Wh2.shape[1]

    n_pad = -(-(n + 1) // (_NS * 8)) * (_NS * 8)

    epw, e_rem = divmod(e, _NW)
    ch = next((cc for cc in range(_CHUNK, 7, -8)
               if e_rem == 0 and epw % cc == 0), None)
    if ch is not None:
        edges = edge_index.reshape(2, _NW, epw // ch, ch)
    else:
        ch = _CHUNK
        cpw = -(-e // (_NW * ch))
        npe = _NW * cpw * ch - e
        src_pad = jnp.full((npe,), n, jnp.int32)
        dst_pad = (jnp.arange(npe, dtype=jnp.int32) % (n_pad - n)) + n
        edges = jnp.concatenate(
            [edge_index, jnp.stack([src_pad, dst_pad])],
            axis=1).reshape(2, _NW, cpw, ch)
    n2 = n // 2
    n_pad2 = n_pad // 2
    h2 = 2 * h
    blk2 = _BLK // 2
    nb = n_pad // _BLK
    bp = jnp.pad(batch, (0, n_pad - n), constant_values=-1).reshape(n_pad2, 2)
    batch_e = bp[:, 0].reshape(nb, 1, blk2)
    batch_o = bp[:, 1].reshape(nb, 1, blk2)

    row = lambda a: a.reshape(1, -1)
    tile2 = lambda a: jnp.concatenate([a, a], axis=-1).reshape(1, -1)

    def bdiag(w):
        z = jnp.zeros_like(w)
        return jnp.concatenate(
            [jnp.concatenate([w, z], axis=1),
             jnp.concatenate([z, w], axis=1)], axis=0)

    ws = {
        0: (tile2(b1_0), bdiag(W2_0), tile2(b2_0), tile2(g_0), tile2(be_0)),
        1: (tile2(b1_1), bdiag(W2_1), tile2(b2_1), tile2(g_1), tile2(be_1)),
        2: (tile2(b1_2), bdiag(W2_2), tile2(b2_2), tile2(g_2), tile2(be_2)),
    }

    r2spec = pl.BlockSpec((blk2, h2), lambda i: (i, 0))

    def full(s):
        return pl.BlockSpec(s, lambda i: (0,) * len(s))

    f32 = jnp.float32

    p2 = pl.pallas_call(
        functools.partial(_proj_body, n2, blk2),
        grid=(nb,),
        in_specs=[pl.BlockSpec((blk2, 2 * d), lambda i: (i, 0)),
                  full((2 * d, h2))],
        out_specs=r2spec,
        out_shape=jax.ShapeDtypeStruct((n_pad2, h2), f32),
    )(x.reshape(n2, 2 * d), bdiag(W1_0))

    for i in range(3):
        a0, a1 = _sc_aggregate(p2.reshape(n_pad, h), edges)
        a02 = a0.reshape(n_pad2, h2)
        a12 = a1.reshape(n_pad2, h2)
        b1t, W2bd, b2t, gt, bet = ws[i]
        v2, st = pl.pallas_call(
            functools.partial(_stats_body, n2, blk2),
            grid=(nb,),
            in_specs=[r2spec, r2spec, r2spec, full((1, h2)), full((h2, h2)),
                      full((1, h2))],
            out_specs=[r2spec, full((2, h2))],
            out_shape=[jax.ShapeDtypeStruct((n_pad2, h2), f32),
                       jax.ShapeDtypeStruct((2, h2), f32)],
        )(p2, a02, a12, b1t, W2bd, b2t)
        if i < 2:
            w1nbd = bdiag(W1_1 if i == 0 else W1_2)
            p2 = pl.pallas_call(
                functools.partial(_norm_proj_body, n, n2, blk2, h),
                grid=(nb,),
                in_specs=[r2spec, full((2, h2)), full((1, h2)),
                          full((1, h2)), full((h2, h2))],
                out_specs=r2spec,
                out_shape=jax.ShapeDtypeStruct((n_pad2, h2), f32),
            )(v2, st, gt, bet, w1nbd)
        else:
            out = pl.pallas_call(
                functools.partial(_pool_head_body, n, n2, blk2, h, nb),
                grid=(nb,),
                in_specs=[r2spec, full((2, h2)), full((1, h2)),
                          full((1, h2)),
                          pl.BlockSpec((1, 1, blk2), lambda i: (i, 0, 0)),
                          pl.BlockSpec((1, 1, blk2), lambda i: (i, 0, 0)),
                          full((h, h)), full((1, h)), full((h, c)),
                          full((1, c))],
                out_specs=full((_G, c)),
                out_shape=jax.ShapeDtypeStruct((_G, c), f32),
                scratch_shapes=[pltpu.VMEM((_G, h), f32)],
            )(v2, st, gt, bet, batch_e, batch_o, Wh1, row(bh1), Wh2,
              row(bh2))
    return out

# --- scband reference (transcript-rebuilt; emitter-appended) ---
"""Pipeline reference for scband-ginclassifier-26491358282142 (READ-ONLY COPY).

The authoritative reference and input builder live on the scoring server;
editing this copy changes nothing except your own understanding.
"""

import jax, jax.numpy as jnp
import numpy as np

N = 10000
E = 320000
D = 128
H = 64
C = 10
G = 128


def setup_inputs(seed: int = 0) -> dict:
    key = jax.random.key(seed)
    ks = jax.random.split(key, 30)
    inp = {}
    inp['x'] = jax.random.normal(ks[0], (N, D), dtype=jnp.float32)
    inp['edge_index'] = jax.random.randint(ks[1], (2, E), 0, N, dtype=jnp.int32)
    inp['batch'] = jnp.sort(jax.random.randint(ks[2], (N,), 0, G, dtype=jnp.int32))
    dims = [D, H, H]
    for i in range(3):
        di = dims[i]
        inp['W1_%d' % i] = jax.random.normal(ks[3 + 6 * i], (di, H), dtype=jnp.float32) / np.sqrt(di)
        inp['b1_%d' % i] = jnp.zeros((H,), jnp.float32)
        inp['W2_%d' % i] = jax.random.normal(ks[4 + 6 * i], (H, H), dtype=jnp.float32) / np.sqrt(H)
        inp['b2_%d' % i] = jnp.zeros((H,), jnp.float32)
        inp['g_%d' % i] = jnp.ones((H,), jnp.float32)
        inp['be_%d' % i] = jnp.zeros((H,), jnp.float32)
    inp['Wh1'] = jax.random.normal(ks[25], (H, H), dtype=jnp.float32) / np.sqrt(H)
    inp['bh1'] = jnp.zeros((H,), jnp.float32)
    inp['Wh2'] = jax.random.normal(ks[26], (H, C), dtype=jnp.float32) / np.sqrt(H)
    inp['bh2'] = jnp.zeros((C,), jnp.float32)
    return inp


def reference(x, edge_index, batch,
              W1_0, b1_0, W2_0, b2_0, g_0, be_0,
              W1_1, b1_1, W2_1, b2_1, g_1, be_1,
              W1_2, b1_2, W2_2, b2_2, g_2, be_2,
              Wh1, bh1, Wh2, bh2):
    inp = dict(locals())
    x = inp['x']
    edge_index = inp['edge_index']
    batch = inp['batch']
    src = edge_index[0]
    dst = edge_index[1]
    h = x
    for i in range(3):
        # GINConv with eps=0: out = MLP((1+eps)*x + sum_{j->i} x_j)
        agg = jax.ops.segment_sum(h[src], dst, num_segments=N)
        z = h + agg
        z = jnp.maximum(z @ inp['W1_%d' % i] + inp['b1_%d' % i], 0.0)
        z = z @ inp['W2_%d' % i] + inp['b2_%d' % i]
        # BatchNorm1d (training mode: batch statistics, biased variance)
        mean = jnp.mean(z, axis=0)
        var = jnp.var(z, axis=0)
        z = (z - mean) / jnp.sqrt(var + 1e-5) * inp['g_%d' % i] + inp['be_%d' % i]
        h = jnp.maximum(z, 0.0)
    # global_add_pool over graph ids
    hg = jax.ops.segment_sum(h, batch, num_segments=G)
    out = jnp.maximum(hg @ inp['Wh1'] + inp['bh1'], 0.0) @ inp['Wh2'] + inp['bh2']
    return out

if __name__ == "__main__":
    import jax
    _d = setup_inputs()
    print(jax.jit(kernel)(*tuple(_d.values())))

</pallas_src>

<mosaic_0001>
#map = affine_map<(d0, d1) -> (0, 0)>
#map1 = affine_map<(d0, d1) -> (0, 0, 0, 0)>
module attributes {stable_mosaic.version = 14 : i64} {
  func.func @body(%arg0: i32, %arg1: i32, %arg2: memref<10112x64xf32, #tpu.memory_space<hbm>>, %arg3: memref<2x32x125x80xi32, #tpu.memory_space<hbm>>, %arg4: memref<10112x64xf32, #tpu.memory_space<hbm>>, %arg5: memref<10112x64xf32, #tpu.memory_space<hbm>>, %arg6: memref<125x80xi32, #tpu.memory_space<vmem>>, %arg7: memref<125x80xi32, #tpu.memory_space<vmem>>, %arg8: memref<80x64xf32, #tpu.memory_space<vmem>>, %arg9: memref<80x64xf32, #tpu.memory_space<vmem>>, %arg10: memref<80x64xf32, #tpu.memory_space<vmem>>, %arg11: memref<80x64xf32, #tpu.memory_space<vmem>>, %arg12: memref<80x64xf32, #tpu.memory_space<vmem>>, %arg13: memref<10112x64xf32, #tpu.memory_space<vmem_shared>>, %arg14: memref<10112x64xf32, #tpu.memory_space<vmem_shared>>, %arg15: memref<!tpu.dma_semaphore, #tpu.memory_space<semaphore_mem>>, %arg16: memref<!tpu.dma_semaphore, #tpu.memory_space<semaphore_mem>>, %arg17: memref<!tpu.dma_semaphore, #tpu.memory_space<semaphore_mem>>, %arg18: memref<!tpu.dma_semaphore, #tpu.memory_space<semaphore_mem>>, %arg19: memref<!tpu.dma_semaphore, #tpu.memory_space<semaphore_mem>>) attributes {dimension_semantics = [#tpu.dimension_semantics<core_parallel>, #tpu.dimension_semantics<subcore_parallel>], iteration_bounds = array<i64: 2, 16>, scalar_prefetch = 0 : i64, scratch_operands = 14 : i64, tpu.core_type = #tpu.core_type<sc_vector_subcore>, window_params = [{transform_indices = #map}, {transform_indices = #map1}, {transform_indices = #map}, {transform_indices = #map}]} {
    %mul3A = arith.constant 2 : i32
    %mul3A_0 = arith.muli %arg1, %mul3A : i32
    %add3A = arith.addi %mul3A_0, %arg0 : i32
    %mul3A_1 = arith.constant 632 : i32
    %mul3A_2 = arith.muli %arg1, %mul3A_1 : i32
    %dma_start3A = arith.constant 0 : i32
    %dma_start3A_3 = tpu.memref_slice %arg14[%mul3A_2, %dma_start3A] : memref<10112x64xf32, #tpu.memory_space<vmem_shared>> -> memref<632x64xf32, #tpu.memory_space<vmem_shared>>
    %dma_start3A_4 = arith.constant 0 : i32
    %dma_start3A_5 = tpu.memref_slice %arg2[%mul3A_2, %dma_start3A_4] : memref<10112x64xf32, #tpu.memory_space<hbm>> -> memref<632x64xf32, #tpu.memory_space<hbm>>
    tpu.enqueue_dma source(%dma_start3A_5 : memref<632x64xf32, #tpu.memory_space<hbm>>) target(%dma_start3A_3 : memref<632x64xf32, #tpu.memory_space<vmem_shared>>) target_semaphore(%arg15 : memref<!tpu.dma_semaphore, #tpu.memory_space<semaphore_mem>>)
    %broadcast_in_dim3A = arith.constant 0.000000e+00 : f32
    %broadcast_in_dim3A_6 = vector.broadcast %broadcast_in_dim3A : f32 to vector<16xf32>
    %scan3A = arith.constant 0 : i32
    %scan3A_7 = arith.constant 0 : i32
    %scan3A_8 = arith.constant 80 : i32
    %scan3A_9 = arith.addi %scan3A_7, %scan3A_8 : i32
    %scan3A_10 = arith.constant 1 : i32
    scf.for %scan3A_81 = %scan3A_7 to %scan3A_9 step %scan3A_10  : i32 {
      %swap3A = arith.index_cast %scan3A_81 : i32 to index
      %swap3A_82 = arith.constant 0 : index
      %swap3A_83 = tpu.vector_load %arg8[%swap3A, %swap3A_82] {strides = array<i32>} : memref<80x64xf32, #tpu.memory_space<vmem>>, vector<1x16xf32>,
      %swap3A_84 = vector.shape_cast %swap3A_83 : vector<1x16xf32> to vector<16xf32>
      %swap3A_85 = vector.shape_cast %broadcast_in_dim3A_6 : vector<16xf32> to vector<1x16xf32>
      tpu.vector_store %arg8[%swap3A, %swap3A_82], %swap3A_85 {strides = array<i32>} : memref<80x64xf32, #tpu.memory_space<vmem>>, vector<1x16xf32>,
      %swap3A_86 = arith.index_cast %scan3A_81 : i32 to index
      %swap3A_87 = arith.constant 16 : index
      %swap3A_88 = tpu.vector_load %arg8[%swap3A_86, %swap3A_87] {strides = array<i32>} : memref<80x64xf32, #tpu.memory_space<vmem>>, vector<1x16xf32>,
      %swap3A_89 = vector.shape_cast %swap3A_88 : vector<1x16xf32> to vector<16xf32>
      %swap3A_90 = vector.shape_cast %broadcast_in_dim3A_6 : vector<16xf32> to vector<1x16xf32>
      tpu.vector_store %arg8[%swap3A_86, %swap3A_87], %swap3A_90 {strides = array<i32>} : memref<80x64xf32, #tpu.memory_space<vmem>>, vector<1x16xf32>,
      %swap3A_91 = arith.index_cast %scan3A_81 : i32 to index
      %swap3A_92 = arith.constant 32 : index
      %swap3A_93 = tpu.vector_load %arg8[%swap3A_91, %swap3A_92] {strides = array<i32>} : memref<80x64xf32, #tpu.memory_space<vmem>>, vector<1x16xf32>,
      %swap3A_94 = vector.shape_cast %swap3A_93 : vector<1x16xf32> to vector<16xf32>
      %swap3A_95 = vector.shape_cast %broadcast_in_dim3A_6 : vector<16xf32> to vector<1x16xf32>
      tpu.vector_store %arg8[%swap3A_91, %swap3A_92], %swap3A_95 {strides = array<i32>} : memref<80x64xf32, #tpu.memory_space<vmem>>, vector<1x16xf32>,
      %swap3A_96 = arith.index_cast %scan3A_81 : i32 to index
      %swap3A_97 = arith.constant 48 : index
      %swap3A_98 = tpu.vector_load %arg8[%swap3A_96, %swap3A_97] {strides = array<i32>} : memref<80x64xf32, #tpu.memory_space<vmem>>, vector<1x16xf32>,
      %swap3A_99 = vector.shape_cast %swap3A_98 : vector<1x16xf32> to vector<16xf32>
      %swap3A_100 = vector.shape_cast %broadcast_in_dim3A_6 : vector<16xf32> to vector<1x16xf32>
      tpu.vector_store %arg8[%swap3A_96, %swap3A_97], %swap3A_100 {strides = array<i32>} : memref<80x64xf32, #tpu.memory_space<vmem>>, vector<1x16xf32>,
    }
    %scan3A_11 = arith.constant 80 : i32
    %add3A_12 = arith.constant 0 : i32
    %add3A_13 = arith.addi %mul3A_2, %add3A_12 : i32
    "tpu.region"() ({
      %run_scoped3A_81 = tpu.sem_alloc : memref<!tpu.dma_semaphore, #tpu.memory_space<semaphore_mem>>
      %dma_start3A_82 = arith.constant 0 : i32
      %dma_start3A_83 = tpu.memref_slice %arg13[%add3A_13, %dma_start3A_82] : memref<10112x64xf32, #tpu.memory_space<vmem_shared>> -> memref<80x64xf32, #tpu.memory_space<vmem_shared>>
      %dma_start3A_84 = arith.constant 0 : i32
      %dma_start3A_85 = tpu.memref_slice %arg13[%add3A_13, %dma_start3A_84] : memref<10112x64xf32, #tpu.memory_space<vmem_shared>> -> memref<80x64xf32, #tpu.memory_space<vmem_shared>>
      tpu.enqueue_dma source(%arg8 : memref<80x64xf32, #tpu.memory_space<vmem>>) target(%dma_start3A_85 : memref<80x64xf32, #tpu.memory_space<vmem_shared>>) target_semaphore(%run_scoped3A_81 : memref<!tpu.dma_semaphore, #tpu.memory_space<semaphore_mem>>)
      %dma_wait3A_86 = arith.constant 0 : i32
      %dma_wait3A_87 = tpu.memref_slice %arg13[%add3A_13, %dma_wait3A_86] : memref<10112x64xf32, #tpu.memory_space<vmem_shared>> -> memref<80x64xf32, #tpu.memory_space<vmem_shared>>
      %dma_wait3A_88 = arith.constant 0 : i32
      %dma_wait3A_89 = tpu.memref_slice %arg13[%add3A_13, %dma_wait3A_88] : memref<10112x64xf32, #tpu.memory_space<vmem_shared>> -> memref<80x64xf32, #tpu.memory_space<vmem_shared>>
      tpu.wait_dma2 semaphore(%run_scoped3A_81 : memref<!tpu.dma_semaphore, #tpu.memory_space<semaphore_mem>>) src(%arg8 : memref<80x64xf32, #tpu.memory_space<vmem>>) dst(%dma_wait3A_89 : memref<80x64xf32, #tpu.memory_space<vmem_shared>>)
      tpu.yield
    }) : () -> ()
    %add3A_14 = arith.constant 80 : i32
    %add3A_15 = arith.addi %mul3A_2, %add3A_14 : i32
    "tpu.region"() ({
      %run_scoped3A_81 = tpu.sem_alloc : memref<!tpu.dma_semaphore, #tpu.memory_space<semaphore_mem>>
      %dma_start3A_82 = arith.constant 0 : i32
      %dma_start3A_83 = tpu.memref_slice %arg13[%add3A_15, %dma_start3A_82] : memref<10112x64xf32, #tpu.memory_space<vmem_shared>> -> memref<80x64xf32, #tpu.memory_space<vmem_shared>>
      %dma_start3A_84 = arith.constant 0 : i32
      %dma_start3A_85 = tpu.memref_slice %arg13[%add3A_15, %dma_start3A_84] : memref<10112x64xf32, #tpu.memory_space<vmem_shared>> -> memref<80x64xf32, #tpu.memory_space<vmem_shared>>
      tpu.enqueue_dma source(%arg8 : memref<80x64xf32, #tpu.memory_space<vmem>>) target(%dma_start3A_85 : memref<80x64xf32, #tpu.memory_space<vmem_shared>>) target_semaphore(%run_scoped3A_81 : memref<!tpu.dma_semaphore, #tpu.memory_space<semaphore_mem>>)
      %dma_wait3A_86 = arith.constant 0 : i32
      %dma_wait3A_87 = tpu.memref_slice %arg13[%add3A_15, %dma_wait3A_86] : memref<10112x64xf32, #tpu.memory_space<vmem_shared>> -> memref<80x64xf32, #tpu.memory_space<vmem_shared>>
      %dma_wait3A_88 = arith.constant 0 : i32
      %dma_wait3A_89 = tpu.memref_slice %arg13[%add3A_15, %dma_wait3A_88] : memref<10112x64xf32, #tpu.memory_space<vmem_shared>> -> memref<80x64xf32, #tpu.memory_space<vmem_shared>>
      tpu.wait_dma2 semaphore(%run_scoped3A_81 : memref<!tpu.dma_semaphore, #tpu.memory_space<semaphore_mem>>) src(%arg8 : memref<80x64xf32, #tpu.memory_space<vmem>>) dst(%dma_wait3A_89 : memref<80x64xf32, #tpu.memory_space<vmem_shared>>)
      tpu.yield
    }) : () -> ()
    %add3A_16 = arith.constant 160 : i32
    %add3A_17 = arith.addi %mul3A_2, %add3A_16 : i32
    "tpu.region"() ({
      %run_scoped3A_81 = tpu.sem_alloc : memref<!tpu.dma_semaphore, #tpu.memory_space<semaphore_mem>>
      %dma_start3A_82 = arith.constant 0 : i32
      %dma_start3A_83 = tpu.memref_slice %arg13[%add3A_17, %dma_start3A_82] : memref<10112x64xf32, #tpu.memory_space<vmem_shared>> -> memref<80x64xf32, #tpu.memory_space<vmem_shared>>
      %dma_start3A_84 = arith.constant 0 : i32
      %dma_start3A_85 = tpu.memref_slice %arg13[%add3A_17, %dma_start3A_84] : memref<10112x64xf32, #tpu.memory_space<vmem_shared>> -> memref<80x64xf32, #tpu.memory_space<vmem_shared>>
      tpu.enqueue_dma source(%arg8 : memref<80x64xf32, #tpu.memory_space<vmem>>) target(%dma_start3A_85 : memref<80x64xf32, #tpu.memory_space<vmem_shared>>) target_semaphore(%run_scoped3A_81 : memref<!tpu.dma_semaphore, #tpu.memory_space<semaphore_mem>>)
      %dma_wait3A_86 = arith.constant 0 : i32
      %dma_wait3A_87 = tpu.memref_slice %arg13[%add3A_17, %dma_wait3A_86] : memref<10112x64xf32, #tpu.memory_space<vmem_shared>> -> memref<80x64xf32, #tpu.memory_space<vmem_shared>>
      %dma_wait3A_88 = arith.constant 0 : i32
      %dma_wait3A_89 = tpu.memref_slice %arg13[%add3A_17, %dma_wait3A_88] : memref<10112x64xf32, #tpu.memory_space<vmem_shared>> -> memref<80x64xf32, #tpu.memory_space<vmem_shared>>
      tpu.wait_dma2 semaphore(%run_scoped3A_81 : memref<!tpu.dma_semaphore, #tpu.memory_space<semaphore_mem>>) src(%arg8 : memref<80x64xf32, #tpu.memory_space<vmem>>) dst(%dma_wait3A_89 : memref<80x64xf32, #tpu.memory_space<vmem_shared>>)
      tpu.yield
    }) : () -> ()
    %add3A_18 = arith.constant 240 : i32
    %add3A_19 = arith.addi %mul3A_2, %add3A_18 : i32
    "tpu.region"() ({
      %run_scoped3A_81 = tpu.sem_alloc : memref<!tpu.dma_semaphore, #tpu.memory_space<semaphore_mem>>
      %dma_start3A_82 = arith.constant 0 : i32
      %dma_start3A_83 = tpu.memref_slice %arg13[%add3A_19, %dma_start3A_82] : memref<10112x64xf32, #tpu.memory_space<vmem_shared>> -> memref<80x64xf32, #tpu.memory_space<vmem_shared>>
      %dma_start3A_84 = arith.constant 0 : i32
      %dma_start3A_85 = tpu.memref_slice %arg13[%add3A_19, %dma_start3A_84] : memref<10112x64xf32, #tpu.memory_space<vmem_shared>> -> memref<80x64xf32, #tpu.memory_space<vmem_shared>>
      tpu.enqueue_dma source(%arg8 : memref<80x64xf32, #tpu.memory_space<vmem>>) target(%dma_start3A_85 : memref<80x64xf32, #tpu.memory_space<vmem_shared>>) target_semaphore(%run_scoped3A_81 : memref<!tpu.dma_semaphore, #tpu.memory_space<semaphore_mem>>)
      %dma_wait3A_86 = arith.constant 0 : i32
      %dma_wait3A_87 = tpu.memref_slice %arg13[%add3A_19, %dma_wait3A_86] : memref<10112x64xf32, #tpu.memory_space<vmem_shared>> -> memref<80x64xf32, #tpu.memory_space<vmem_shared>>
      %dma_wait3A_88 = arith.constant 0 : i32
      %dma_wait3A_89 = tpu.memref_slice %arg13[%add3A_19, %dma_wait3A_88] : memref<10112x64xf32, #tpu.memory_space<vmem_shared>> -> memref<80x64xf32, #tpu.memory_space<vmem_shared>>
      tpu.wait_dma2 semaphore(%run_scoped3A_81 : memref<!tpu.dma_semaphore, #tpu.memory_space<semaphore_mem>>) src(%arg8 : memref<80x64xf32, #tpu.memory_space<vmem>>) dst(%dma_wait3A_89 : memref<80x64xf32, #tpu.memory_space<vmem_shared>>)
      tpu.yield
    }) : () -> ()
    %add3A_20 = arith.constant 320 : i32
    %add3A_21 = arith.addi %mul3A_2, %add3A_20 : i32
    "tpu.region"() ({
      %run_scoped3A_81 = tpu.sem_alloc : memref<!tpu.dma_semaphore, #tpu.memory_space<semaphore_mem>>
      %dma_start3A_82 = arith.constant 0 : i32
      %dma_start3A_83 = tpu.memref_slice %arg13[%add3A_21, %dma_start3A_82] : memref<10112x64xf32, #tpu.memory_space<vmem_shared>> -> memref<80x64xf32, #tpu.memory_space<vmem_shared>>
      %dma_start3A_84 = arith.constant 0 : i32
      %dma_start3A_85 = tpu.memref_slice %arg13[%add3A_21, %dma_start3A_84] : memref<10112x64xf32, #tpu.memory_space<vmem_shared>> -> memref<80x64xf32, #tpu.memory_space<vmem_shared>>
      tpu.enqueue_dma source(%arg8 : memref<80x64xf32, #tpu.memory_space<vmem>>) target(%dma_start3A_85 : memref<80x64xf32, #tpu.memory_space<vmem_shared>>) target_semaphore(%run_scoped3A_81 : memref<!tpu.dma_semaphore, #tpu.memory_space<semaphore_mem>>)
      %dma_wait3A_86 = arith.constant 0 : i32
      %dma_wait3A_87 = tpu.memref_slice %arg13[%add3A_21, %dma_wait3A_86] : memref<10112x64xf32, #tpu.memory_space<vmem_shared>> -> memref<80x64xf32, #tpu.memory_space<vmem_shared>>
      %dma_wait3A_88 = arith.constant 0 : i32
      %dma_wait3A_89 = tpu.memref_slice %arg13[%add3A_21, %dma_wait3A_88] : memref<10112x64xf32, #tpu.memory_space<vmem_shared>> -> memref<80x64xf32, #tpu.memory_space<vmem_shared>>
      tpu.wait_dma2 semaphore(%run_scoped3A_81 : memref<!tpu.dma_semaphore, #tpu.memory_space<semaphore_mem>>) src(%arg8 : memref<80x64xf32, #tpu.memory_space<vmem>>) dst(%dma_wait3A_89 : memref<80x64xf32, #tpu.memory_space<vmem_shared>>)
      tpu.yield
    }) : () -> ()
    %add3A_22 = arith.constant 400 : i32
    %add3A_23 = arith.addi %mul3A_2, %add3A_22 : i32
    "tpu.region"() ({
      %run_scoped3A_81 = tpu.sem_alloc : memref<!tpu.dma_semaphore, #tpu.memory_space<semaphore_mem>>
      %dma_start3A_82 = arith.constant 0 : i32
      %dma_start3A_83 = tpu.memref_slice %arg13[%add3A_23, %dma_start3A_82] : memref<10112x64xf32, #tpu.memory_space<vmem_shared>> -> memref<80x64xf32, #tpu.memory_space<vmem_shared>>
      %dma_start3A_84 = arith.constant 0 : i32
      %dma_start3A_85 = tpu.memref_slice %arg13[%add3A_23, %dma_start3A_84] : memref<10112x64xf32, #tpu.memory_space<vmem_shared>> -> memref<80x64xf32, #tpu.memory_space<vmem_shared>>
      tpu.enqueue_dma source(%arg8 : memref<80x64xf32, #tpu.memory_space<vmem>>) target(%dma_start3A_85 : memref<80x64xf32, #tpu.memory_space<vmem_shared>>) target_semaphore(%run_scoped3A_81 : memref<!tpu.dma_semaphore, #tpu.memory_space<semaphore_mem>>)
      %dma_wait3A_86 = arith.constant 0 : i32
      %dma_wait3A_87 = tpu.memref_slice %arg13[%add3A_23, %dma_wait3A_86] : memref<10112x64xf32, #tpu.memory_space<vmem_shared>> -> memref<80x64xf32, #tpu.memory_space<vmem_shared>>
      %dma_wait3A_88 = arith.constant 0 : i32
      %dma_wait3A_89 = tpu.memref_slice %arg13[%add3A_23, %dma_wait3A_88] : memref<10112x64xf32, #tpu.memory_space<vmem_shared>> -> memref<80x64xf32, #tpu.memory_space<vmem_shared>>
      tpu.wait_dma2 semaphore(%run_scoped3A_81 : memref<!tpu.dma_semaphore, #tpu.memory_space<semaphore_mem>>) src(%arg8 : memref<80x64xf32, #tpu.memory_space<vmem>>) dst(%dma_wait3A_89 : memref<80x64xf32, #tpu.memory_space<vmem_shared>>)
      tpu.yield
    }) : () -> ()
    %add3A_24 = arith.constant 480 : i32
    %add3A_25 = arith.addi %mul3A_2, %add3A_24 : i32
    "tpu.region"() ({
      %run_scoped3A_81 = tpu.sem_alloc : memref<!tpu.dma_semaphore, #tpu.memory_space<semaphore_mem>>
      %dma_start3A_82 = arith.constant 0 : i32
      %dma_start3A_83 = tpu.memref_slice %arg13[%add3A_25, %dma_start3A_82] : memref<10112x64xf32, #tpu.memory_space<vmem_shared>> -> memref<80x64xf32, #tpu.memory_space<vmem_shared>>
      %dma_start3A_84 = arith.constant 0 : i32
      %dma_start3A_85 = tpu.memref_slice %arg13[%add3A_25, %dma_start3A_84] : memref<10112x64xf32, #tpu.memory_space<vmem_shared>> -> memref<80x64xf32, #tpu.memory_space<vmem_shared>>
      tpu.enqueue_dma source(%arg8 : memref<80x64xf32, #tpu.memory_space<vmem>>) target(%dma_start3A_85 : memref<80x64xf32, #tpu.memory_space<vmem_shared>>) target_semaphore(%run_scoped3A_81 : memref<!tpu.dma_semaphore, #tpu.memory_space<semaphore_mem>>)
      %dma_wait3A_86 = arith.constant 0 : i32
      %dma_wait3A_87 = tpu.memref_slice %arg13[%add3A_25, %dma_wait3A_86] : memref<10112x64xf32, #tpu.memory_space<vmem_shared>> -> memref<80x64xf32, #tpu.memory_space<vmem_shared>>
      %dma_wait3A_88 = arith.constant 0 : i32
      %dma_wait3A_89 = tpu.memref_slice %arg13[%add3A_25, %dma_wait3A_88] : memref<10112x64xf32, #tpu.memory_space<vmem_shared>> -> memref<80x64xf32, #tpu.memory_space<vmem_shared>>
      tpu.wait_dma2 semaphore(%run_scoped3A_81 : memref<!tpu.dma_semaphore, #tpu.memory_space<semaphore_mem>>) src(%arg8 : memref<80x64xf32, #tpu.memory_space<vmem>>) dst(%dma_wait3A_89 : memref<80x64xf32, #tpu.memory_space<vmem_shared>>)
      tpu.yield
    }) : () -> ()
    %add3A_26 = arith.constant 560 : i32
    %add3A_27 = arith.addi %mul3A_2, %add3A_26 : i32
    "tpu.region"() ({
      %run_scoped3A_81 = tpu.sem_alloc : memref<!tpu.dma_semaphore, #tpu.memory_space<semaphore_mem>>
      %dma_start3A_82 = arith.constant 0 : i32
      %dma_start3A_83 = arith.constant 0 : i32
      %dma_start3A_84 = tpu.memref_slice %arg8[%dma_start3A_82, %dma_start3A_83] : memref<80x64xf32, #tpu.memory_space<vmem>> -> memref<72x64xf32, #tpu.memory_space<vmem>>
      %dma_start3A_85 = arith.constant 0 : i32
      %dma_start3A_86 = tpu.memref_slice %arg13[%add3A_27, %dma_start3A_85] : memref<10112x64xf32, #tpu.memory_space<vmem_shared>> -> memref<72x64xf32, #tpu.memory_space<vmem_shared>>
      %dma_start3A_87 = arith.constant 0 : i32
      %dma_start3A_88 = tpu.memref_slice %arg13[%add3A_27, %dma_start3A_87] : memref<10112x64xf32, #tpu.memory_space<vmem_shared>> -> memref<72x64xf32, #tpu.memory_space<vmem_shared>>
      %dma_start3A_89 = arith.constant 0 : i32
      %dma_start3A_90 = arith.constant 0 : i32
      %dma_start3A_91 = tpu.memref_slice %arg8[%dma_start3A_89, %dma_start3A_90] : memref<80x64xf32, #tpu.memory_space<vmem>> -> memref<72x64xf32, #tpu.memory_space<vmem>>
      tpu.enqueue_dma source(%dma_start3A_91 : memref<72x64xf32, #tpu.memory_space<vmem>>) target(%dma_start3A_88 : memref<72x64xf32, #tpu.memory_space<vmem_shared>>) target_semaphore(%run_scoped3A_81 : memref<!tpu.dma_semaphore, #tpu.memory_space<semaphore_mem>>)
      %dma_wait3A_92 = arith.constant 0 : i32
      %dma_wait3A_93 = arith.constant 0 : i32
      %dma_wait3A_94 = tpu.memref_slice %arg8[%dma_wait3A_92, %dma_wait3A_93] : memref<80x64xf32, #tpu.memory_space<vmem>> -> memref<72x64xf32, #tpu.memory_space<vmem>>
      %dma_wait3A_95 = arith.constant 0 : i32
      %dma_wait3A_96 = tpu.memref_slice %arg13[%add3A_27, %dma_wait3A_95] : memref<10112x64xf32, #tpu.memory_space<vmem_shared>> -> memref<72x64xf32, #tpu.memory_space<vmem_shared>>
      %dma_wait3A_97 = arith.constant 0 : i32
      %dma_wait3A_98 = tpu.memref_slice %arg13[%add3A_27, %dma_wait3A_97] : memref<10112x64xf32, #tpu.memory_space<vmem_shared>> -> memref<72x64xf32, #tpu.memory_space<vmem_shared>>
      %dma_wait3A_99 = arith.constant 0 : i32
      %dma_wait3A_100 = arith.constant 0 : i32
      %dma_wait3A_101 = tpu.memref_slice %arg8[%dma_wait3A_99, %dma_wait3A_100] : memref<80x64xf32, #tpu.memory_space<vmem>> -> memref<72x64xf32, #tpu.memory_space<vmem>>
      tpu.wait_dma2 semaphore(%run_scoped3A_81 : memref<!tpu.dma_semaphore, #tpu.memory_space<semaphore_mem>>) src(%dma_wait3A_101 : memref<72x64xf32, #tpu.memory_space<vmem>>) dst(%dma_wait3A_98 : memref<72x64xf32, #tpu.memory_space<vmem_shared>>)
      tpu.yield
    }) : () -> ()
    %run_scoped3A = arith.constant 0 : i32
    "tpu.region"() ({
      %run_scoped3A_81 = tpu.sem_alloc : memref<!tpu.dma_semaphore, #tpu.memory_space<semaphore_mem>>
      %dma_start3A_82 = arith.constant 0 : i32
      %dma_start3A_83 = arith.constant 0 : i32
      %dma_start3A_84 = tpu.memref_slice %arg3[%run_scoped3A, %add3A, %dma_start3A_82, %dma_start3A_83] : memref<2x32x125x80xi32, #tpu.memory_space<hbm>> -> memref<1x1x125x80xi32, #tpu.memory_space<hbm>>
      %dma_start3A_85 = tpu.memref_squeeze %dma_start3A_84 : memref<1x1x125x80xi32, #tpu.memory_space<hbm>> -> memref<125x80xi32, #tpu.memory_space<hbm>>
      %dma_start3A_86 = arith.constant 0 : i32
      %dma_start3A_87 = arith.constant 0 : i32
      %dma_start3A_88 = tpu.memref_slice %arg3[%run_scoped3A, %add3A, %dma_start3A_86, %dma_start3A_87] : memref<2x32x125x80xi32, #tpu.memory_space<hbm>> -> memref<1x1x125x80xi32, #tpu.memory_space<hbm>>
      %dma_start3A_89 = tpu.memref_squeeze %dma_start3A_88 : memref<1x1x125x80xi32, #tpu.memory_space<hbm>> -> memref<125x80xi32, #tpu.memory_space<hbm>>
      tpu.enqueue_dma source(%dma_start3A_89 : memref<125x80xi32, #tpu.memory_space<hbm>>) target(%arg6 : memref<125x80xi32, #tpu.memory_space<vmem>>) target_semaphore(%run_scoped3A_81 : memref<!tpu.dma_semaphore, #tpu.memory_space<semaphore_mem>>)
      %dma_wait3A_90 = arith.constant 0 : i32
      %dma_wait3A_91 = arith.constant 0 : i32
      %dma_wait3A_92 = tpu.memref_slice %arg3[%run_scoped3A, %add3A, %dma_wait3A_90, %dma_wait3A_91] : memref<2x32x125x80xi32, #tpu.memory_space<hbm>> -> memref<1x1x125x80xi32, #tpu.memory_space<hbm>>
      %dma_wait3A_93 = tpu.memref_squeeze %dma_wait3A_92 : memref<1x1x125x80xi32, #tpu.memory_space<hbm>> -> memref<125x80xi32, #tpu.memory_space<hbm>>
      %dma_wait3A_94 = arith.constant 0 : i32
      %dma_wait3A_95 = arith.constant 0 : i32
      %dma_wait3A_96 = tpu.memref_slice %arg3[%run_scoped3A, %add3A, %dma_wait3A_94, %dma_wait3A_95] : memref<2x32x125x80xi32, #tpu.memory_space<hbm>> -> memref<1x1x125x80xi32, #tpu.memory_space<hbm>>
      %dma_wait3A_97 = tpu.memref_squeeze %dma_wait3A_96 : memref<1x1x125x80xi32, #tpu.memory_space<hbm>> -> memref<125x80xi32, #tpu.memory_space<hbm>>
      tpu.wait_dma2 semaphore(%run_scoped3A_81 : memref<!tpu.dma_semaphore, #tpu.memory_space<semaphore_mem>>) src(%dma_wait3A_97 : memref<125x80xi32, #tpu.memory_space<hbm>>) dst(%arg6 : memref<125x80xi32, #tpu.memory_space<vmem>>)
      tpu.yield
    }) : () -> ()
    %run_scoped3A_28 = arith.constant 1 : i32
    "tpu.region"() ({
      %run_scoped3A_81 = tpu.sem_alloc : memref<!tpu.dma_semaphore, #tpu.memory_space<semaphore_mem>>
      %dma_start3A_82 = arith.constant 0 : i32
      %dma_start3A_83 = arith.constant 0 : i32
      %dma_start3A_84 = tpu.memref_slice %arg3[%run_scoped3A_28, %add3A, %dma_start3A_82, %dma_start3A_83] : memref<2x32x125x80xi32, #tpu.memory_space<hbm>> -> memref<1x1x125x80xi32, #tpu.memory_space<hbm>>
      %dma_start3A_85 = tpu.memref_squeeze %dma_start3A_84 : memref<1x1x125x80xi32, #tpu.memory_space<hbm>> -> memref<125x80xi32, #tpu.memory_space<hbm>>
      %dma_start3A_86 = arith.constant 0 : i32
      %dma_start3A_87 = arith.constant 0 : i32
      %dma_start3A_88 = tpu.memref_slice %arg3[%run_scoped3A_28, %add3A, %dma_start3A_86, %dma_start3A_87] : memref<2x32x125x80xi32, #tpu.memory_space<hbm>> -> memref<1x1x125x80xi32, #tpu.memory_space<hbm>>
      %dma_start3A_89 = tpu.memref_squeeze %dma_start3A_88 : memref<1x1x125x80xi32, #tpu.memory_space<hbm>> -> memref<125x80xi32, #tpu.memory_space<hbm>>
      tpu.enqueue_dma source(%dma_start3A_89 : memref<125x80xi32, #tpu.memory_space<hbm>>) target(%arg7 : memref<125x80xi32, #tpu.memory_space<vmem>>) target_semaphore(%run_scoped3A_81 : memref<!tpu.dma_semaphore, #tpu.memory_space<semaphore_mem>>)
      %dma_wait3A_90 = arith.constant 0 : i32
      %dma_wait3A_91 = arith.constant 0 : i32
      %dma_wait3A_92 = tpu.memref_slice %arg3[%run_scoped3A_28, %add3A, %dma_wait3A_90, %dma_wait3A_91] : memref<2x32x125x80xi32, #tpu.memory_space<hbm>> -> memref<1x1x125x80xi32, #tpu.memory_space<hbm>>
      %dma_wait3A_93 = tpu.memref_squeeze %dma_wait3A_92 : memref<1x1x125x80xi32, #tpu.memory_space<hbm>> -> memref<125x80xi32, #tpu.memory_space<hbm>>
      %dma_wait3A_94 = arith.constant 0 : i32
      %dma_wait3A_95 = arith.constant 0 : i32
      %dma_wait3A_96 = tpu.memref_slice %arg3[%run_scoped3A_28, %add3A, %dma_wait3A_94, %dma_wait3A_95] : memref<2x32x125x80xi32, #tpu.memory_space<hbm>> -> memref<1x1x125x80xi32, #tpu.memory_space<hbm>>
      %dma_wait3A_97 = tpu.memref_squeeze %dma_wait3A_96 : memref<1x1x125x80xi32, #tpu.memory_space<hbm>> -> memref<125x80xi32, #tpu.memory_space<hbm>>
      tpu.wait_dma2 semaphore(%run_scoped3A_81 : memref<!tpu.dma_semaphore, #tpu.memory_space<semaphore_mem>>) src(%dma_wait3A_97 : memref<125x80xi32, #tpu.memory_space<hbm>>) dst(%arg7 : memref<125x80xi32, #tpu.memory_space<vmem>>)
      tpu.yield
    }) : () -> ()
    %dma_wait3A = arith.constant 0 : i32
    %dma_wait3A_29 = tpu.memref_slice %arg14[%mul3A_2, %dma_wait3A] : memref<10112x64xf32, #tpu.memory_space<vmem_shared>> -> memref<632x64xf32, #tpu.memory_space<vmem_shared>>
    %dma_wait3A_30 = arith.constant 0 : i32
    %dma_wait3A_31 = tpu.memref_slice %arg2[%mul3A_2, %dma_wait3A_30] : memref<10112x64xf32, #tpu.memory_space<hbm>> -> memref<632x64xf32, #tpu.memory_space<hbm>>
    tpu.wait_dma2 semaphore(%arg15 : memref<!tpu.dma_semaphore, #tpu.memory_space<semaphore_mem>>) src(%dma_wait3A_31 : memref<632x64xf32, #tpu.memory_space<hbm>>) dst(%dma_wait3A_29 : memref<632x64xf32, #tpu.memory_space<vmem_shared>>)
    %barrier3A = arith.constant 0 : index
    tpu.barrier barrier_id(%barrier3A)
    %dma_start3A_32 = arith.constant 0 : i32
    %dma_start3A_33 = arith.constant 0 : i32
    %dma_start3A_34 = tpu.memref_slice %arg6[%dma_start3A_32, %dma_start3A_33] : memref<125x80xi32, #tpu.memory_space<vmem>> -> memref<1x80xi32, #tpu.memory_space<vmem>>
    %dma_start3A_35 = tpu.memref_squeeze %dma_start3A_34 : memref<1x80xi32, #tpu.memory_space<vmem>> -> memref<80xi32, #tpu.memory_space<vmem>>
    %dma_start3A_36 = arith.constant 0 : i32
    %dma_start3A_37 = arith.constant 0 : i32
    %dma_start3A_38 = tpu.memref_slice %arg14[%dma_start3A_36, %dma_start3A_37] : memref<10112x64xf32, #tpu.memory_space<vmem_shared>> -> memref<10112x64xf32, #tpu.memory_space<vmem_shared>>
    tpu.enqueue_indirect_dma source(%dma_start3A_38 : memref<10112x64xf32, #tpu.memory_space<vmem_shared>>) target(%arg8 : memref<80x64xf32, #tpu.memory_space<vmem>>) offsets(%dma_start3A_35 : memref<80xi32, #tpu.memory_space<vmem>>) semaphore(%arg15 : memref<!tpu.dma_semaphore, #tpu.memory_space<semaphore_mem>>)
    %dma_start3A_39 = arith.constant 1 : i32
    %dma_start3A_40 = arith.constant 0 : i32
    %dma_start3A_41 = tpu.memref_slice %arg6[%dma_start3A_39, %dma_start3A_40] : memref<125x80xi32, #tpu.memory_space<vmem>> -> memref<1x80xi32, #tpu.memory_space<vmem>>
    %dma_start3A_42 = tpu.memref_squeeze %dma_start3A_41 : memref<1x80xi32, #tpu.memory_space<vmem>> -> memref<80xi32, #tpu.memory_space<vmem>>
    %dma_start3A_43 = arith.constant 0 : i32
    %dma_start3A_44 = arith.constant 0 : i32
    %dma_start3A_45 = tpu.memref_slice %arg14[%dma_start3A_43, %dma_start3A_44] : memref<10112x64xf32, #tpu.memory_space<vmem_shared>> -> memref<10112x64xf32, #tpu.memory_space<vmem_shared>>
    tpu.enqueue_indirect_dma source(%dma_start3A_45 : memref<10112x64xf32, #tpu.memory_space<vmem_shared>>) target(%arg9 : memref<80x64xf32, #tpu.memory_space<vmem>>) offsets(%dma_start3A_42 : memref<80xi32, #tpu.memory_space<vmem>>) semaphore(%arg16 : memref<!tpu.dma_semaphore, #tpu.memory_space<semaphore_mem>>)
    %dma_start3A_46 = arith.constant 2 : i32
    %dma_start3A_47 = arith.constant 0 : i32
    %dma_start3A_48 = tpu.memref_slice %arg6[%dma_start3A_46, %dma_start3A_47] : memref<125x80xi32, #tpu.memory_space<vmem>> -> memref<1x80xi32, #tpu.memory_space<vmem>>
    %dma_start3A_49 = tpu.memref_squeeze %dma_start3A_48 : memref<1x80xi32, #tpu.memory_space<vmem>> -> memref<80xi32, #tpu.memory_space<vmem>>
    %dma_start3A_50 = arith.constant 0 : i32
    %dma_start3A_51 = arith.constant 0 : i32
    %dma_start3A_52 = tpu.memref_slice %arg14[%dma_start3A_50, %dma_start3A_51] : memref<10112x64xf32, #tpu.memory_space<vmem_shared>> -> memref<10112x64xf32, #tpu.memory_space<vmem_shared>>
    tpu.enqueue_indirect_dma source(%dma_start3A_52 : memref<10112x64xf32, #tpu.memory_space<vmem_shared>>) target(%arg10 : memref<80x64xf32, #tpu.memory_space<vmem>>) offsets(%dma_start3A_49 : memref<80xi32, #tpu.memory_space<vmem>>) semaphore(%arg17 : memref<!tpu.dma_semaphore, #tpu.memory_space<semaphore_mem>>)
    %dma_start3A_53 = arith.constant 3 : i32
    %dma_start3A_54 = arith.constant 0 : i32
    %dma_start3A_55 = tpu.memref_slice %arg6[%dma_start3A_53, %dma_start3A_54] : memref<125x80xi32, #tpu.memory_space<vmem>> -> memref<1x80xi32, #tpu.memory_space<vmem>>
    %dma_start3A_56 = tpu.memref_squeeze %dma_start3A_55 : memref<1x80xi32, #tpu.memory_space<vmem>> -> memref<80xi32, #tpu.memory_space<vmem>>
    %dma_start3A_57 = arith.constant 0 : i32
    %dma_start3A_58 = arith.constant 0 : i32
    %dma_start3A_59 = tpu.memref_slice %arg14[%dma_start3A_57, %dma_start3A_58] : memref<10112x64xf32, #tpu.memory_space<vmem_shared>> -> memref<10112x64xf32, #tpu.memory_space<vmem_shared>>
    tpu.enqueue_indirect_dma source(%dma_start3A_59 : memref<10112x64xf32, #tpu.memory_space<vmem_shared>>) target(%arg11 : memref<80x64xf32, #tpu.memory_space<vmem>>) offsets(%dma_start3A_56 : memref<80xi32, #tpu.memory_space<vmem>>) semaphore(%arg18 : memref<!tpu.dma_semaphore, #tpu.memory_space<semaphore_mem>>)
    %dma_start3A_60 = arith.constant 4 : i32
    %dma_start3A_61 = arith.constant 0 : i32
    %dma_start3A_62 = tpu.memref_slice %arg6[%dma_start3A_60, %dma_start3A_61] : memref<125x80xi32, #tpu.memory_space<vmem>> -> memref<1x80xi32, #tpu.memory_space<vmem>>
    %dma_start3A_63 = tpu.memref_squeeze %dma_start3A_62 : memref<1x80xi32, #tpu.memory_space<vmem>> -> memref<80xi32, #tpu.memory_space<vmem>>
    %dma_start3A_64 = arith.constant 0 : i32
    %dma_start3A_65 = arith.constant 0 : i32
    %dma_start3A_66 = tpu.memref_slice %arg14[%dma_start3A_64, %dma_start3A_65] : memref<10112x64xf32, #tpu.memory_space<vmem_shared>> -> memref<10112x64xf32, #tpu.memory_space<vmem_shared>>
    tpu.enqueue_indirect_dma source(%dma_start3A_66 : memref<10112x64xf32, #tpu.memory_space<vmem_shared>>) target(%arg12 : memref<80x64xf32, #tpu.memory_space<vmem>>) offsets(%dma_start3A_63 : memref<80xi32, #tpu.memory_space<vmem>>) semaphore(%arg19 : memref<!tpu.dma_semaphore, #tpu.memory_space<semaphore_mem>>)
    %scan3A_67 = arith.constant 0 : i32
    %scan3A_68 = arith.constant 0 : i32
    %scan3A_69 = arith.constant 25 : i32
    %scan3A_70 = arith.addi %scan3A_68, %scan3A_69 : i32
    %scan3A_71 = arith.constant 1 : i32
    scf.for %scan3A_81 = %scan3A_68 to %scan3A_70 step %scan3A_71  : i32 {
      %mul3A_82 = arith.constant 5 : i32
      %mul3A_83 = arith.muli %scan3A_81, %mul3A_82 : i32
      %add3A_84 = arith.constant 0 : i32
      %add3A_85 = arith.addi %mul3A_83, %add3A_84 : i32
      %dma_wait3A_86 = arith.constant 0 : i32
      %dma_wait3A_87 = tpu.memref_slice %arg6[%add3A_85, %dma_wait3A_86] : memref<125x80xi32, #tpu.memory_space<vmem>> -> memref<1x80xi32, #tpu.memory_space<vmem>>
      %dma_wait3A_88 = tpu.memref_squeeze %dma_wait3A_87 : memref<1x80xi32, #tpu.memory_space<vmem>> -> memref<80xi32, #tpu.memory_space<vmem>>
      %dma_wait3A_89 = arith.constant 0 : i32
      %dma_wait3A_90 = arith.constant 0 : i32
      %dma_wait3A_91 = tpu.memref_slice %arg14[%dma_wait3A_89, %dma_wait3A_90] : memref<10112x64xf32, #tpu.memory_space<vmem_shared>> -> memref<10112x64xf32, #tpu.memory_space<vmem_shared>>
      tpu.wait_indirect_dma semaphore(%arg15 : memref<!tpu.dma_semaphore, #tpu.memory_space<semaphore_mem>>) src(%dma_wait3A_91 : memref<10112x64xf32, #tpu.memory_space<vmem_shared>>) dst(%arg8 : memref<80x64xf32, #tpu.memory_space<vmem>>)
      "tpu.region"() ({
        %run_scoped3A_166 = tpu.sem_alloc : memref<!tpu.dma_semaphore, #tpu.memory_space<semaphore_mem>>
        %dma_start3A_167 = arith.constant 0 : i32
        %dma_start3A_168 = tpu.memref_slice %arg7[%add3A_85, %dma_start3A_167] : memref<125x80xi32, #tpu.memory_space<vmem>> -> memref<1x80xi32, #tpu.memory_space<vmem>>
        %dma_start3A_169 = tpu.memref_squeeze %dma_start3A_168 : memref<1x80xi32, #tpu.memory_space<vmem>> -> memref<80xi32, #tpu.memory_space<vmem>>
        %dma_start3A_170 = arith.constant 0 : i32
        %dma_start3A_171 = arith.constant 0 : i32
        %dma_start3A_172 = tpu.memref_slice %arg13[%dma_start3A_170, %dma_start3A_171] : memref<10112x64xf32, #tpu.memory_space<vmem_shared>> -> memref<10112x64xf32, #tpu.memory_space<vmem_shared>>
        tpu.enqueue_indirect_dma source(%arg8 : memref<80x64xf32, #tpu.memory_space<vmem>>) target(%dma_start3A_172 : memref<10112x64xf32, #tpu.memory_space<vmem_shared>>) offsets(%dma_start3A_169 : memref<80xi32, #tpu.memory_space<vmem>>) semaphore(%run_scoped3A_166 : memref<!tpu.dma_semaphore, #tpu.memory_space<semaphore_mem>>) {add = true}
        %dma_wait3A_173 = arith.constant 0 : i32
        %dma_wait3A_174 = tpu.memref_slice %arg7[%add3A_85, %dma_wait3A_173] : memref<125x80xi32, #tpu.memory_space<vmem>> -> memref<1x80xi32, #tpu.memory_space<vmem>>
        %dma_wait3A_175 = tpu.memref_squeeze %dma_wait3A_174 : memref<1x80xi32, #tpu.memory_space<vmem>> -> memref<80xi32, #tpu.memory_space<vmem>>
        %dma_wait3A_176 = arith.constant 0 : i32
        %dma_wait3A_177 = arith.constant 0 : i32
        %dma_wait3A_178 = tpu.memref_slice %arg13[%dma_wait3A_176, %dma_wait3A_177] : memref<10112x64xf32, #tpu.memory_space<vmem_shared>> -> memref<10112x64xf32, #tpu.memory_space<vmem_shared>>
        tpu.wait_indirect_dma semaphore(%run_scoped3A_166 : memref<!tpu.dma_semaphore, #tpu.memory_space<semaphore_mem>>) src(%arg8 : memref<80x64xf32, #tpu.memory_space<vmem>>) dst(%dma_wait3A_178 : memref<10112x64xf32, #tpu.memory_space<vmem_shared>>)
        tpu.yield
      }) : () -> ()
      %add3A_92 = arith.constant 5 : i32
      %add3A_93 = arith.addi %add3A_85, %add3A_92 : i32
      %lt3A = arith.constant 125 : i32
      %lt3A_94 = arith.cmpi slt, %add3A_93, %lt3A : i32
      %convert_element_type3A_95 = arith.extui %lt3A_94 : i1 to i32
      %cond3A_96 = arith.constant 0 : i32
      %cond3A_97 = arith.cmpi ne, %convert_element_type3A_95, %cond3A_96 : i32
      scf.if %cond3A_97 {
        %add3A_166 = arith.constant 5 : i32
        %add3A_167 = arith.addi %add3A_85, %add3A_166 : i32
        %dma_start3A_168 = arith.constant 0 : i32
        %dma_start3A_169 = tpu.memref_slice %arg6[%add3A_167, %dma_start3A_168] : memref<125x80xi32, #tpu.memory_space<vmem>> -> memref<1x80xi32, #tpu.memory_space<vmem>>
        %dma_start3A_170 = tpu.memref_squeeze %dma_start3A_169 : memref<1x80xi32, #tpu.memory_space<vmem>> -> memref<80xi32, #tpu.memory_space<vmem>>
        %dma_start3A_171 = arith.constant 0 : i32
        %dma_start3A_172 = arith.constant 0 : i32
        %dma_start3A_173 = tpu.memref_slice %arg14[%dma_start3A_171, %dma_start3A_172] : memref<10112x64xf32, #tpu.memory_space<vmem_shared>> -> memref<10112x64xf32, #tpu.memory_space<vmem_shared>>
        tpu.enqueue_indirect_dma source(%dma_start3A_173 : memref<10112x64xf32, #tpu.memory_space<vmem_shared>>) target(%arg8 : memref<80x64xf32, #tpu.memory_space<vmem>>) offsets(%dma_start3A_170 : memref<80xi32, #tpu.memory_space<vmem>>) semaphore(%arg15 : memref<!tpu.dma_semaphore, #tpu.memory_space<semaphore_mem>>)
      } else {
      }
      %mul3A_98 = arith.constant 5 : i32
      %mul3A_99 = arith.muli %scan3A_81, %mul3A_98 : i32
      %add3A_100 = arith.constant 1 : i32
      %add3A_101 = arith.addi %mul3A_99, %add3A_100 : i32
      %dma_wait3A_102 = arith.constant 0 : i32
      %dma_wait3A_103 = tpu.memref_slice %arg6[%add3A_101, %dma_wait3A_102] : memref<125x80xi32, #tpu.memory_space<vmem>> -> memref<1x80xi32, #tpu.memory_space<vmem>>
      %dma_wait3A_104 = tpu.memref_squeeze %dma_wait3A_103 : memref<1x80xi32, #tpu.memory_space<vmem>> -> memref<80xi32, #tpu.memory_space<vmem>>
      %dma_wait3A_105 = arith.constant 0 : i32
      %dma_wait3A_106 = arith.constant 0 : i32
      %dma_wait3A_107 = tpu.memref_slice %arg14[%dma_wait3A_105, %dma_wait3A_106] : memref<10112x64xf32, #tpu.memory_space<vmem_shared>> -> memref<10112x64xf32, #tpu.memory_space<vmem_shared>>
      tpu.wait_indirect_dma semaphore(%arg16 : memref<!tpu.dma_semaphore, #tpu.memory_space<semaphore_mem>>) src(%dma_wait3A_107 : memref<10112x64xf32, #tpu.memory_space<vmem_shared>>) dst(%arg9 : memref<80x64xf32, #tpu.memory_space<vmem>>)
      "tpu.region"() ({
        %run_scoped3A_166 = tpu.sem_alloc : memref<!tpu.dma_semaphore, #tpu.memory_space<semaphore_mem>>
        %dma_start3A_167 = arith.constant 0 : i32
        %dma_start3A_168 = tpu.memref_slice %arg7[%add3A_101, %dma_start3A_167] : memref<125x80xi32, #tpu.memory_space<vmem>> -> memref<1x80xi32, #tpu.memory_space<vmem>>
        %dma_start3A_169 = tpu.memref_squeeze %dma_start3A_168 : memref<1x80xi32, #tpu.memory_space<vmem>> -> memref<80xi32, #tpu.memory_space<vmem>>
        %dma_start3A_170 = arith.constant 0 : i32
        %dma_start3A_171 = arith.constant 0 : i32
        %dma_start3A_172 = tpu.memref_slice %arg13[%dma_start3A_170, %dma_start3A_171] : memref<10112x64xf32, #tpu.memory_space<vmem_shared>> -> memref<10112x64xf32, #tpu.memory_space<vmem_shared>>
        tpu.enqueue_indirect_dma source(%arg9 : memref<80x64xf32, #tpu.memory_space<vmem>>) target(%dma_start3A_172 : memref<10112x64xf32, #tpu.memory_space<vmem_shared>>) offsets(%dma_start3A_169 : memref<80xi32, #tpu.memory_space<vmem>>) semaphore(%run_scoped3A_166 : memref<!tpu.dma_semaphore, #tpu.memory_space<semaphore_mem>>) {add = true}
        %dma_wait3A_173 = arith.constant 0 : i32
        %dma_wait3A_174 = tpu.memref_slice %arg7[%add3A_101, %dma_wait3A_173] : memref<125x80xi32, #tpu.memory_space<vmem>> -> memref<1x80xi32, #tpu.memory_space<vmem>>
        %dma_wait3A_175 = tpu.memref_squeeze %dma_wait3A_174 : memref<1x80xi32, #tpu.memory_space<vmem>> -> memref<80xi32, #tpu.memory_space<vmem>>
        %dma_wait3A_176 = arith.constant 0 : i32
        %dma_wait3A_177 = arith.constant 0 : i32
        %dma_wait3A_178 = tpu.memref_slice %arg13[%dma_wait3A_176, %dma_wait3A_177] : memref<10112x64xf32, #tpu.memory_space<vmem_shared>> -> memref<10112x64xf32, #tpu.memory_space<vmem_shared>>
        tpu.wait_indirect_dma semaphore(%run_scoped3A_166 : memref<!tpu.dma_semaphore, #tpu.memory_space<semaphore_mem>>) src(%arg9 : memref<80x64xf32, #tpu.memory_space<vmem>>) dst(%dma_wait3A_178 : memref<10112x64xf32, #tpu.memory_space<vmem_shared>>)
        tpu.yield
      }) : () -> ()
      %add3A_108 = arith.constant 5 : i32
      %add3A_109 = arith.addi %add3A_101, %add3A_108 : i32
      %lt3A_110 = arith.constant 125 : i32
      %lt3A_111 = arith.cmpi slt, %add3A_109, %lt3A_110 : i32
      %convert_element_type3A_112 = arith.extui %lt3A_111 : i1 to i32
      %cond3A_113 = arith.constant 0 : i32
      %cond3A_114 = arith.cmpi ne, %convert_element_type3A_112, %cond3A_113 : i32
      scf.if %cond3A_114 {
        %add3A_166 = arith.constant 5 : i32
        %add3A_167 = arith.addi %add3A_101, %add3A_166 : i32
        %dma_start3A_168 = arith.constant 0 : i32
        %dma_start3A_169 = tpu.memref_slice %arg6[%add3A_167, %dma_start3A_168] : memref<125x80xi32, #tpu.memory_space<vmem>> -> memref<1x80xi32, #tpu.memory_space<vmem>>
        %dma_start3A_170 = tpu.memref_squeeze %dma_start3A_169 : memref<1x80xi32, #tpu.memory_space<vmem>> -> memref<80xi32, #tpu.memory_space<vmem>>
        %dma_start3A_171 = arith.constant 0 : i32
        %dma_start3A_172 = arith.constant 0 : i32
        %dma_start3A_173 = tpu.memref_slice %arg14[%dma_start3A_171, %dma_start3A_172] : memref<10112x64xf32, #tpu.memory_space<vmem_shared>> -> memref<10112x64xf32, #tpu.memory_space<vmem_shared>>
        tpu.enqueue_indirect_dma source(%dma_start3A_173 : memref<10112x64xf32, #tpu.memory_space<vmem_shared>>) target(%arg9 : memref<80x64xf32, #tpu.memory_space<vmem>>) offsets(%dma_start3A_170 : memref<80xi32, #tpu.memory_space<vmem>>) semaphore(%arg16 : memref<!tpu.dma_semaphore, #tpu.memory_space<semaphore_mem>>)
      } else {
      }
      %mul3A_115 = arith.constant 5 : i32
      %mul3A_116 = arith.muli %scan3A_81, %mul3A_115 : i32
      %add3A_117 = arith.constant 2 : i32
      %add3A_118 = arith.addi %mul3A_116, %add3A_117 : i32
      %dma_wait3A_119 = arith.constant 0 : i32
      %dma_wait3A_120 = tpu.memref_slice %arg6[%add3A_118, %dma_wait3A_119] : memref<125x80xi32, #tpu.memory_space<vmem>> -> memref<1x80xi32, #tpu.memory_space<vmem>>
      %dma_wait3A_121 = tpu.memref_squeeze %dma_wait3A_120 : memref<1x80xi32, #tpu.memory_space<vmem>> -> memref<80xi32, #tpu.memory_space<vmem>>
      %dma_wait3A_122 = arith.constant 0 : i32
      %dma_wait3A_123 = arith.constant 0 : i32
      %dma_wait3A_124 = tpu.memref_slice %arg14[%dma_wait3A_122, %dma_wait3A_123] : memref<10112x64xf32, #tpu.memory_space<vmem_shared>> -> memref<10112x64xf32, #tpu.memory_space<vmem_shared>>
      tpu.wait_indirect_dma semaphore(%arg17 : memref<!tpu.dma_semaphore, #tpu.memory_space<semaphore_mem>>) src(%dma_wait3A_124 : memref<10112x64xf32, #tpu.memory_space<vmem_shared>>) dst(%arg10 : memref<80x64xf32, #tpu.memory_space<vmem>>)
      "tpu.region"() ({
        %run_scoped3A_166 = tpu.sem_alloc : memref<!tpu.dma_semaphore, #tpu.memory_space<semaphore_mem>>
        %dma_start3A_167 = arith.constant 0 : i32
        %dma_start3A_168 = tpu.memref_slice %arg7[%add3A_118, %dma_start3A_167] : memref<125x80xi32, #tpu.memory_space<vmem>> -> memref<1x80xi32, #tpu.memory_space<vmem>>
        %dma_start3A_169 = tpu.memref_squeeze %dma_start3A_168 : memref<1x80xi32, #tpu.memory_space<vmem>> -> memref<80xi32, #tpu.memory_space<vmem>>
        %dma_start3A_170 = arith.constant 0 : i32
        %dma_start3A_171 = arith.constant 0 : i32
        %dma_start3A_172 = tpu.memref_slice %arg13[%dma_start3A_170, %dma_start3A_171] : memref<10112x64xf32, #tpu.memory_space<vmem_shared>> -> memref<10112x64xf32, #tpu.memory_space<vmem_shared>>
        tpu.enqueue_indirect_dma source(%arg10 : memref<80x64xf32, #tpu.memory_space<vmem>>) target(%dma_start3A_172 : memref<10112x64xf32, #tpu.memory_space<vmem_shared>>) offsets(%dma_start3A_169 : memref<80xi32, #tpu.memory_space<vmem>>) semaphore(%run_scoped3A_166 : memref<!tpu.dma_semaphore, #tpu.memory_space<semaphore_mem>>) {add = true}
        %dma_wait3A_173 = arith.constant 0 : i32
        %dma_wait3A_174 = tpu.memref_slice %arg7[%add3A_118, %dma_wait3A_173] : memref<125x80xi32, #tpu.memory_space<vmem>> -> memref<1x80xi32, #tpu.memory_space<vmem>>
        %dma_wait3A_175 = tpu.memref_squeeze %dma_wait3A_174 : memref<1x80xi32, #tpu.memory_space<vmem>> -> memref<80xi32, #tpu.memory_space<vmem>>
        %dma_wait3A_176 = arith.constant 0 : i32
        %dma_wait3A_177 = arith.constant 0 : i32
        %dma_wait3A_178 = tpu.memref_slice %arg13[%dma_wait3A_176, %dma_wait3A_177] : memref<10112x64xf32, #tpu.memory_space<vmem_shared>> -> memref<10112x64xf32, #tpu.memory_space<vmem_shared>>
        tpu.wait_indirect_dma semaphore(%run_scoped3A_166 : memref<!tpu.dma_semaphore, #tpu.memory_space<semaphore_mem>>) src(%arg10 : memref<80x64xf32, #tpu.memory_space<vmem>>) dst(%dma_wait3A_178 : memref<10112x64xf32, #tpu.memory_space<vmem_shared>>)
        tpu.yield
      }) : () -> ()
      %add3A_125 = arith.constant 5 : i32
      %add3A_126 = arith.addi %add3A_118, %add3A_125 : i32
      %lt3A_127 = arith.constant 125 : i32
      %lt3A_128 = arith.cmpi slt, %add3A_126, %lt3A_127 : i32
      %convert_element_type3A_129 = arith.extui %lt3A_128 : i1 to i32
      %cond3A_130 = arith.constant 0 : i32
      %cond3A_131 = arith.cmpi ne, %convert_element_type3A_129, %cond3A_130 : i32
      scf.if %cond3A_131 {
        %add3A_166 = arith.constant 5 : i32
        %add3A_167 = arith.addi %add3A_118, %add3A_166 : i32
        %dma_start3A_168 = arith.constant 0 : i32
        %dma_start3A_169 = tpu.memref_slice %arg6[%add3A_167, %dma_start3A_168] : memref<125x80xi32, #tpu.memory_space<vmem>> -> memref<1x80xi32, #tpu.memory_space<vmem>>
        %dma_start3A_170 = tpu.memref_squeeze %dma_start3A_169 : memref<1x80xi32, #tpu.memory_space<vmem>> -> memref<80xi32, #tpu.memory_space<vmem>>
        %dma_start3A_171 = arith.constant 0 : i32
        %dma_start3A_172 = arith.constant 0 : i32
        %dma_start3A_173 = tpu.memref_slice %arg14[%dma_start3A_171, %dma_start3A_172] : memref<10112x64xf32, #tpu.memory_space<vmem_shared>> -> memref<10112x64xf32, #tpu.memory_space<vmem_shared>>
        tpu.enqueue_indirect_dma source(%dma_start3A_173 : memref<10112x64xf32, #tpu.memory_space<vmem_shared>>) target(%arg10 : memref<80x64xf32, #tpu.memory_space<vmem>>) offsets(%dma_start3A_170 : memref<80xi32, #tpu.memory_space<vmem>>) semaphore(%arg17 : memref<!tpu.dma_semaphore, #tpu.memory_space<semaphore_mem>>)
      } else {
      }
      %mul3A_132 = arith.constant 5 : i32
      %mul3A_133 = arith.muli %scan3A_81, %mul3A_132 : i32
      %add3A_134 = arith.constant 3 : i32
      %add3A_135 = arith.addi %mul3A_133, %add3A_134 : i32
      %dma_wait3A_136 = arith.constant 0 : i32
      %dma_wait3A_137 = tpu.memref_slice %arg6[%add3A_135, %dma_wait3A_136] : memref<125x80xi32, #tpu.memory_space<vmem>> -> memref<1x80xi32, #tpu.memory_space<vmem>>
      %dma_wait3A_138 = tpu.memref_squeeze %dma_wait3A_137 : memref<1x80xi32, #tpu.memory_space<vmem>> -> memref<80xi32, #tpu.memory_space<vmem>>
      %dma_wait3A_139 = arith.constant 0 : i32
      %dma_wait3A_140 = arith.constant 0 : i32
      %dma_wait3A_141 = tpu.memref_slice %arg14[%dma_wait3A_139, %dma_wait3A_140] : memref<10112x64xf32, #tpu.memory_space<vmem_shared>> -> memref<10112x64xf32, #tpu.memory_space<vmem_shared>>
      tpu.wait_indirect_dma semaphore(%arg18 : memref<!tpu.dma_semaphore, #tpu.memory_space<semaphore_mem>>) src(%dma_wait3A_141 : memref<10112x64xf32, #tpu.memory_space<vmem_shared>>) dst(%arg11 : memref<80x64xf32, #tpu.memory_space<vmem>>)
      "tpu.region"() ({
        %run_scoped3A_166 = tpu.sem_alloc : memref<!tpu.dma_semaphore, #tpu.memory_space<semaphore_mem>>
        %dma_start3A_167 = arith.constant 0 : i32
        %dma_start3A_168 = tpu.memref_slice %arg7[%add3A_135, %dma_start3A_167] : memref<125x80xi32, #tpu.memory_space<vmem>> -> memref<1x80xi32, #tpu.memory_space<vmem>>
        %dma_start3A_169 = tpu.memref_squeeze %dma_start3A_168 : memref<1x80xi32, #tpu.memory_space<vmem>> -> memref<80xi32, #tpu.memory_space<vmem>>
        %dma_start3A_170 = arith.constant 0 : i32
        %dma_start3A_171 = arith.constant 0 : i32
        %dma_start3A_172 = tpu.memref_slice %arg13[%dma_start3A_170, %dma_start3A_171] : memref<10112x64xf32, #tpu.memory_space<vmem_shared>> -> memref<10112x64xf32, #tpu.memory_space<vmem_shared>>
        tpu.enqueue_indirect_dma source(%arg11 : memref<80x64xf32, #tpu.memory_space<vmem>>) target(%dma_start3A_172 : memref<10112x64xf32, #tpu.memory_space<vmem_shared>>) offsets(%dma_start3A_169 : memref<80xi32, #tpu.memory_space<vmem>>) semaphore(%run_scoped3A_166 : memref<!tpu.dma_semaphore, #tpu.memory_space<semaphore_mem>>) {add = true}
        %dma_wait3A_173 = arith.constant 0 : i32
        %dma_wait3A_174 = tpu.memref_slice %arg7[%add3A_135, %dma_wait3A_173] : memref<125x80xi32, #tpu.memory_space<vmem>> -> memref<1x80xi32, #tpu.memory_space<vmem>>
        %dma_wait3A_175 = tpu.memref_squeeze %dma_wait3A_174 : memref<1x80xi32, #tpu.memory_space<vmem>> -> memref<80xi32, #tpu.memory_space<vmem>>
        %dma_wait3A_176 = arith.constant 0 : i32
        %dma_wait3A_177 = arith.constant 0 : i32
        %dma_wait3A_178 = tpu.memref_slice %arg13[%dma_wait3A_176, %dma_wait3A_177] : memref<10112x64xf32, #tpu.memory_space<vmem_shared>> -> memref<10112x64xf32, #tpu.memory_space<vmem_shared>>
        tpu.wait_indirect_dma semaphore(%run_scoped3A_166 : memref<!tpu.dma_semaphore, #tpu.memory_space<semaphore_mem>>) src(%arg11 : memref<80x64xf32, #tpu.memory_space<vmem>>) dst(%dma_wait3A_178 : memref<10112x64xf32, #tpu.memory_space<vmem_shared>>)
        tpu.yield
      }) : () -> ()
      %add3A_142 = arith.constant 5 : i32
      %add3A_143 = arith.addi %add3A_135, %add3A_142 : i32
      %lt3A_144 = arith.constant 125 : i32
      %lt3A_145 = arith.cmpi slt, %add3A_143, %lt3A_144 : i32
      %convert_element_type3A_146 = arith.extui %lt3A_145 : i1 to i32
      %cond3A_147 = arith.constant 0 : i32
      %cond3A_148 = arith.cmpi ne, %convert_element_type3A_146, %cond3A_147 : i32
      scf.if %cond3A_148 {
        %add3A_166 = arith.constant 5 : i32
        %add3A_167 = arith.addi %add3A_135, %add3A_166 : i32
        %dma_start3A_168 = arith.constant 0 : i32
        %dma_start3A_169 = tpu.memref_slice %arg6[%add3A_167, %dma_start3A_168] : memref<125x80xi32, #tpu.memory_space<vmem>> -> memref<1x80xi32, #tpu.memory_space<vmem>>
        %dma_start3A_170 = tpu.memref_squeeze %dma_start3A_169 : memref<1x80xi32, #tpu.memory_space<vmem>> -> memref<80xi32, #tpu.memory_space<vmem>>
        %dma_start3A_171 = arith.constant 0 : i32
        %dma_start3A_172 = arith.constant 0 : i32
        %dma_start3A_173 = tpu.memref_slice %arg14[%dma_start3A_171, %dma_start3A_172] : memref<10112x64xf32, #tpu.memory_space<vmem_shared>> -> memref<10112x64xf32, #tpu.memory_space<vmem_shared>>
        tpu.enqueue_indirect_dma source(%dma_start3A_173 : memref<10112x64xf32, #tpu.memory_space<vmem_shared>>) target(%arg11 : memref<80x64xf32, #tpu.memory_space<vmem>>) offsets(%dma_start3A_170 : memref<80xi32, #tpu.memory_space<vmem>>) semaphore(%arg18 : memref<!tpu.dma_semaphore, #tpu.memory_space<semaphore_mem>>)
      } else {
      }
      %mul3A_149 = arith.constant 5 : i32
      %mul3A_150 = arith.muli %scan3A_81, %mul3A_149 : i32
      %add3A_151 = arith.constant 4 : i32
      %add3A_152 = arith.addi %mul3A_150, %add3A_151 : i32
      %dma_wait3A_153 = arith.constant 0 : i32
      %dma_wait3A_154 = tpu.memref_slice %arg6[%add3A_152, %dma_wait3A_153] : memref<125x80xi32, #tpu.memory_space<vmem>> -> memref<1x80xi32, #tpu.memory_space<vmem>>
      %dma_wait3A_155 = tpu.memref_squeeze %dma_wait3A_154 : memref<1x80xi32, #tpu.memory_space<vmem>> -> memref<80xi32, #tpu.memory_space<vmem>>
      %dma_wait3A_156 = arith.constant 0 : i32
      %dma_wait3A_157 = arith.constant 0 : i32
      %dma_wait3A_158 = tpu.memref_slice %arg14[%dma_wait3A_156, %dma_wait3A_157] : memref<10112x64xf32, #tpu.memory_space<vmem_shared>> -> memref<10112x64xf32, #tpu.memory_space<vmem_shared>>
      tpu.wait_indirect_dma semaphore(%arg19 : memref<!tpu.dma_semaphore, #tpu.memory_space<semaphore_mem>>) src(%dma_wait3A_158 : memref<10112x64xf32, #tpu.memory_space<vmem_shared>>) dst(%arg12 : memref<80x64xf32, #tpu.memory_space<vmem>>)
      "tpu.region"() ({
        %run_scoped3A_166 = tpu.sem_alloc : memref<!tpu.dma_semaphore, #tpu.memory_space<semaphore_mem>>
        %dma_start3A_167 = arith.constant 0 : i32
        %dma_start3A_168 = tpu.memref_slice %arg7[%add3A_152, %dma_start3A_167] : memref<125x80xi32, #tpu.memory_space<vmem>> -> memref<1x80xi32, #tpu.memory_space<vmem>>
        %dma_start3A_169 = tpu.memref_squeeze %dma_start3A_168 : memref<1x80xi32, #tpu.memory_space<vmem>> -> memref<80xi32, #tpu.memory_space<vmem>>
        %dma_start3A_170 = arith.constant 0 : i32
        %dma_start3A_171 = arith.constant 0 : i32
        %dma_start3A_172 = tpu.memref_slice %arg13[%dma_start3A_170, %dma_start3A_171] : memref<10112x64xf32, #tpu.memory_space<vmem_shared>> -> memref<10112x64xf32, #tpu.memory_space<vmem_shared>>
        tpu.enqueue_indirect_dma source(%arg12 : memref<80x64xf32, #tpu.memory_space<vmem>>) target(%dma_start3A_172 : memref<10112x64xf32, #tpu.memory_space<vmem_shared>>) offsets(%dma_start3A_169 : memref<80xi32, #tpu.memory_space<vmem>>) semaphore(%run_scoped3A_166 : memref<!tpu.dma_semaphore, #tpu.memory_space<semaphore_mem>>) {add = true}
        %dma_wait3A_173 = arith.constant 0 : i32
        %dma_wait3A_174 = tpu.memref_slice %arg7[%add3A_152, %dma_wait3A_173] : memref<125x80xi32, #tpu.memory_space<vmem>> -> memref<1x80xi32, #tpu.memory_space<vmem>>
        %dma_wait3A_175 = tpu.memref_squeeze %dma_wait3A_174 : memref<1x80xi32, #tpu.memory_space<vmem>> -> memref<80xi32, #tpu.memory_space<vmem>>
        %dma_wait3A_176 = arith.constant 0 : i32
        %dma_wait3A_177 = arith.constant 0 : i32
        %dma_wait3A_178 = tpu.memref_slice %arg13[%dma_wait3A_176, %dma_wait3A_177] : memref<10112x64xf32, #tpu.memory_space<vmem_shared>> -> memref<10112x64xf32, #tpu.memory_space<vmem_shared>>
        tpu.wait_indirect_dma semaphore(%run_scoped3A_166 : memref<!tpu.dma_semaphore, #tpu.memory_space<semaphore_mem>>) src(%arg12 : memref<80x64xf32, #tpu.memory_space<vmem>>) dst(%dma_wait3A_178 : memref<10112x64xf32, #tpu.memory_space<vmem_shared>>)
        tpu.yield
      }) : () -> ()
      %add3A_159 = arith.constant 5 : i32
      %add3A_160 = arith.addi %add3A_152, %add3A_159 : i32
      %lt3A_161 = arith.constant 125 : i32
      %lt3A_162 = arith.cmpi slt, %add3A_160, %lt3A_161 : i32
      %convert_element_type3A_163 = arith.extui %lt3A_162 : i1 to i32
      %cond3A_164 = arith.constant 0 : i32
      %cond3A_165 = arith.cmpi ne, %convert_element_type3A_163, %cond3A_164 : i32
      scf.if %cond3A_165 {
        %add3A_166 = arith.constant 5 : i32
        %add3A_167 = arith.addi %add3A_152, %add3A_166 : i32
        %dma_start3A_168 = arith.constant 0 : i32
        %dma_start3A_169 = tpu.memref_slice %arg6[%add3A_167, %dma_start3A_168] : memref<125x80xi32, #tpu.memory_space<vmem>> -> memref<1x80xi32, #tpu.memory_space<vmem>>
        %dma_start3A_170 = tpu.memref_squeeze %dma_start3A_169 : memref<1x80xi32, #tpu.memory_space<vmem>> -> memref<80xi32, #tpu.memory_space<vmem>>
        %dma_start3A_171 = arith.constant 0 : i32
        %dma_start3A_172 = arith.constant 0 : i32
        %dma_start3A_173 = tpu.memref_slice %arg14[%dma_start3A_171, %dma_start3A_172] : memref<10112x64xf32, #tpu.memory_space<vmem_shared>> -> memref<10112x64xf32, #tpu.memory_space<vmem_shared>>
        tpu.enqueue_indirect_dma source(%dma_start3A_173 : memref<10112x64xf32, #tpu.memory_space<vmem_shared>>) target(%arg12 : memref<80x64xf32, #tpu.memory_space<vmem>>) offsets(%dma_start3A_170 : memref<80xi32, #tpu.memory_space<vmem>>) semaphore(%arg19 : memref<!tpu.dma_semaphore, #tpu.memory_space<semaphore_mem>>)
      } else {
      }
    }
    %scan3A_72 = arith.constant 25 : i32
    %barrier3A_73 = arith.constant 0 : index
    tpu.barrier barrier_id(%barrier3A_73)
    %eq3A = arith.constant 0 : i32
    %eq3A_74 = arith.cmpi eq, %arg0, %eq3A : i32
    %convert_element_type3A = arith.extui %eq3A_74 : i1 to i32
    %cond3A = arith.constant 0 : i32
    %cond3A_75 = arith.cmpi ne, %convert_element_type3A, %cond3A : i32
    scf.if %cond3A_75 {
      "tpu.region"() ({
        %run_scoped3A_81 = tpu.sem_alloc : memref<!tpu.dma_semaphore, #tpu.memory_space<semaphore_mem>>
        %dma_start3A_82 = arith.constant 0 : i32
        %dma_start3A_83 = tpu.memref_slice %arg4[%mul3A_2, %dma_start3A_82] : memref<10112x64xf32, #tpu.memory_space<hbm>> -> memref<632x64xf32, #tpu.memory_space<hbm>>
        %dma_start3A_84 = arith.constant 0 : i32
        %dma_start3A_85 = tpu.memref_slice %arg13[%mul3A_2, %dma_start3A_84] : memref<10112x64xf32, #tpu.memory_space<vmem_shared>> -> memref<632x64xf32, #tpu.memory_space<vmem_shared>>
        tpu.enqueue_dma source(%dma_start3A_85 : memref<632x64xf32, #tpu.memory_space<vmem_shared>>) target(%dma_start3A_83 : memref<632x64xf32, #tpu.memory_space<hbm>>) target_semaphore(%run_scoped3A_81 : memref<!tpu.dma_semaphore, #tpu.memory_space<semaphore_mem>>)
        %dma_wait3A_86 = arith.constant 0 : i32
        %dma_wait3A_87 = tpu.memref_slice %arg4[%mul3A_2, %dma_wait3A_86] : memref<10112x64xf32, #tpu.memory_space<hbm>> -> memref<632x64xf32, #tpu.memory_space<hbm>>
        %dma_wait3A_88 = arith.constant 0 : i32
        %dma_wait3A_89 = tpu.memref_slice %arg13[%mul3A_2, %dma_wait3A_88] : memref<10112x64xf32, #tpu.memory_space<vmem_shared>> -> memref<632x64xf32, #tpu.memory_space<vmem_shared>>
        tpu.wait_dma2 semaphore(%run_scoped3A_81 : memref<!tpu.dma_semaphore, #tpu.memory_space<semaphore_mem>>) src(%dma_wait3A_89 : memref<632x64xf32, #tpu.memory_space<vmem_shared>>) dst(%dma_wait3A_87 : memref<632x64xf32, #tpu.memory_space<hbm>>)
        tpu.yield
      }) : () -> ()
    } else {
    }
    %eq3A_76 = arith.constant 1 : i32
    %eq3A_77 = arith.cmpi eq, %arg0, %eq3A_76 : i32
    %convert_element_type3A_78 = arith.extui %eq3A_77 : i1 to i32
    %cond3A_79 = arith.constant 0 : i32
    %cond3A_80 = arith.cmpi ne, %convert_element_type3A_78, %cond3A_79 : i32
    scf.if %cond3A_80 {
      "tpu.region"() ({
        %run_scoped3A_81 = tpu.sem_alloc : memref<!tpu.dma_semaphore, #tpu.memory_space<semaphore_mem>>
        %dma_start3A_82 = arith.constant 0 : i32
        %dma_start3A_83 = tpu.memref_slice %arg5[%mul3A_2, %dma_start3A_82] : memref<10112x64xf32, #tpu.memory_space<hbm>> -> memref<632x64xf32, #tpu.memory_space<hbm>>
        %dma_start3A_84 = arith.constant 0 : i32
        %dma_start3A_85 = tpu.memref_slice %arg13[%mul3A_2, %dma_start3A_84] : memref<10112x64xf32, #tpu.memory_space<vmem_shared>> -> memref<632x64xf32, #tpu.memory_space<vmem_shared>>
        tpu.enqueue_dma source(%dma_start3A_85 : memref<632x64xf32, #tpu.memory_space<vmem_shared>>) target(%dma_start3A_83 : memref<632x64xf32, #tpu.memory_space<hbm>>) target_semaphore(%run_scoped3A_81 : memref<!tpu.dma_semaphore, #tpu.memory_space<semaphore_mem>>)
        %dma_wait3A_86 = arith.constant 0 : i32
        %dma_wait3A_87 = tpu.memref_slice %arg5[%mul3A_2, %dma_wait3A_86] : memref<10112x64xf32, #tpu.memory_space<hbm>> -> memref<632x64xf32, #tpu.memory_space<hbm>>
        %dma_wait3A_88 = arith.constant 0 : i32
        %dma_wait3A_89 = tpu.memref_slice %arg13[%mul3A_2, %dma_wait3A_88] : memref<10112x64xf32, #tpu.memory_space<vmem_shared>> -> memref<632x64xf32, #tpu.memory_space<vmem_shared>>
        tpu.wait_dma2 semaphore(%run_scoped3A_81 : memref<!tpu.dma_semaphore, #tpu.memory_space<semaphore_mem>>) src(%dma_wait3A_89 : memref<632x64xf32, #tpu.memory_space<vmem_shared>>) dst(%dma_wait3A_87 : memref<632x64xf32, #tpu.memory_space<hbm>>)
        tpu.yield
      }) : () -> ()
    } else {
    }
    return
  }
}

#map = affine_map<(d0, d1) -> (0, 0)>
#map1 = affine_map<(d0, d1) -> (0, 0, 0, 0)>
module attributes {stable_mosaic.version = 14 : i64} {
  func.func @body(%arg0: i32, %arg1: i32, %arg2: memref<10112x64xf32, #tpu.memory_space<hbm>>, %arg3: memref<2x32x125x80xi32, #tpu.memory_space<hbm>>, %arg4: memref<10112x64xf32, #tpu.memory_space<hbm>>, %arg5: memref<10112x64xf32, #tpu.memory_space<hbm>>, %arg6: memref<125x80xi32, #tpu.memory_space<vmem>>, %arg7: memref<125x80xi32, #tpu.memory_space<vmem>>, %arg8: memref<80x64xf32, #tpu.memory_space<vmem>>, %arg9: memref<80x64xf32, #tpu.memory_space<vmem>>, %arg10: memref<80x64xf32, #tpu.memory_space<vmem>>, %arg11: memref<80x64xf32, #tpu.memory_space<vmem>>, %arg12: memref<80x64xf32, #tpu.memory_space<vmem>>, %arg13: memref<10112x64xf32, #tpu.memory_space<vmem_shared>>, %arg14: memref<10112x64xf32, #tpu.memory_space<vmem_shared>>, %arg15: memref<!tpu.dma_semaphore, #tpu.memory_space<semaphore_mem>>, %arg16: memref<!tpu.dma_semaphore, #tpu.memory_space<semaphore_mem>>, %arg17: memref<!tpu.dma_semaphore, #tpu.memory_space<semaphore_mem>>, %arg18: memref<!tpu.dma_semaphore, #tpu.memory_space<semaphore_mem>>, %arg19: memref<!tpu.dma_semaphore, #tpu.memory_space<semaphore_mem>>) attributes {dimension_semantics = [#tpu.dimension_semantics<core_parallel>, #tpu.dimension_semantics<subcore_parallel>], iteration_bounds = array<i64: 2, 16>, scalar_prefetch = 0 : i64, scratch_operands = 14 : i64, tpu.core_type = #tpu.core_type<sc_vector_subcore>, window_params = [{transform_indices = #map}, {transform_indices = #map1}, {transform_indices = #map}, {transform_indices = #map}]} {
    %mul3A = arith.constant 2 : i32
    %mul3A_0 = arith.muli %arg1, %mul3A : i32
    %add3A = arith.addi %mul3A_0, %arg0 : i32
    %mul3A_1 = arith.constant 632 : i32
    %mul3A_2 = arith.muli %arg1, %mul3A_1 : i32
    %dma_start3A = arith.constant 0 : i32
    %dma_start3A_3 = tpu.memref_slice %arg14[%mul3A_2, %dma_start3A] : memref<10112x64xf32, #tpu.memory_space<vmem_shared>> -> memref<632x64xf32, #tpu.memory_space<vmem_shared>>
    %dma_start3A_4 = arith.constant 0 : i32
    %dma_start3A_5 = tpu.memref_slice %arg2[%mul3A_2, %dma_start3A_4] : memref<10112x64xf32, #tpu.memory_space<hbm>> -> memref<632x64xf32, #tpu.memory_space<hbm>>
    tpu.enqueue_dma source(%dma_start3A_5 : memref<632x64xf32, #tpu.memory_space<hbm>>) target(%dma_start3A_3 : memref<632x64xf32, #tpu.memory_space<vmem_shared>>) target_semaphore(%arg15 : memref<!tpu.dma_semaphore, #tpu.memory_space<semaphore_mem>>)
    %broadcast_in_dim3A = arith.constant 0.000000e+00 : f32
    %broadcast_in_dim3A_6 = vector.broadcast %broadcast_in_dim3A : f32 to vector<16xf32>
    %scan3A = arith.constant 0 : i32
    %scan3A_7 = arith.constant 0 : i32
    %scan3A_8 = arith.constant 80 : i32
    %scan3A_9 = arith.addi %scan3A_7, %scan3A_8 : i32
    %scan3A_10 = arith.constant 1 : i32
    scf.for %scan3A_81 = %scan3A_7 to %scan3A_9 step %scan3A_10  : i32 {
      %swap3A = arith.index_cast %scan3A_81 : i32 to index
      %swap3A_82 = arith.constant 0 : index
      %swap3A_83 = tpu.vector_load %arg8[%swap3A, %swap3A_82] {strides = array<i32>} : memref<80x64xf32, #tpu.memory_space<vmem>>, vector<1x16xf32>,
      %swap3A_84 = vector.shape_cast %swap3A_83 : vector<1x16xf32> to vector<16xf32>
      %swap3A_85 = vector.shape_cast %broadcast_in_dim3A_6 : vector<16xf32> to vector<1x16xf32>
      tpu.vector_store %arg8[%swap3A, %swap3A_82], %swap3A_85 {strides = array<i32>} : memref<80x64xf32, #tpu.memory_space<vmem>>, vector<1x16xf32>,
      %swap3A_86 = arith.index_cast %scan3A_81 : i32 to index
      %swap3A_87 = arith.constant 16 : index
      %swap3A_88 = tpu.vector_load %arg8[%swap3A_86, %swap3A_87] {strides = array<i32>} : memref<80x64xf32, #tpu.memory_space<vmem>>, vector<1x16xf32>,
      %swap3A_89 = vector.shape_cast %swap3A_88 : vector<1x16xf32> to vector<16xf32>
      %swap3A_90 = vector.shape_cast %broadcast_in_dim3A_6 : vector<16xf32> to vector<1x16xf32>
      tpu.vector_store %arg8[%swap3A_86, %swap3A_87], %swap3A_90 {strides = array<i32>} : memref<80x64xf32, #tpu.memory_space<vmem>>, vector<1x16xf32>,
      %swap3A_91 = arith.index_cast %scan3A_81 : i32 to index
      %swap3A_92 = arith.constant 32 : index
      %swap3A_93 = tpu.vector_load %arg8[%swap3A_91, %swap3A_92] {strides = array<i32>} : memref<80x64xf32, #tpu.memory_space<vmem>>, vector<1x16xf32>,
      %swap3A_94 = vector.shape_cast %swap3A_93 : vector<1x16xf32> to vector<16xf32>
      %swap3A_95 = vector.shape_cast %broadcast_in_dim3A_6 : vector<16xf32> to vector<1x16xf32>
      tpu.vector_store %arg8[%swap3A_91, %swap3A_92], %swap3A_95 {strides = array<i32>} : memref<80x64xf32, #tpu.memory_space<vmem>>, vector<1x16xf32>,
      %swap3A_96 = arith.index_cast %scan3A_81 : i32 to index
      %swap3A_97 = arith.constant 48 : index
      %swap3A_98 = tpu.vector_load %arg8[%swap3A_96, %swap3A_97] {strides = array<i32>} : memref<80x64xf32, #tpu.memory_space<vmem>>, vector<1x16xf32>,
      %swap3A_99 = vector.shape_cast %swap3A_98 : vector<1x16xf32> to vector<16xf32>
      %swap3A_100 = vector.shape_cast %broadcast_in_dim3A_6 : vector<16xf32> to vector<1x16xf32>
      tpu.vector_store %arg8[%swap3A_96, %swap3A_97], %swap3A_100 {strides = array<i32>} : memref<80x64xf32, #tpu.memory_space<vmem>>, vector<1x16xf32>,
    }
    %scan3A_11 = arith.constant 80 : i32
    %add3A_12 = arith.constant 0 : i32
    %add3A_13 = arith.addi %mul3A_2, %add3A_12 : i32
    "tpu.region"() ({
      %run_scoped3A_81 = tpu.sem_alloc : memref<!tpu.dma_semaphore, #tpu.memory_space<semaphore_mem>>
      %dma_start3A_82 = arith.constant 0 : i32
      %dma_start3A_83 = tpu.memref_slice %arg13[%add3A_13, %dma_start3A_82] : memref<10112x64xf32, #tpu.memory_space<vmem_shared>> -> memref<80x64xf32, #tpu.memory_space<vmem_shared>>
      %dma_start3A_84 = arith.constant 0 : i32
      %dma_start3A_85 = tpu.memref_slice %arg13[%add3A_13, %dma_start3A_84] : memref<10112x64xf32, #tpu.memory_space<vmem_shared>> -> memref<80x64xf32, #tpu.memory_space<vmem_shared>>
      tpu.enqueue_dma source(%arg8 : memref<80x64xf32, #tpu.memory_space<vmem>>) target(%dma_start3A_85 : memref<80x64xf32, #tpu.memory_space<vmem_shared>>) target_semaphore(%run_scoped3A_81 : memref<!tpu.dma_semaphore, #tpu.memory_space<semaphore_mem>>)
      %dma_wait3A_86 = arith.constant 0 : i32
      %dma_wait3A_87 = tpu.memref_slice %arg13[%add3A_13, %dma_wait3A_86] : memref<10112x64xf32, #tpu.memory_space<vmem_shared>> -> memref<80x64xf32, #tpu.memory_space<vmem_shared>>
      %dma_wait3A_88 = arith.constant 0 : i32
      %dma_wait3A_89 = tpu.memref_slice %arg13[%add3A_13, %dma_wait3A_88] : memref<10112x64xf32, #tpu.memory_space<vmem_shared>> -> memref<80x64xf32, #tpu.memory_space<vmem_shared>>
      tpu.wait_dma2 semaphore(%run_scoped3A_81 : memref<!tpu.dma_semaphore, #tpu.memory_space<semaphore_mem>>) src(%arg8 : memref<80x64xf32, #tpu.memory_space<vmem>>) dst(%dma_wait3A_89 : memref<80x64xf32, #tpu.memory_space<vmem_shared>>)
      tpu.yield
    }) : () -> ()
    %add3A_14 = arith.constant 80 : i32
    %add3A_15 = arith.addi %mul3A_2, %add3A_14 : i32
    "tpu.region"() ({
      %run_scoped3A_81 = tpu.sem_alloc : memref<!tpu.dma_semaphore, #tpu.memory_space<semaphore_mem>>
      %dma_start3A_82 = arith.constant 0 : i32
      %dma_start3A_83 = tpu.memref_slice %arg13[%add3A_15, %dma_start3A_82] : memref<10112x64xf32, #tpu.memory_space<vmem_shared>> -> memref<80x64xf32, #tpu.memory_space<vmem_shared>>
      %dma_start3A_84 = arith.constant 0 : i32
      %dma_start3A_85 = tpu.memref_slice %arg13[%add3A_15, %dma_start3A_84] : memref<10112x64xf32, #tpu.memory_space<vmem_shared>> -> memref<80x64xf32, #tpu.memory_space<vmem_shared>>
      tpu.enqueue_dma source(%arg8 : memref<80x64xf32, #tpu.memory_space<vmem>>) target(%dma_start3A_85 : memref<80x64xf32, #tpu.memory_space<vmem_shared>>) target_semaphore(%run_scoped3A_81 : memref<!tpu.dma_semaphore, #tpu.memory_space<semaphore_mem>>)
      %dma_wait3A_86 = arith.constant 0 : i32
      %dma_wait3A_87 = tpu.memref_slice %arg13[%add3A_15, %dma_wait3A_86] : memref<10112x64xf32, #tpu.memory_space<vmem_shared>> -> memref<80x64xf32, #tpu.memory_space<vmem_shared>>
      %dma_wait3A_88 = arith.constant 0 : i32
      %dma_wait3A_89 = tpu.memref_slice %arg13[%add3A_15, %dma_wait3A_88] : memref<10112x64xf32, #tpu.memory_space<vmem_shared>> -> memref<80x64xf32, #tpu.memory_space<vmem_shared>>
      tpu.wait_dma2 semaphore(%run_scoped3A_81 : memref<!tpu.dma_semaphore, #tpu.memory_space<semaphore_mem>>) src(%arg8 : memref<80x64xf32, #tpu.memory_space<vmem>>) dst(%dma_wait3A_89 : memref<80x64xf32, #tpu.memory_space<vmem_shared>>)
      tpu.yield
    }) : () -> ()
    %add3A_16 = arith.constant 160 : i32
    %add3A_17 = arith.addi %mul3A_2, %add3A_16 : i32
    "tpu.region"() ({
      %run_scoped3A_81 = tpu.sem_alloc : memref<!tpu.dma_semaphore, #tpu.memory_space<semaphore_mem>>
      %dma_start3A_82 = arith.constant 0 : i32
      %dma_start3A_83 = tpu.memref_slice %arg13[%add3A_17, %dma_start3A_82] : memref<10112x64xf32, #tpu.memory_space<vmem_shared>> -> memref<80x64xf32, #tpu.memory_space<vmem_shared>>
      %dma_start3A_84 = arith.constant 0 : i32
      %dma_start3A_85 = tpu.memref_slice %arg13[%add3A_17, %dma_start3A_84] : memref<10112x64xf32, #tpu.memory_space<vmem_shared>> -> memref<80x64xf32, #tpu.memory_space<vmem_shared>>
      tpu.enqueue_dma source(%arg8 : memref<80x64xf32, #tpu.memory_space<vmem>>) target(%dma_start3A_85 : memref<80x64xf32, #tpu.memory_space<vmem_shared>>) target_semaphore(%run_scoped3A_81 : memref<!tpu.dma_semaphore, #tpu.memory_space<semaphore_mem>>)
      %dma_wait3A_86 = arith.constant 0 : i32
      %dma_wait3A_87 = tpu.memref_slice %arg13[%add3A_17, %dma_wait3A_86] : memref<10112x64xf32, #tpu.memory_space<vmem_shared>> -> memref<80x64xf32, #tpu.memory_space<vmem_shared>>
      %dma_wait3A_88 = arith.constant 0 : i32
      %dma_wait3A_89 = tpu.memref_slice %arg13[%add3A_17, %dma_wait3A_88] : memref<10112x64xf32, #tpu.memory_space<vmem_shared>> -> memref<80x64xf32, #tpu.memory_space<vmem_shared>>
      tpu.wait_dma2 semaphore(%run_scoped3A_81 : memref<!tpu.dma_semaphore, #tpu.memory_space<semaphore_mem>>) src(%arg8 : memref<80x64xf32, #tpu.memory_space<vmem>>) dst(%dma_wait3A_89 : memref<80x64xf32, #tpu.memory_space<vmem_shared>>)
      tpu.yield
    }) : () -> ()
    %add3A_18 = arith.constant 240 : i32
    %add3A_19 = arith.addi %mul3A_2, %add3A_18 : i32
    "tpu.region"() ({
      %run_scoped3A_81 = tpu.sem_alloc : memref<!tpu.dma_semaphore, #tpu.memory_space<semaphore_mem>>
      %dma_start3A_82 = arith.constant 0 : i32
      %dma_start3A_83 = tpu.memref_slice %arg13[%add3A_19, %dma_start3A_82] : memref<10112x64xf32, #tpu.memory_space<vmem_shared>> -> memref<80x64xf32, #tpu.memory_space<vmem_shared>>
      %dma_start3A_84 = arith.constant 0 : i32
      %dma_start3A_85 = tpu.memref_slice %arg13[%add3A_19, %dma_start3A_84] : memref<10112x64xf32, #tpu.memory_space<vmem_shared>> -> memref<80x64xf32, #tpu.memory_space<vmem_shared>>
      tpu.enqueue_dma source(%arg8 : memref<80x64xf32, #tpu.memory_space<vmem>>) target(%dma_start3A_85 : memref<80x64xf32, #tpu.memory_space<vmem_shared>>) target_semaphore(%run_scoped3A_81 : memref<!tpu.dma_semaphore, #tpu.memory_space<semaphore_mem>>)
      %dma_wait3A_86 = arith.constant 0 : i32
      %dma_wait3A_87 = tpu.memref_slice %arg13[%add3A_19, %dma_wait3A_86] : memref<10112x64xf32, #tpu.memory_space<vmem_shared>> -> memref<80x64xf32, #tpu.memory_space<vmem_shared>>
      %dma_wait3A_88 = arith.constant 0 : i32
      %dma_wait3A_89 = tpu.memref_slice %arg13[%add3A_19, %dma_wait3A_88] : memref<10112x64xf32, #tpu.memory_space<vmem_shared>> -> memref<80x64xf32, #tpu.memory_space<vmem_shared>>
      tpu.wait_dma2 semaphore(%run_scoped3A_81 : memref<!tpu.dma_semaphore, #tpu.memory_space<semaphore_mem>>) src(%arg8 : memref<80x64xf32, #tpu.memory_space<vmem>>) dst(%dma_wait3A_89 : memref<80x64xf32, #tpu.memory_space<vmem_shared>>)
      tpu.yield
    }) : () -> ()
    %add3A_20 = arith.constant 320 : i32
    %add3A_21 = arith.addi %mul3A_2, %add3A_20 : i32
    "tpu.region"() ({
      %run_scoped3A_81 = tpu.sem_alloc : memref<!tpu.dma_semaphore, #tpu.memory_space<semaphore_mem>>
      %dma_start3A_82 = arith.constant 0 : i32
      %dma_start3A_83 = tpu.memref_slice %arg13[%add3A_21, %dma_start3A_82] : memref<10112x64xf32, #tpu.memory_space<vmem_shared>> -> memref<80x64xf32, #tpu.memory_space<vmem_shared>>
      %dma_start3A_84 = arith.constant 0 : i32
      %dma_start3A_85 = tpu.memref_slice %arg13[%add3A_21, %dma_start3A_84] : memref<10112x64xf32, #tpu.memory_space<vmem_shared>> -> memref<80x64xf32, #tpu.memory_space<vmem_shared>>
      tpu.enqueue_dma source(%arg8 : memref<80x64xf32, #tpu.memory_space<vmem>>) target(%dma_start3A_85 : memref<80x64xf32, #tpu.memory_space<vmem_shared>>) target_semaphore(%run_scoped3A_81 : memref<!tpu.dma_semaphore, #tpu.memory_space<semaphore_mem>>)
      %dma_wait3A_86 = arith.constant 0 : i32
      %dma_wait3A_87 = tpu.memref_slice %arg13[%add3A_21, %dma_wait3A_86] : memref<10112x64xf32, #tpu.memory_space<vmem_shared>> -> memref<80x64xf32, #tpu.memory_space<vmem_shared>>
      %dma_wait3A_88 = arith.constant 0 : i32
      %dma_wait3A_89 = tpu.memref_slice %arg13[%add3A_21, %dma_wait3A_88] : memref<10112x64xf32, #tpu.memory_space<vmem_shared>> -> memref<80x64xf32, #tpu.memory_space<vmem_shared>>
      tpu.wait_dma2 semaphore(%run_scoped3A_81 : memref<!tpu.dma_semaphore, #tpu.memory_space<semaphore_mem>>) src(%arg8 : memref<80x64xf32, #tpu.memory_space<vmem>>) dst(%dma_wait3A_89 : memref<80x64xf32, #tpu.memory_space<vmem_shared>>)
      tpu.yield
    }) : () -> ()
    %add3A_22 = arith.constant 400 : i32
    %add3A_23 = arith.addi %mul3A_2, %add3A_22 : i32
    "tpu.region"() ({
      %run_scoped3A_81 = tpu.sem_alloc : memref<!tpu.dma_semaphore, #tpu.memory_space<semaphore_mem>>
      %dma_start3A_82 = arith.constant 0 : i32
      %dma_start3A_83 = tpu.memref_slice %arg13[%add3A_23, %dma_start3A_82] : memref<10112x64xf32, #tpu.memory_space<vmem_shared>> -> memref<80x64xf32, #tpu.memory_space<vmem_shared>>
      %dma_start3A_84 = arith.constant 0 : i32
      %dma_start3A_85 = tpu.memref_slice %arg13[%add3A_23, %dma_start3A_84] : memref<10112x64xf32, #tpu.memory_space<vmem_shared>> -> memref<80x64xf32, #tpu.memory_space<vmem_shared>>
      tpu.enqueue_dma source(%arg8 : memref<80x64xf32, #tpu.memory_space<vmem>>) target(%dma_start3A_85 : memref<80x64xf32, #tpu.memory_space<vmem_shared>>) target_semaphore(%run_scoped3A_81 : memref<!tpu.dma_semaphore, #tpu.memory_space<semaphore_mem>>)
      %dma_wait3A_86 = arith.constant 0 : i32
      %dma_wait3A_87 = tpu.memref_slice %arg13[%add3A_23, %dma_wait3A_86] : memref<10112x64xf32, #tpu.memory_space<vmem_shared>> -> memref<80x64xf32, #tpu.memory_space<vmem_shared>>
      %dma_wait3A_88 = arith.constant 0 : i32
      %dma_wait3A_89 = tpu.memref_slice %arg13[%add3A_23, %dma_wait3A_88] : memref<10112x64xf32, #tpu.memory_space<vmem_shared>> -> memref<80x64xf32, #tpu.memory_space<vmem_shared>>
      tpu.wait_dma2 semaphore(%run_scoped3A_81 : memref<!tpu.dma_semaphore, #tpu.memory_space<semaphore_mem>>) src(%arg8 : memref<80x64xf32, #tpu.memory_space<vmem>>) dst(%dma_wait3A_89 : memref<80x64xf32, #tpu.memory_space<vmem_shared>>)
      tpu.yield
    }) : () -> ()
    %add3A_24 = arith.constant 480 : i32
    %add3A_25 = arith.addi %mul3A_2, %add3A_24 : i32
    "tpu.region"() ({
      %run_scoped3A_81 = tpu.sem_alloc : memref<!tpu.dma_semaphore, #tpu.memory_space<semaphore_mem>>
      %dma_start3A_82 = arith.constant 0 : i32
      %dma_start3A_83 = tpu.memref_slice %arg13[%add3A_25, %dma_start3A_82] : memref<10112x64xf32, #tpu.memory_space<vmem_shared>> -> memref<80x64xf32, #tpu.memory_space<vmem_shared>>
      %dma_start3A_84 = arith.constant 0 : i32
      %dma_start3A_85 = tpu.memref_slice %arg13[%add3A_25, %dma_start3A_84] : memref<10112x64xf32, #tpu.memory_space<vmem_shared>> -> memref<80x64xf32, #tpu.memory_space<vmem_shared>>
      tpu.enqueue_dma source(%arg8 : memref<80x64xf32, #tpu.memory_space<vmem>>) target(%dma_start3A_85 : memref<80x64xf32, #tpu.memory_space<vmem_shared>>) target_semaphore(%run_scoped3A_81 : memref<!tpu.dma_semaphore, #tpu.memory_space<semaphore_mem>>)
      %dma_wait3A_86 = arith.constant 0 : i32
      %dma_wait3A_87 = tpu.memref_slice %arg13[%add3A_25, %dma_wait3A_86] : memref<10112x64xf32, #tpu.memory_space<vmem_shared>> -> memref<80x64xf32, #tpu.memory_space<vmem_shared>>
      %dma_wait3A_88 = arith.constant 0 : i32
      %dma_wait3A_89 = tpu.memref_slice %arg13[%add3A_25, %dma_wait3A_88] : memref<10112x64xf32, #tpu.memory_space<vmem_shared>> -> memref<80x64xf32, #tpu.memory_space<vmem_shared>>
      tpu.wait_dma2 semaphore(%run_scoped3A_81 : memref<!tpu.dma_semaphore, #tpu.memory_space<semaphore_mem>>) src(%arg8 : memref<80x64xf32, #tpu.memory_space<vmem>>) dst(%dma_wait3A_89 : memref<80x64xf32, #tpu.memory_space<vmem_shared>>)
      tpu.yield
    }) : () -> ()
    %add3A_26 = arith.constant 560 : i32
    %add3A_27 = arith.addi %mul3A_2, %add3A_26 : i32
    "tpu.region"() ({
      %run_scoped3A_81 = tpu.sem_alloc : memref<!tpu.dma_semaphore, #tpu.memory_space<semaphore_mem>>
      %dma_start3A_82 = arith.constant 0 : i32
      %dma_start3A_83 = arith.constant 0 : i32
      %dma_start3A_84 = tpu.memref_slice %arg8[%dma_start3A_82, %dma_start3A_83] : memref<80x64xf32, #tpu.memory_space<vmem>> -> memref<72x64xf32, #tpu.memory_space<vmem>>
      %dma_start3A_85 = arith.constant 0 : i32
      %dma_start3A_86 = tpu.memref_slice %arg13[%add3A_27, %dma_start3A_85] : memref<10112x64xf32, #tpu.memory_space<vmem_shared>> -> memref<72x64xf32, #tpu.memory_space<vmem_shared>>
      %dma_start3A_87 = arith.constant 0 : i32
      %dma_start3A_88 = tpu.memref_slice %arg13[%add3A_27, %dma_start3A_87] : memref<10112x64xf32, #tpu.memory_space<vmem_shared>> -> memref<72x64xf32, #tpu.memory_space<vmem_shared>>
      %dma_start3A_89 = arith.constant 0 : i32
      %dma_start3A_90 = arith.constant 0 : i32
      %dma_start3A_91 = tpu.memref_slice %arg8[%dma_start3A_89, %dma_start3A_90] : memref<80x64xf32, #tpu.memory_space<vmem>> -> memref<72x64xf32, #tpu.memory_space<vmem>>
      tpu.enqueue_dma source(%dma_start3A_91 : memref<72x64xf32, #tpu.memory_space<vmem>>) target(%dma_start3A_88 : memref<72x64xf32, #tpu.memory_space<vmem_shared>>) target_semaphore(%run_scoped3A_81 : memref<!tpu.dma_semaphore, #tpu.memory_space<semaphore_mem>>)
      %dma_wait3A_92 = arith.constant 0 : i32
      %dma_wait3A_93 = arith.constant 0 : i32
      %dma_wait3A_94 = tpu.memref_slice %arg8[%dma_wait3A_92, %dma_wait3A_93] : memref<80x64xf32, #tpu.memory_space<vmem>> -> memref<72x64xf32, #tpu.memory_space<vmem>>
      %dma_wait3A_95 = arith.constant 0 : i32
      %dma_wait3A_96 = tpu.memref_slice %arg13[%add3A_27, %dma_wait3A_95] : memref<10112x64xf32, #tpu.memory_space<vmem_shared>> -> memref<72x64xf32, #tpu.memory_space<vmem_shared>>
      %dma_wait3A_97 = arith.constant 0 : i32
      %dma_wait3A_98 = tpu.memref_slice %arg13[%add3A_27, %dma_wait3A_97] : memref<10112x64xf32, #tpu.memory_space<vmem_shared>> -> memref<72x64xf32, #tpu.memory_space<vmem_shared>>
      %dma_wait3A_99 = arith.constant 0 : i32
      %dma_wait3A_100 = arith.constant 0 : i32
      %dma_wait3A_101 = tpu.memref_slice %arg8[%dma_wait3A_99, %dma_wait3A_100] : memref<80x64xf32, #tpu.memory_space<vmem>> -> memref<72x64xf32, #tpu.memory_space<vmem>>
      tpu.wait_dma2 semaphore(%run_scoped3A_81 : memref<!tpu.dma_semaphore, #tpu.memory_space<semaphore_mem>>) src(%dma_wait3A_101 : memref<72x64xf32, #tpu.memory_space<vmem>>) dst(%dma_wait3A_98 : memref<72x64xf32, #tpu.memory_space<vmem_shared>>)
      tpu.yield
    }) : () -> ()
    %run_scoped3A = arith.constant 0 : i32
    "tpu.region"() ({
      %run_scoped3A_81 = tpu.sem_alloc : memref<!tpu.dma_semaphore, #tpu.memory_space<semaphore_mem>>
      %dma_start3A_82 = arith.constant 0 : i32
      %dma_start3A_83 = arith.constant 0 : i32
      %dma_start3A_84 = tpu.memref_slice %arg3[%run_scoped3A, %add3A, %dma_start3A_82, %dma_start3A_83] : memref<2x32x125x80xi32, #tpu.memory_space<hbm>> -> memref<1x1x125x80xi32, #tpu.memory_space<hbm>>
      %dma_start3A_85 = tpu.memref_squeeze %dma_start3A_84 : memref<1x1x125x80xi32, #tpu.memory_space<hbm>> -> memref<125x80xi32, #tpu.memory_space<hbm>>
      %dma_start3A_86 = arith.constant 0 : i32
      %dma_start3A_87 = arith.constant 0 : i32
      %dma_start3A_88 = tpu.memref_slice %arg3[%run_scoped3A, %add3A, %dma_start3A_86, %dma_start3A_87] : memref<2x32x125x80xi32, #tpu.memory_space<hbm>> -> memref<1x1x125x80xi32, #tpu.memory_space<hbm>>
      %dma_start3A_89 = tpu.memref_squeeze %dma_start3A_88 : memref<1x1x125x80xi32, #tpu.memory_space<hbm>> -> memref<125x80xi32, #tpu.memory_space<hbm>>
      tpu.enqueue_dma source(%dma_start3A_89 : memref<125x80xi32, #tpu.memory_space<hbm>>) target(%arg6 : memref<125x80xi32, #tpu.memory_space<vmem>>) target_semaphore(%run_scoped3A_81 : memref<!tpu.dma_semaphore, #tpu.memory_space<semaphore_mem>>)
      %dma_wait3A_90 = arith.constant 0 : i32
      %dma_wait3A_91 = arith.constant 0 : i32
      %dma_wait3A_92 = tpu.memref_slice %arg3[%run_scoped3A, %add3A, %dma_wait3A_90, %dma_wait3A_91] : memref<2x32x125x80xi32, #tpu.memory_space<hbm>> -> memref<1x1x125x80xi32, #tpu.memory_space<hbm>>
      %dma_wait3A_93 = tpu.memref_squeeze %dma_wait3A_92 : memref<1x1x125x80xi32, #tpu.memory_space<hbm>> -> memref<125x80xi32, #tpu.memory_space<hbm>>
      %dma_wait3A_94 = arith.constant 0 : i32
      %dma_wait3A_95 = arith.constant 0 : i32
      %dma_wait3A_96 = tpu.memref_slice %arg3[%run_scoped3A, %add3A, %dma_wait3A_94, %dma_wait3A_95] : memref<2x32x125x80xi32, #tpu.memory_space<hbm>> -> memref<1x1x125x80xi32, #tpu.memory_space<hbm>>
      %dma_wait3A_97 = tpu.memref_squeeze %dma_wait3A_96 : memref<1x1x125x80xi32, #tpu.memory_space<hbm>> -> memref<125x80xi32, #tpu.memory_space<hbm>>
      tpu.wait_dma2 semaphore(%run_scoped3A_81 : memref<!tpu.dma_semaphore, #tpu.memory_space<semaphore_mem>>) src(%dma_wait3A_97 : memref<125x80xi32, #tpu.memory_space<hbm>>) dst(%arg6 : memref<125x80xi32, #tpu.memory_space<vmem>>)
      tpu.yield
    }) : () -> ()
    %run_scoped3A_28 = arith.constant 1 : i32
    "tpu.region"() ({
      %run_scoped3A_81 = tpu.sem_alloc : memref<!tpu.dma_semaphore, #tpu.memory_space<semaphore_mem>>
      %dma_start3A_82 = arith.constant 0 : i32
      %dma_start3A_83 = arith.constant 0 : i32
      %dma_start3A_84 = tpu.memref_slice %arg3[%run_scoped3A_28, %add3A, %dma_start3A_82, %dma_start3A_83] : memref<2x32x125x80xi32, #tpu.memory_space<hbm>> -> memref<1x1x125x80xi32, #tpu.memory_space<hbm>>
      %dma_start3A_85 = tpu.memref_squeeze %dma_start3A_84 : memref<1x1x125x80xi32, #tpu.memory_space<hbm>> -> memref<125x80xi32, #tpu.memory_space<hbm>>
      %dma_start3A_86 = arith.constant 0 : i32
      %dma_start3A_87 = arith.constant 0 : i32
      %dma_start3A_88 = tpu.memref_slice %arg3[%run_scoped3A_28, %add3A, %dma_start3A_86, %dma_start3A_87] : memref<2x32x125x80xi32, #tpu.memory_space<hbm>> -> memref<1x1x125x80xi32, #tpu.memory_space<hbm>>
      %dma_start3A_89 = tpu.memref_squeeze %dma_start3A_88 : memref<1x1x125x80xi32, #tpu.memory_space<hbm>> -> memref<125x80xi32, #tpu.memory_space<hbm>>
      tpu.enqueue_dma source(%dma_start3A_89 : memref<125x80xi32, #tpu.memory_space<hbm>>) target(%arg7 : memref<125x80xi32, #tpu.memory_space<vmem>>) target_semaphore(%run_scoped3A_81 : memref<!tpu.dma_semaphore, #tpu.memory_space<semaphore_mem>>)
      %dma_wait3A_90 = arith.constant 0 : i32
      %dma_wait3A_91 = arith.constant 0 : i32
      %dma_wait3A_92 = tpu.memref_slice %arg3[%run_scoped3A_28, %add3A, %dma_wait3A_90, %dma_wait3A_91] : memref<2x32x125x80xi32, #tpu.memory_space<hbm>> -> memref<1x1x125x80xi32, #tpu.memory_space<hbm>>
      %dma_wait3A_93 = tpu.memref_squeeze %dma_wait3A_92 : memref<1x1x125x80xi32, #tpu.memory_space<hbm>> -> memref<125x80xi32, #tpu.memory_space<hbm>>
      %dma_wait3A_94 = arith.constant 0 : i32
      %dma_wait3A_95 = arith.constant 0 : i32
      %dma_wait3A_96 = tpu.memref_slice %arg3[%run_scoped3A_28, %add3A, %dma_wait3A_94, %dma_wait3A_95] : memref<2x32x125x80xi32, #tpu.memory_space<hbm>> -> memref<1x1x125x80xi32, #tpu.memory_space<hbm>>
      %dma_wait3A_97 = tpu.memref_squeeze %dma_wait3A_96 : memref<1x1x125x80xi32, #tpu.memory_space<hbm>> -> memref<125x80xi32, #tpu.memory_space<hbm>>
      tpu.wait_dma2 semaphore(%run_scoped3A_81 : memref<!tpu.dma_semaphore, #tpu.memory_space<semaphore_mem>>) src(%dma_wait3A_97 : memref<125x80xi32, #tpu.memory_space<hbm>>) dst(%arg7 : memref<125x80xi32, #tpu.memory_space<vmem>>)
      tpu.yield
    }) : () -> ()
    %dma_wait3A = arith.constant 0 : i32
    %dma_wait3A_29 = tpu.memref_slice %arg14[%mul3A_2, %dma_wait3A] : memref<10112x64xf32, #tpu.memory_space<vmem_shared>> -> memref<632x64xf32, #tpu.memory_space<vmem_shared>>
    %dma_wait3A_30 = arith.constant 0 : i32
    %dma_wait3A_31 = tpu.memref_slice %arg2[%mul3A_2, %dma_wait3A_30] : memref<10112x64xf32, #tpu.memory_space<hbm>> -> memref<632x64xf32, #tpu.memory_space<hbm>>
    tpu.wait_dma2 semaphore(%arg15 : memref<!tpu.dma_semaphore, #tpu.memory_space<semaphore_mem>>) src(%dma_wait3A_31 : memref<632x64xf32, #tpu.memory_space<hbm>>) dst(%dma_wait3A_29 : memref<632x64xf32, #tpu.memory_space<vmem_shared>>)
    %barrier3A = arith.constant 0 : index
    tpu.barrier barrier_id(%barrier3A)
    %dma_start3A_32 = arith.constant 0 : i32
    %dma_start3A_33 = arith.constant 0 : i32
    %dma_start3A_34 = tpu.memref_slice %arg6[%dma_start3A_32, %dma_start3A_33] : memref<125x80xi32, #tpu.memory_space<vmem>> -> memref<1x80xi32, #tpu.memory_space<vmem>>
    %dma_start3A_35 = tpu.memref_squeeze %dma_start3A_34 : memref<1x80xi32, #tpu.memory_space<vmem>> -> memref<80xi32, #tpu.memory_space<vmem>>
    %dma_start3A_36 = arith.constant 0 : i32
    %dma_start3A_37 = arith.constant 0 : i32
    %dma_start3A_38 = tpu.memref_slice %arg14[%dma_start3A_36, %dma_start3A_37] : memref<10112x64xf32, #tpu.memory_space<vmem_shared>> -> memref<10112x64xf32, #tpu.memory_space<vmem_shared>>
    tpu.enqueue_indirect_dma source(%dma_start3A_38 : memref<10112x64xf32, #tpu.memory_space<vmem_shared>>) target(%arg8 : memref<80x64xf32, #tpu.memory_space<vmem>>) offsets(%dma_start3A_35 : memref<80xi32, #tpu.memory_space<vmem>>) semaphore(%arg15 : memref<!tpu.dma_semaphore, #tpu.memory_space<semaphore_mem>>)
    %dma_start3A_39 = arith.constant 1 : i32
    %dma_start3A_40 = arith.constant 0 : i32
    %dma_start3A_41 = tpu.memref_slice %arg6[%dma_start3A_39, %dma_start3A_40] : memref<125x80xi32, #tpu.memory_space<vmem>> -> memref<1x80xi32, #tpu.memory_space<vmem>>
    %dma_start3A_42 = tpu.memref_squeeze %dma_start3A_41 : memref<1x80xi32, #tpu.memory_space<vmem>> -> memref<80xi32, #tpu.memory_space<vmem>>
    %dma_start3A_43 = arith.constant 0 : i32
    %dma_start3A_44 = arith.constant 0 : i32
    %dma_start3A_45 = tpu.memref_slice %arg14[%dma_start3A_43, %dma_start3A_44] : memref<10112x64xf32, #tpu.memory_space<vmem_shared>> -> memref<10112x64xf32, #tpu.memory_space<vmem_shared>>
    tpu.enqueue_indirect_dma source(%dma_start3A_45 : memref<10112x64xf32, #tpu.memory_space<vmem_shared>>) target(%arg9 : memref<80x64xf32, #tpu.memory_space<vmem>>) offsets(%dma_start3A_42 : memref<80xi32, #tpu.memory_space<vmem>>) semaphore(%arg16 : memref<!tpu.dma_semaphore, #tpu.memory_space<semaphore_mem>>)
    %dma_start3A_46 = arith.constant 2 : i32
    %dma_start3A_47 = arith.constant 0 : i32
    %dma_start3A_48 = tpu.memref_slice %arg6[%dma_start3A_46, %dma_start3A_47] : memref<125x80xi32, #tpu.memory_space<vmem>> -> memref<1x80xi32, #tpu.memory_space<vmem>>
    %dma_start3A_49 = tpu.memref_squeeze %dma_start3A_48 : memref<1x80xi32, #tpu.memory_space<vmem>> -> memref<80xi32, #tpu.memory_space<vmem>>
    %dma_start3A_50 = arith.constant 0 : i32
    %dma_start3A_51 = arith.constant 0 : i32
    %dma_start3A_52 = tpu.memref_slice %arg14[%dma_start3A_50, %dma_start3A_51] : memref<10112x64xf32, #tpu.memory_space<vmem_shared>> -> memref<10112x64xf32, #tpu.memory_space<vmem_shared>>
    tpu.enqueue_indirect_dma source(%dma_start3A_52 : memref<10112x64xf32, #tpu.memory_space<vmem_shared>>) target(%arg10 : memref<80x64xf32, #tpu.memory_space<vmem>>) offsets(%dma_start3A_49 : memref<80xi32, #tpu.memory_space<vmem>>) semaphore(%arg17 : memref<!tpu.dma_semaphore, #tpu.memory_space<semaphore_mem>>)
    %dma_start3A_53 = arith.constant 3 : i32
    %dma_start3A_54 = arith.constant 0 : i32
    %dma_start3A_55 = tpu.memref_slice %arg6[%dma_start3A_53, %dma_start3A_54] : memref<125x80xi32, #tpu.memory_space<vmem>> -> memref<1x80xi32, #tpu.memory_space<vmem>>
    %dma_start3A_56 = tpu.memref_squeeze %dma_start3A_55 : memref<1x80xi32, #tpu.memory_space<vmem>> -> memref<80xi32, #tpu.memory_space<vmem>>
    %dma_start3A_57 = arith.constant 0 : i32
    %dma_start3A_58 = arith.constant 0 : i32
    %dma_start3A_59 = tpu.memref_slice %arg14[%dma_start3A_57, %dma_start3A_58] : memref<10112x64xf32, #tpu.memory_space<vmem_shared>> -> memref<10112x64xf32, #tpu.memory_space<vmem_shared>>
    tpu.enqueue_indirect_dma source(%dma_start3A_59 : memref<10112x64xf32, #tpu.memory_space<vmem_shared>>) target(%arg11 : memref<80x64xf32, #tpu.memory_space<vmem>>) offsets(%dma_start3A_56 : memref<80xi32, #tpu.memory_space<vmem>>) semaphore(%arg18 : memref<!tpu.dma_semaphore, #tpu.memory_space<semaphore_mem>>)
    %dma_start3A_60 = arith.constant 4 : i32
    %dma_start3A_61 = arith.constant 0 : i32
    %dma_start3A_62 = tpu.memref_slice %arg6[%dma_start3A_60, %dma_start3A_61] : memref<125x80xi32, #tpu.memory_space<vmem>> -> memref<1x80xi32, #tpu.memory_space<vmem>>
    %dma_start3A_63 = tpu.memref_squeeze %dma_start3A_62 : memref<1x80xi32, #tpu.memory_space<vmem>> -> memref<80xi32, #tpu.memory_space<vmem>>
    %dma_start3A_64 = arith.constant 0 : i32
    %dma_start3A_65 = arith.constant 0 : i32
    %dma_start3A_66 = tpu.memref_slice %arg14[%dma_start3A_64, %dma_start3A_65] : memref<10112x64xf32, #tpu.memory_space<vmem_shared>> -> memref<10112x64xf32, #tpu.memory_space<vmem_shared>>
    tpu.enqueue_indirect_dma source(%dma_start3A_66 : memref<10112x64xf32, #tpu.memory_space<vmem_shared>>) target(%arg12 : memref<80x64xf32, #tpu.memory_space<vmem>>) offsets(%dma_start3A_63 : memref<80xi32, #tpu.memory_space<vmem>>) semaphore(%arg19 : memref<!tpu.dma_semaphore, #tpu.memory_space<semaphore_mem>>)
    %scan3A_67 = arith.constant 0 : i32
    %scan3A_68 = arith.constant 0 : i32
    %scan3A_69 = arith.constant 25 : i32
    %scan3A_70 = arith.addi %scan3A_68, %scan3A_69 : i32
    %scan3A_71 = arith.constant 1 : i32
    scf.for %scan3A_81 = %scan3A_68 to %scan3A_70 step %scan3A_71  : i32 {
      %mul3A_82 = arith.constant 5 : i32
      %mul3A_83 = arith.muli %scan3A_81, %mul3A_82 : i32
      %add3A_84 = arith.constant 0 : i32
      %add3A_85 = arith.addi %mul3A_83, %add3A_84 : i32
      %dma_wait3A_86 = arith.constant 0 : i32
      %dma_wait3A_87 = tpu.memref_slice %arg6[%add3A_85, %dma_wait3A_86] : memref<125x80xi32, #tpu.memory_space<vmem>> -> memref<1x80xi32, #tpu.memory_space<vmem>>
      %dma_wait3A_88 = tpu.memref_squeeze %dma_wait3A_87 : memref<1x80xi32, #tpu.memory_space<vmem>> -> memref<80xi32, #tpu.memory_space<vmem>>
      %dma_wait3A_89 = arith.constant 0 : i32
      %dma_wait3A_90 = arith.constant 0 : i32
      %dma_wait3A_91 = tpu.memref_slice %arg14[%dma_wait3A_89, %dma_wait3A_90] : memref<10112x64xf32, #tpu.memory_space<vmem_shared>> -> memref<10112x64xf32, #tpu.memory_space<vmem_shared>>
      tpu.wait_indirect_dma semaphore(%arg15 : memref<!tpu.dma_semaphore, #tpu.memory_space<semaphore_mem>>) src(%dma_wait3A_91 : memref<10112x64xf32, #tpu.memory_space<vmem_shared>>) dst(%arg8 : memref<80x64xf32, #tpu.memory_space<vmem>>)
      "tpu.region"() ({
        %run_scoped3A_166 = tpu.sem_alloc : memref<!tpu.dma_semaphore, #tpu.memory_space<semaphore_mem>>
        %dma_start3A_167 = arith.constant 0 : i32
        %dma_start3A_168 = tpu.memref_slice %arg7[%add3A_85, %dma_start3A_167] : memref<125x80xi32, #tpu.memory_space<vmem>> -> memref<1x80xi32, #tpu.memory_space<vmem>>
        %dma_start3A_169 = tpu.memref_squeeze %dma_start3A_168 : memref<1x80xi32, #tpu.memory_space<vmem>> -> memref<80xi32, #tpu.memory_space<vmem>>
        %dma_start3A_170 = arith.constant 0 : i32
        %dma_start3A_171 = arith.constant 0 : i32
        %dma_start3A_172 = tpu.memref_slice %arg13[%dma_start3A_170, %dma_start3A_171] : memref<10112x64xf32, #tpu.memory_space<vmem_shared>> -> memref<10112x64xf32, #tpu.memory_space<vmem_shared>>
        tpu.enqueue_indirect_dma source(%arg8 : memref<80x64xf32, #tpu.memory_space<vmem>>) target(%dma_start3A_172 : memref<10112x64xf32, #tpu.memory_space<vmem_shared>>) offsets(%dma_start3A_169 : memref<80xi32, #tpu.memory_space<vmem>>) semaphore(%run_scoped3A_166 : memref<!tpu.dma_semaphore, #tpu.memory_space<semaphore_mem>>) {add = true}
        %dma_wait3A_173 = arith.constant 0 : i32
        %dma_wait3A_174 = tpu.memref_slice %arg7[%add3A_85, %dma_wait3A_173] : memref<125x80xi32, #tpu.memory_space<vmem>> -> memref<1x80xi32, #tpu.memory_space<vmem>>
        %dma_wait3A_175 = tpu.memref_squeeze %dma_wait3A_174 : memref<1x80xi32, #tpu.memory_space<vmem>> -> memref<80xi32, #tpu.memory_space<vmem>>
        %dma_wait3A_176 = arith.constant 0 : i32
        %dma_wait3A_177 = arith.constant 0 : i32
        %dma_wait3A_178 = tpu.memref_slice %arg13[%dma_wait3A_176, %dma_wait3A_177] : memref<10112x64xf32, #tpu.memory_space<vmem_shared>> -> memref<10112x64xf32, #tpu.memory_space<vmem_shared>>
        tpu.wait_indirect_dma semaphore(%run_scoped3A_166 : memref<!tpu.dma_semaphore, #tpu.memory_space<semaphore_mem>>) src(%arg8 : memref<80x64xf32, #tpu.memory_space<vmem>>) dst(%dma_wait3A_178 : memref<10112x64xf32, #tpu.memory_space<vmem_shared>>)
        tpu.yield
      }) : () -> ()
      %add3A_92 = arith.constant 5 : i32
      %add3A_93 = arith.addi %add3A_85, %add3A_92 : i32
      %lt3A = arith.constant 125 : i32
      %lt3A_94 = arith.cmpi slt, %add3A_93, %lt3A : i32
      %convert_element_type3A_95 = arith.extui %lt3A_94 : i1 to i32
      %cond3A_96 = arith.constant 0 : i32
      %cond3A_97 = arith.cmpi ne, %convert_element_type3A_95, %cond3A_96 : i32
      scf.if %cond3A_97 {
        %add3A_166 = arith.constant 5 : i32
        %add3A_167 = arith.addi %add3A_85, %add3A_166 : i32
        %dma_start3A_168 = arith.constant 0 : i32
        %dma_start3A_169 = tpu.memref_slice %arg6[%add3A_167, %dma_start3A_168] : memref<125x80xi32, #tpu.memory_space<vmem>> -> memref<1x80xi32, #tpu.memory_space<vmem>>
        %dma_start3A_170 = tpu.memref_squeeze %dma_start3A_169 : memref<1x80xi32, #tpu.memory_space<vmem>> -> memref<80xi32, #tpu.memory_space<vmem>>
        %dma_start3A_171 = arith.constant 0 : i32
        %dma_start3A_172 = arith.constant 0 : i32
        %dma_start3A_173 = tpu.memref_slice %arg14[%dma_start3A_171, %dma_start3A_172] : memref<10112x64xf32, #tpu.memory_space<vmem_shared>> -> memref<10112x64xf32, #tpu.memory_space<vmem_shared>>
        tpu.enqueue_indirect_dma source(%dma_start3A_173 : memref<10112x64xf32, #tpu.memory_space<vmem_shared>>) target(%arg8 : memref<80x64xf32, #tpu.memory_space<vmem>>) offsets(%dma_start3A_170 : memref<80xi32, #tpu.memory_space<vmem>>) semaphore(%arg15 : memref<!tpu.dma_semaphore, #tpu.memory_space<semaphore_mem>>)
      } else {
      }
      %mul3A_98 = arith.constant 5 : i32
      %mul3A_99 = arith.muli %scan3A_81, %mul3A_98 : i32
      %add3A_100 = arith.constant 1 : i32
      %add3A_101 = arith.addi %mul3A_99, %add3A_100 : i32
      %dma_wait3A_102 = arith.constant 0 : i32
      %dma_wait3A_103 = tpu.memref_slice %arg6[%add3A_101, %dma_wait3A_102] : memref<125x80xi32, #tpu.memory_space<vmem>> -> memref<1x80xi32, #tpu.memory_space<vmem>>
      %dma_wait3A_104 = tpu.memref_squeeze %dma_wait3A_103 : memref<1x80xi32, #tpu.memory_space<vmem>> -> memref<80xi32, #tpu.memory_space<vmem>>
      %dma_wait3A_105 = arith.constant 0 : i32
      %dma_wait3A_106 = arith.constant 0 : i32
      %dma_wait3A_107 = tpu.memref_slice %arg14[%dma_wait3A_105, %dma_wait3A_106] : memref<10112x64xf32, #tpu.memory_space<vmem_shared>> -> memref<10112x64xf32, #tpu.memory_space<vmem_shared>>
      tpu.wait_indirect_dma semaphore(%arg16 : memref<!tpu.dma_semaphore, #tpu.memory_space<semaphore_mem>>) src(%dma_wait3A_107 : memref<10112x64xf32, #tpu.memory_space<vmem_shared>>) dst(%arg9 : memref<80x64xf32, #tpu.memory_space<vmem>>)
      "tpu.region"() ({
        %run_scoped3A_166 = tpu.sem_alloc : memref<!tpu.dma_semaphore, #tpu.memory_space<semaphore_mem>>
        %dma_start3A_167 = arith.constant 0 : i32
        %dma_start3A_168 = tpu.memref_slice %arg7[%add3A_101, %dma_start3A_167] : memref<125x80xi32, #tpu.memory_space<vmem>> -> memref<1x80xi32, #tpu.memory_space<vmem>>
        %dma_start3A_169 = tpu.memref_squeeze %dma_start3A_168 : memref<1x80xi32, #tpu.memory_space<vmem>> -> memref<80xi32, #tpu.memory_space<vmem>>
        %dma_start3A_170 = arith.constant 0 : i32
        %dma_start3A_171 = arith.constant 0 : i32
        %dma_start3A_172 = tpu.memref_slice %arg13[%dma_start3A_170, %dma_start3A_171] : memref<10112x64xf32, #tpu.memory_space<vmem_shared>> -> memref<10112x64xf32, #tpu.memory_space<vmem_shared>>
        tpu.enqueue_indirect_dma source(%arg9 : memref<80x64xf32, #tpu.memory_space<vmem>>) target(%dma_start3A_172 : memref<10112x64xf32, #tpu.memory_space<vmem_shared>>) offsets(%dma_start3A_169 : memref<80xi32, #tpu.memory_space<vmem>>) semaphore(%run_scoped3A_166 : memref<!tpu.dma_semaphore, #tpu.memory_space<semaphore_mem>>) {add = true}
        %dma_wait3A_173 = arith.constant 0 : i32
        %dma_wait3A_174 = tpu.memref_slice %arg7[%add3A_101, %dma_wait3A_173] : memref<125x80xi32, #tpu.memory_space<vmem>> -> memref<1x80xi32, #tpu.memory_space<vmem>>
        %dma_wait3A_175 = tpu.memref_squeeze %dma_wait3A_174 : memref<1x80xi32, #tpu.memory_space<vmem>> -> memref<80xi32, #tpu.memory_space<vmem>>
        %dma_wait3A_176 = arith.constant 0 : i32
        %dma_wait3A_177 = arith.constant 0 : i32
        %dma_wait3A_178 = tpu.memref_slice %arg13[%dma_wait3A_176, %dma_wait3A_177] : memref<10112x64xf32, #tpu.memory_space<vmem_shared>> -> memref<10112x64xf32, #tpu.memory_space<vmem_shared>>
        tpu.wait_indirect_dma semaphore(%run_scoped3A_166 : memref<!tpu.dma_semaphore, #tpu.memory_space<semaphore_mem>>) src(%arg9 : memref<80x64xf32, #tpu.memory_space<vmem>>) dst(%dma_wait3A_178 : memref<10112x64xf32, #tpu.memory_space<vmem_shared>>)
        tpu.yield
      }) : () -> ()
      %add3A_108 = arith.constant 5 : i32
      %add3A_109 = arith.addi %add3A_101, %add3A_108 : i32
      %lt3A_110 = arith.constant 125 : i32
      %lt3A_111 = arith.cmpi slt, %add3A_109, %lt3A_110 : i32
      %convert_element_type3A_112 = arith.extui %lt3A_111 : i1 to i32
      %cond3A_113 = arith.constant 0 : i32
      %cond3A_114 = arith.cmpi ne, %convert_element_type3A_112, %cond3A_113 : i32
      scf.if %cond3A_114 {
        %add3A_166 = arith.constant 5 : i32
        %add3A_167 = arith.addi %add3A_101, %add3A_166 : i32
        %dma_start3A_168 = arith.constant 0 : i32
        %dma_start3A_169 = tpu.memref_slice %arg6[%add3A_167, %dma_start3A_168] : memref<125x80xi32, #tpu.memory_space<vmem>> -> memref<1x80xi32, #tpu.memory_space<vmem>>
        %dma_start3A_170 = tpu.memref_squeeze %dma_start3A_169 : memref<1x80xi32, #tpu.memory_space<vmem>> -> memref<80xi32, #tpu.memory_space<vmem>>
        %dma_start3A_171 = arith.constant 0 : i32
        %dma_start3A_172 = arith.constant 0 : i32
        %dma_start3A_173 = tpu.memref_slice %arg14[%dma_start3A_171, %dma_start3A_172] : memref<10112x64xf32, #tpu.memory_space<vmem_shared>> -> memref<10112x64xf32, #tpu.memory_space<vmem_shared>>
        tpu.enqueue_indirect_dma source(%dma_start3A_173 : memref<10112x64xf32, #tpu.memory_space<vmem_shared>>) target(%arg9 : memref<80x64xf32, #tpu.memory_space<vmem>>) offsets(%dma_start3A_170 : memref<80xi32, #tpu.memory_space<vmem>>) semaphore(%arg16 : memref<!tpu.dma_semaphore, #tpu.memory_space<semaphore_mem>>)
      } else {
      }
      %mul3A_115 = arith.constant 5 : i32
      %mul3A_116 = arith.muli %scan3A_81, %mul3A_115 : i32
      %add3A_117 = arith.constant 2 : i32
      %add3A_118 = arith.addi %mul3A_116, %add3A_117 : i32
      %dma_wait3A_119 = arith.constant 0 : i32
      %dma_wait3A_120 = tpu.memref_slice %arg6[%add3A_118, %dma_wait3A_119] : memref<125x80xi32, #tpu.memory_space<vmem>> -> memref<1x80xi32, #tpu.memory_space<vmem>>
      %dma_wait3A_121 = tpu.memref_squeeze %dma_wait3A_120 : memref<1x80xi32, #tpu.memory_space<vmem>> -> memref<80xi32, #tpu.memory_space<vmem>>
      %dma_wait3A_122 = arith.constant 0 : i32
      %dma_wait3A_123 = arith.constant 0 : i32
      %dma_wait3A_124 = tpu.memref_slice %arg14[%dma_wait3A_122, %dma_wait3A_123] : memref<10112x64xf32, #tpu.memory_space<vmem_shared>> -> memref<10112x64xf32, #tpu.memory_space<vmem_shared>>
      tpu.wait_indirect_dma semaphore(%arg17 : memref<!tpu.dma_semaphore, #tpu.memory_space<semaphore_mem>>) src(%dma_wait3A_124 : memref<10112x64xf32, #tpu.memory_space<vmem_shared>>) dst(%arg10 : memref<80x64xf32, #tpu.memory_space<vmem>>)
      "tpu.region"() ({
        %run_scoped3A_166 = tpu.sem_alloc : memref<!tpu.dma_semaphore, #tpu.memory_space<semaphore_mem>>
        %dma_start3A_167 = arith.constant 0 : i32
        %dma_start3A_168 = tpu.memref_slice %arg7[%add3A_118, %dma_start3A_167] : memref<125x80xi32, #tpu.memory_space<vmem>> -> memref<1x80xi32, #tpu.memory_space<vmem>>
        %dma_start3A_169 = tpu.memref_squeeze %dma_start3A_168 : memref<1x80xi32, #tpu.memory_space<vmem>> -> memref<80xi32, #tpu.memory_space<vmem>>
        %dma_start3A_170 = arith.constant 0 : i32
        %dma_start3A_171 = arith.constant 0 : i32
        %dma_start3A_172 = tpu.memref_slice %arg13[%dma_start3A_170, %dma_start3A_171] : memref<10112x64xf32, #tpu.memory_space<vmem_shared>> -> memref<10112x64xf32, #tpu.memory_space<vmem_shared>>
        tpu.enqueue_indirect_dma source(%arg10 : memref<80x64xf32, #tpu.memory_space<vmem>>) target(%dma_start3A_172 : memref<10112x64xf32, #tpu.memory_space<vmem_shared>>) offsets(%dma_start3A_169 : memref<80xi32, #tpu.memory_space<vmem>>) semaphore(%run_scoped3A_166 : memref<!tpu.dma_semaphore, #tpu.memory_space<semaphore_mem>>) {add = true}
        %dma_wait3A_173 = arith.constant 0 : i32
        %dma_wait3A_174 = tpu.memref_slice %arg7[%add3A_118, %dma_wait3A_173] : memref<125x80xi32, #tpu.memory_space<vmem>> -> memref<1x80xi32, #tpu.memory_space<vmem>>
        %dma_wait3A_175 = tpu.memref_squeeze %dma_wait3A_174 : memref<1x80xi32, #tpu.memory_space<vmem>> -> memref<80xi32, #tpu.memory_space<vmem>>
        %dma_wait3A_176 = arith.constant 0 : i32
        %dma_wait3A_177 = arith.constant 0 : i32
        %dma_wait3A_178 = tpu.memref_slice %arg13[%dma_wait3A_176, %dma_wait3A_177] : memref<10112x64xf32, #tpu.memory_space<vmem_shared>> -> memref<10112x64xf32, #tpu.memory_space<vmem_shared>>
        tpu.wait_indirect_dma semaphore(%run_scoped3A_166 : memref<!tpu.dma_semaphore, #tpu.memory_space<semaphore_mem>>) src(%arg10 : memref<80x64xf32, #tpu.memory_space<vmem>>) dst(%dma_wait3A_178 : memref<10112x64xf32, #tpu.memory_space<vmem_shared>>)
        tpu.yield
      }) : () -> ()
      %add3A_125 = arith.constant 5 : i32
      %add3A_126 = arith.addi %add3A_118, %add3A_125 : i32
      %lt3A_127 = arith.constant 125 : i32
      %lt3A_128 = arith.cmpi slt, %add3A_126, %lt3A_127 : i32
      %convert_element_type3A_129 = arith.extui %lt3A_128 : i1 to i32
      %cond3A_130 = arith.constant 0 : i32
      %cond3A_131 = arith.cmpi ne, %convert_element_type3A_129, %cond3A_130 : i32
      scf.if %cond3A_131 {
        %add3A_166 = arith.constant 5 : i32
        %add3A_167 = arith.addi %add3A_118, %add3A_166 : i32
        %dma_start3A_168 = arith.constant 0 : i32
        %dma_start3A_169 = tpu.memref_slice %arg6[%add3A_167, %dma_start3A_168] : memref<125x80xi32, #tpu.memory_space<vmem>> -> memref<1x80xi32, #tpu.memory_space<vmem>>
        %dma_start3A_170 = tpu.memref_squeeze %dma_start3A_169 : memref<1x80xi32, #tpu.memory_space<vmem>> -> memref<80xi32, #tpu.memory_space<vmem>>
        %dma_start3A_171 = arith.constant 0 : i32
        %dma_start3A_172 = arith.constant 0 : i32
        %dma_start3A_173 = tpu.memref_slice %arg14[%dma_start3A_171, %dma_start3A_172] : memref<10112x64xf32, #tpu.memory_space<vmem_shared>> -> memref<10112x64xf32, #tpu.memory_space<vmem_shared>>
        tpu.enqueue_indirect_dma source(%dma_start3A_173 : memref<10112x64xf32, #tpu.memory_space<vmem_shared>>) target(%arg10 : memref<80x64xf32, #tpu.memory_space<vmem>>) offsets(%dma_start3A_170 : memref<80xi32, #tpu.memory_space<vmem>>) semaphore(%arg17 : memref<!tpu.dma_semaphore, #tpu.memory_space<semaphore_mem>>)
      } else {
      }
      %mul3A_132 = arith.constant 5 : i32
      %mul3A_133 = arith.muli %scan3A_81, %mul3A_132 : i32
      %add3A_134 = arith.constant 3 : i32
      %add3A_135 = arith.addi %mul3A_133, %add3A_134 : i32
      %dma_wait3A_136 = arith.constant 0 : i32
      %dma_wait3A_137 = tpu.memref_slice %arg6[%add3A_135, %dma_wait3A_136] : memref<125x80xi32, #tpu.memory_space<vmem>> -> memref<1x80xi32, #tpu.memory_space<vmem>>
      %dma_wait3A_138 = tpu.memref_squeeze %dma_wait3A_137 : memref<1x80xi32, #tpu.memory_space<vmem>> -> memref<80xi32, #tpu.memory_space<vmem>>
      %dma_wait3A_139 = arith.constant 0 : i32
      %dma_wait3A_140 = arith.constant 0 : i32
      %dma_wait3A_141 = tpu.memref_slice %arg14[%dma_wait3A_139, %dma_wait3A_140] : memref<10112x64xf32, #tpu.memory_space<vmem_shared>> -> memref<10112x64xf32, #tpu.memory_space<vmem_shared>>
      tpu.wait_indirect_dma semaphore(%arg18 : memref<!tpu.dma_semaphore, #tpu.memory_space<semaphore_mem>>) src(%dma_wait3A_141 : memref<10112x64xf32, #tpu.memory_space<vmem_shared>>) dst(%arg11 : memref<80x64xf32, #tpu.memory_space<vmem>>)
      "tpu.region"() ({
        %run_scoped3A_166 = tpu.sem_alloc : memref<!tpu.dma_semaphore, #tpu.memory_space<semaphore_mem>>
        %dma_start3A_167 = arith.constant 0 : i32
        %dma_start3A_168 = tpu.memref_slice %arg7[%add3A_135, %dma_start3A_167] : memref<125x80xi32, #tpu.memory_space<vmem>> -> memref<1x80xi32, #tpu.memory_space<vmem>>
        %dma_start3A_169 = tpu.memref_squeeze %dma_start3A_168 : memref<1x80xi32, #tpu.memory_space<vmem>> -> memref<80xi32, #tpu.memory_space<vmem>>
        %dma_start3A_170 = arith.constant 0 : i32
        %dma_start3A_171 = arith.constant 0 : i32
        %dma_start3A_172 = tpu.memref_slice %arg13[%dma_start3A_170, %dma_start3A_171] : memref<10112x64xf32, #tpu.memory_space<vmem_shared>> -> memref<10112x64xf32, #tpu.memory_space<vmem_shared>>
        tpu.enqueue_indirect_dma source(%arg11 : memref<80x64xf32, #tpu.memory_space<vmem>>) target(%dma_start3A_172 : memref<10112x64xf32, #tpu.memory_space<vmem_shared>>) offsets(%dma_start3A_169 : memref<80xi32, #tpu.memory_space<vmem>>) semaphore(%run_scoped3A_166 : memref<!tpu.dma_semaphore, #tpu.memory_space<semaphore_mem>>) {add = true}
        %dma_wait3A_173 = arith.constant 0 : i32
        %dma_wait3A_174 = tpu.memref_slice %arg7[%add3A_135, %dma_wait3A_173] : memref<125x80xi32, #tpu.memory_space<vmem>> -> memref<1x80xi32, #tpu.memory_space<vmem>>
        %dma_wait3A_175 = tpu.memref_squeeze %dma_wait3A_174 : memref<1x80xi32, #tpu.memory_space<vmem>> -> memref<80xi32, #tpu.memory_space<vmem>>
        %dma_wait3A_176 = arith.constant 0 : i32
        %dma_wait3A_177 = arith.constant 0 : i32
        %dma_wait3A_178 = tpu.memref_slice %arg13[%dma_wait3A_176, %dma_wait3A_177] : memref<10112x64xf32, #tpu.memory_space<vmem_shared>> -> memref<10112x64xf32, #tpu.memory_space<vmem_shared>>
        tpu.wait_indirect_dma semaphore(%run_scoped3A_166 : memref<!tpu.dma_semaphore, #tpu.memory_space<semaphore_mem>>) src(%arg11 : memref<80x64xf32, #tpu.memory_space<vmem>>) dst(%dma_wait3A_178 : memref<10112x64xf32, #tpu.memory_space<vmem_shared>>)
        tpu.yield
      }) : () -> ()
      %add3A_142 = arith.constant 5 : i32
      %add3A_143 = arith.addi %add3A_135, %add3A_142 : i32
      %lt3A_144 = arith.constant 125 : i32
      %lt3A_145 = arith.cmpi slt, %add3A_143, %lt3A_144 : i32
      %convert_element_type3A_146 = arith.extui %lt3A_145 : i1 to i32
      %cond3A_147 = arith.constant 0 : i32
      %cond3A_148 = arith.cmpi ne, %convert_element_type3A_146, %cond3A_147 : i32
      scf.if %cond3A_148 {
        %add3A_166 = arith.constant 5 : i32
        %add3A_167 = arith.addi %add3A_135, %add3A_166 : i32
        %dma_start3A_168 = arith.constant 0 : i32
        %dma_start3A_169 = tpu.memref_slice %arg6[%add3A_167, %dma_start3A_168] : memref<125x80xi32, #tpu.memory_space<vmem>> -> memref<1x80xi32, #tpu.memory_space<vmem>>
        %dma_start3A_170 = tpu.memref_squeeze %dma_start3A_169 : memref<1x80xi32, #tpu.memory_space<vmem>> -> memref<80xi32, #tpu.memory_space<vmem>>
        %dma_start3A_171 = arith.constant 0 : i32
        %dma_start3A_172 = arith.constant 0 : i32
        %dma_start3A_173 = tpu.memref_slice %arg14[%dma_start3A_171, %dma_start3A_172] : memref<10112x64xf32, #tpu.memory_space<vmem_shared>> -> memref<10112x64xf32, #tpu.memory_space<vmem_shared>>
        tpu.enqueue_indirect_dma source(%dma_start3A_173 : memref<10112x64xf32, #tpu.memory_space<vmem_shared>>) target(%arg11 : memref<80x64xf32, #tpu.memory_space<vmem>>) offsets(%dma_start3A_170 : memref<80xi32, #tpu.memory_space<vmem>>) semaphore(%arg18 : memref<!tpu.dma_semaphore, #tpu.memory_space<semaphore_mem>>)
      } else {
      }
      %mul3A_149 = arith.constant 5 : i32
      %mul3A_150 = arith.muli %scan3A_81, %mul3A_149 : i32
      %add3A_151 = arith.constant 4 : i32
      %add3A_152 = arith.addi %mul3A_150, %add3A_151 : i32
      %dma_wait3A_153 = arith.constant 0 : i32
      %dma_wait3A_154 = tpu.memref_slice %arg6[%add3A_152, %dma_wait3A_153] : memref<125x80xi32, #tpu.memory_space<vmem>> -> memref<1x80xi32, #tpu.memory_space<vmem>>
      %dma_wait3A_155 = tpu.memref_squeeze %dma_wait3A_154 : memref<1x80xi32, #tpu.memory_space<vmem>> -> memref<80xi32, #tpu.memory_space<vmem>>
      %dma_wait3A_156 = arith.constant 0 : i32
      %dma_wait3A_157 = arith.constant 0 : i32
      %dma_wait3A_158 = tpu.memref_slice %arg14[%dma_wait3A_156, %dma_wait3A_157] : memref<10112x64xf32, #tpu.memory_space<vmem_shared>> -> memref<10112x64xf32, #tpu.memory_space<vmem_shared>>
      tpu.wait_indirect_dma semaphore(%arg19 : memref<!tpu.dma_semaphore, #tpu.memory_space<semaphore_mem>>) src(%dma_wait3A_158 : memref<10112x64xf32, #tpu.memory_space<vmem_shared>>) dst(%arg12 : memref<80x64xf32, #tpu.memory_space<vmem>>)
      "tpu.region"() ({
        %run_scoped3A_166 = tpu.sem_alloc : memref<!tpu.dma_semaphore, #tpu.memory_space<semaphore_mem>>
        %dma_start3A_167 = arith.constant 0 : i32
        %dma_start3A_168 = tpu.memref_slice %arg7[%add3A_152, %dma_start3A_167] : memref<125x80xi32, #tpu.memory_space<vmem>> -> memref<1x80xi32, #tpu.memory_space<vmem>>
        %dma_start3A_169 = tpu.memref_squeeze %dma_start3A_168 : memref<1x80xi32, #tpu.memory_space<vmem>> -> memref<80xi32, #tpu.memory_space<vmem>>
        %dma_start3A_170 = arith.constant 0 : i32
        %dma_start3A_171 = arith.constant 0 : i32
        %dma_start3A_172 = tpu.memref_slice %arg13[%dma_start3A_170, %dma_start3A_171] : memref<10112x64xf32, #tpu.memory_space<vmem_shared>> -> memref<10112x64xf32, #tpu.memory_space<vmem_shared>>
        tpu.enqueue_indirect_dma source(%arg12 : memref<80x64xf32, #tpu.memory_space<vmem>>) target(%dma_start3A_172 : memref<10112x64xf32, #tpu.memory_space<vmem_shared>>) offsets(%dma_start3A_169 : memref<80xi32, #tpu.memory_space<vmem>>) semaphore(%run_scoped3A_166 : memref<!tpu.dma_semaphore, #tpu.memory_space<semaphore_mem>>) {add = true}
        %dma_wait3A_173 = arith.constant 0 : i32
        %dma_wait3A_174 = tpu.memref_slice %arg7[%add3A_152, %dma_wait3A_173] : memref<125x80xi32, #tpu.memory_space<vmem>> -> memref<1x80xi32, #tpu.memory_space<vmem>>
        %dma_wait3A_175 = tpu.memref_squeeze %dma_wait3A_174 : memref<1x80xi32, #tpu.memory_space<vmem>> -> memref<80xi32, #tpu.memory_space<vmem>>
        %dma_wait3A_176 = arith.constant 0 : i32
        %dma_wait3A_177 = arith.constant 0 : i32
        %dma_wait3A_178 = tpu.memref_slice %arg13[%dma_wait3A_176, %dma_wait3A_177] : memref<10112x64xf32, #tpu.memory_space<vmem_shared>> -> memref<10112x64xf32, #tpu.memory_space<vmem_shared>>
        tpu.wait_indirect_dma semaphore(%run_scoped3A_166 : memref<!tpu.dma_semaphore, #tpu.memory_space<semaphore_mem>>) src(%arg12 : memref<80x64xf32, #tpu.memory_space<vmem>>) dst(%dma_wait3A_178 : memref<10112x64xf32, #tpu.memory_space<vmem_shared>>)
        tpu.yield
      }) : () -> ()
      %add3A_159 = arith.constant 5 : i32
      %add3A_160 = arith.addi %add3A_152, %add3A_159 : i32
      %lt3A_161 = arith.constant 125 : i32
      %lt3A_162 = arith.cmpi slt, %add3A_160, %lt3A_161 : i32
      %convert_element_type3A_163 = arith.extui %lt3A_162 : i1 to i32
      %cond3A_164 = arith.constant 0 : i32
      %cond3A_165 = arith.cmpi ne, %convert_element_type3A_163, %cond3A_164 : i32
      scf.if %cond3A_165 {
        %add3A_166 = arith.constant 5 : i32
        %add3A_167 = arith.addi %add3A_152, %add3A_166 : i32
        %dma_start3A_168 = arith.constant 0 : i32
        %dma_start3A_169 = tpu.memref_slice %arg6[%add3A_167, %dma_start3A_168] : memref<125x80xi32, #tpu.memory_space<vmem>> -> memref<1x80xi32, #tpu.memory_space<vmem>>
        %dma_start3A_170 = tpu.memref_squeeze %dma_start3A_169 : memref<1x80xi32, #tpu.memory_space<vmem>> -> memref<80xi32, #tpu.memory_space<vmem>>
        %dma_start3A_171 = arith.constant 0 : i32
        %dma_start3A_172 = arith.constant 0 : i32
        %dma_start3A_173 = tpu.memref_slice %arg14[%dma_start3A_171, %dma_start3A_172] : memref<10112x64xf32, #tpu.memory_space<vmem_shared>> -> memref<10112x64xf32, #tpu.memory_space<vmem_shared>>
        tpu.enqueue_indirect_dma source(%dma_start3A_173 : memref<10112x64xf32, #tpu.memory_space<vmem_shared>>) target(%arg12 : memref<80x64xf32, #tpu.memory_space<vmem>>) offsets(%dma_start3A_170 : memref<80xi32, #tpu.memory_space<vmem>>) semaphore(%arg19 : memref<!tpu.dma_semaphore, #tpu.memory_space<semaphore_mem>>)
      } else {
      }
    }
    %scan3A_72 = arith.constant 25 : i32
    %barrier3A_73 = arith.constant 0 : index
    tpu.barrier barrier_id(%barrier3A_73)
    %eq3A = arith.constant 0 : i32
    %eq3A_74 = arith.cmpi eq, %arg0, %eq3A : i32
    %convert_element_type3A = arith.extui %eq3A_74 : i1 to i32
    %cond3A = arith.constant 0 : i32
    %cond3A_75 = arith.cmpi ne, %convert_element_type3A, %cond3A : i32
    scf.if %cond3A_75 {
      "tpu.region"() ({
        %run_scoped3A_81 = tpu.sem_alloc : memref<!tpu.dma_semaphore, #tpu.memory_space<semaphore_mem>>
        %dma_start3A_82 = arith.constant 0 : i32
        %dma_start3A_83 = tpu.memref_slice %arg4[%mul3A_2, %dma_start3A_82] : memref<10112x64xf32, #tpu.memory_space<hbm>> -> memref<632x64xf32, #tpu.memory_space<hbm>>
        %dma_start3A_84 = arith.constant 0 : i32
        %dma_start3A_85 = tpu.memref_slice %arg13[%mul3A_2, %dma_start3A_84] : memref<10112x64xf32, #tpu.memory_space<vmem_shared>> -> memref<632x64xf32, #tpu.memory_space<vmem_shared>>
        tpu.enqueue_dma source(%dma_start3A_85 : memref<632x64xf32, #tpu.memory_space<vmem_shared>>) target(%dma_start3A_83 : memref<632x64xf32, #tpu.memory_space<hbm>>) target_semaphore(%run_scoped3A_81 : memref<!tpu.dma_semaphore, #tpu.memory_space<semaphore_mem>>)
        %dma_wait3A_86 = arith.constant 0 : i32
        %dma_wait3A_87 = tpu.memref_slice %arg4[%mul3A_2, %dma_wait3A_86] : memref<10112x64xf32, #tpu.memory_space<hbm>> -> memref<632x64xf32, #tpu.memory_space<hbm>>
        %dma_wait3A_88 = arith.constant 0 : i32
        %dma_wait3A_89 = tpu.memref_slice %arg13[%mul3A_2, %dma_wait3A_88] : memref<10112x64xf32, #tpu.memory_space<vmem_shared>> -> memref<632x64xf32, #tpu.memory_space<vmem_shared>>
        tpu.wait_dma2 semaphore(%run_scoped3A_81 : memref<!tpu.dma_semaphore, #tpu.memory_space<semaphore_mem>>) src(%dma_wait3A_89 : memref<632x64xf32, #tpu.memory_space<vmem_shared>>) dst(%dma_wait3A_87 : memref<632x64xf32, #tpu.memory_space<hbm>>)
        tpu.yield
      }) : () -> ()
    } else {
    }
    %eq3A_76 = arith.constant 1 : i32
    %eq3A_77 = arith.cmpi eq, %arg0, %eq3A_76 : i32
    %convert_element_type3A_78 = arith.extui %eq3A_77 : i1 to i32
    %cond3A_79 = arith.constant 0 : i32
    %cond3A_80 = arith.cmpi ne, %convert_element_type3A_78, %cond3A_79 : i32
    scf.if %cond3A_80 {
      "tpu.region"() ({
        %run_scoped3A_81 = tpu.sem_alloc : memref<!tpu.dma_semaphore, #tpu.memory_space<semaphore_mem>>
        %dma_start3A_82 = arith.constant 0 : i32
        %dma_start3A_83 = tpu.memref_slice %arg5[%mul3A_2, %dma_start3A_82] : memref<10112x64xf32, #tpu.memory_space<hbm>> -> memref<632x64xf32, #tpu.memory_space<hbm>>
        %dma_start3A_84 = arith.constant 0 : i32
        %dma_start3A_85 = tpu.memref_slice %arg13[%mul3A_2, %dma_start3A_84] : memref<10112x64xf32, #tpu.memory_space<vmem_shared>> -> memref<632x64xf32, #tpu.memory_space<vmem_shared>>
        tpu.enqueue_dma source(%dma_start3A_85 : memref<632x64xf32, #tpu.memory_space<vmem_shared>>) target(%dma_start3A_83 : memref<632x64xf32, #tpu.memory_space<hbm>>) target_semaphore(%run_scoped3A_81 : memref<!tpu.dma_semaphore, #tpu.memory_space<semaphore_mem>>)
        %dma_wait3A_86 = arith.constant 0 : i32
        %dma_wait3A_87 = tpu.memref_slice %arg5[%mul3A_2, %dma_wait3A_86] : memref<10112x64xf32, #tpu.memory_space<hbm>> -> memref<632x64xf32, #tpu.memory_space<hbm>>
        %dma_wait3A_88 = arith.constant 0 : i32
        %dma_wait3A_89 = tpu.memref_slice %arg13[%mul3A_2, %dma_wait3A_88] : memref<10112x64xf32, #tpu.memory_space<vmem_shared>> -> memref<632x64xf32, #tpu.memory_space<vmem_shared>>
        tpu.wait_dma2 semaphore(%run_scoped3A_81 : memref<!tpu.dma_semaphore, #tpu.memory_space<semaphore_mem>>) src(%dma_wait3A_89 : memref<632x64xf32, #tpu.memory_space<vmem_shared>>) dst(%dma_wait3A_87 : memref<632x64xf32, #tpu.memory_space<hbm>>)
        tpu.yield
      }) : () -> ()
    } else {
    }
    return
  }
}

#map = affine_map<(d0, d1) -> (0, 0)>
#map1 = affine_map<(d0, d1) -> (0, 0, 0, 0)>
module attributes {stable_mosaic.version = 14 : i64} {
  func.func @body(%arg0: i32, %arg1: i32, %arg2: memref<10112x64xf32, #tpu.memory_space<hbm>>, %arg3: memref<2x32x125x80xi32, #tpu.memory_space<hbm>>, %arg4: memref<10112x64xf32, #tpu.memory_space<hbm>>, %arg5: memref<10112x64xf32, #tpu.memory_space<hbm>>, %arg6: memref<125x80xi32, #tpu.memory_space<vmem>>, %arg7: memref<125x80xi32, #tpu.memory_space<vmem>>, %arg8: memref<80x64xf32, #tpu.memory_space<vmem>>, %arg9: memref<80x64xf32, #tpu.memory_space<vmem>>, %arg10: memref<80x64xf32, #tpu.memory_space<vmem>>, %arg11: memref<80x64xf32, #tpu.memory_space<vmem>>, %arg12: memref<80x64xf32, #tpu.memory_space<vmem>>, %arg13: memref<10112x64xf32, #tpu.memory_space<vmem_shared>>, %arg14: memref<10112x64xf32, #tpu.memory_space<vmem_shared>>, %arg15: memref<!tpu.dma_semaphore, #tpu.memory_space<semaphore_mem>>, %arg16: memref<!tpu.dma_semaphore, #tpu.memory_space<semaphore_mem>>, %arg17: memref<!tpu.dma_semaphore, #tpu.memory_space<semaphore_mem>>, %arg18: memref<!tpu.dma_semaphore, #tpu.memory_space<semaphore_mem>>, %arg19: memref<!tpu.dma_semaphore, #tpu.memory_space<semaphore_mem>>) attributes {dimension_semantics = [#tpu.dimension_semantics<core_parallel>, #tpu.dimension_semantics<subcore_parallel>], iteration_bounds = array<i64: 2, 16>, scalar_prefetch = 0 : i64, scratch_operands = 14 : i64, tpu.core_type = #tpu.core_type<sc_vector_subcore>, window_params = [{transform_indices = #map}, {transform_indices = #map1}, {transform_indices = #map}, {transform_indices = #map}]} {
    %mul3A = arith.constant 2 : i32
    %mul3A_0 = arith.muli %arg1, %mul3A : i32
    %add3A = arith.addi %mul3A_0, %arg0 : i32
    %mul3A_1 = arith.constant 632 : i32
    %mul3A_2 = arith.muli %arg1, %mul3A_1 : i32
    %dma_start3A = arith.constant 0 : i32
    %dma_start3A_3 = tpu.memref_slice %arg14[%mul3A_2, %dma_start3A] : memref<10112x64xf32, #tpu.memory_space<vmem_shared>> -> memref<632x64xf32, #tpu.memory_space<vmem_shared>>
    %dma_start3A_4 = arith.constant 0 : i32
    %dma_start3A_5 = tpu.memref_slice %arg2[%mul3A_2, %dma_start3A_4] : memref<10112x64xf32, #tpu.memory_space<hbm>> -> memref<632x64xf32, #tpu.memory_space<hbm>>
    tpu.enqueue_dma source(%dma_start3A_5 : memref<632x64xf32, #tpu.memory_space<hbm>>) target(%dma_start3A_3 : memref<632x64xf32, #tpu.memory_space<vmem_shared>>) target_semaphore(%arg15 : memref<!tpu.dma_semaphore, #tpu.memory_space<semaphore_mem>>)
    %broadcast_in_dim3A = arith.constant 0.000000e+00 : f32
    %broadcast_in_dim3A_6 = vector.broadcast %broadcast_in_dim3A : f32 to vector<16xf32>
    %scan3A = arith.constant 0 : i32
    %scan3A_7 = arith.constant 0 : i32
    %scan3A_8 = arith.constant 80 : i32
    %scan3A_9 = arith.addi %scan3A_7, %scan3A_8 : i32
    %scan3A_10 = arith.constant 1 : i32
    scf.for %scan3A_81 = %scan3A_7 to %scan3A_9 step %scan3A_10  : i32 {
      %swap3A = arith.index_cast %scan3A_81 : i32 to index
      %swap3A_82 = arith.constant 0 : index
      %swap3A_83 = tpu.vector_load %arg8[%swap3A, %swap3A_82] {strides = array<i32>} : memref<80x64xf32, #tpu.memory_space<vmem>>, vector<1x16xf32>,
      %swap3A_84 = vector.shape_cast %swap3A_83 : vector<1x16xf32> to vector<16xf32>
      %swap3A_85 = vector.shape_cast %broadcast_in_dim3A_6 : vector<16xf32> to vector<1x16xf32>
      tpu.vector_store %arg8[%swap3A, %swap3A_82], %swap3A_85 {strides = array<i32>} : memref<80x64xf32, #tpu.memory_space<vmem>>, vector<1x16xf32>,
      %swap3A_86 = arith.index_cast %scan3A_81 : i32 to index
      %swap3A_87 = arith.constant 16 : index
      %swap3A_88 = tpu.vector_load %arg8[%swap3A_86, %swap3A_87] {strides = array<i32>} : memref<80x64xf32, #tpu.memory_space<vmem>>, vector<1x16xf32>,
      %swap3A_89 = vector.shape_cast %swap3A_88 : vector<1x16xf32> to vector<16xf32>
      %swap3A_90 = vector.shape_cast %broadcast_in_dim3A_6 : vector<16xf32> to vector<1x16xf32>
      tpu.vector_store %arg8[%swap3A_86, %swap3A_87], %swap3A_90 {strides = array<i32>} : memref<80x64xf32, #tpu.memory_space<vmem>>, vector<1x16xf32>,
      %swap3A_91 = arith.index_cast %scan3A_81 : i32 to index
      %swap3A_92 = arith.constant 32 : index
      %swap3A_93 = tpu.vector_load %arg8[%swap3A_91, %swap3A_92] {strides = array<i32>} : memref<80x64xf32, #tpu.memory_space<vmem>>, vector<1x16xf32>,
      %swap3A_94 = vector.shape_cast %swap3A_93 : vector<1x16xf32> to vector<16xf32>
      %swap3A_95 = vector.shape_cast %broadcast_in_dim3A_6 : vector<16xf32> to vector<1x16xf32>
      tpu.vector_store %arg8[%swap3A_91, %swap3A_92], %swap3A_95 {strides = array<i32>} : memref<80x64xf32, #tpu.memory_space<vmem>>, vector<1x16xf32>,
      %swap3A_96 = arith.index_cast %scan3A_81 : i32 to index
      %swap3A_97 = arith.constant 48 : index
      %swap3A_98 = tpu.vector_load %arg8[%swap3A_96, %swap3A_97] {strides = array<i32>} : memref<80x64xf32, #tpu.memory_space<vmem>>, vector<1x16xf32>,
      %swap3A_99 = vector.shape_cast %swap3A_98 : vector<1x16xf32> to vector<16xf32>
      %swap3A_100 = vector.shape_cast %broadcast_in_dim3A_6 : vector<16xf32> to vector<1x16xf32>
      tpu.vector_store %arg8[%swap3A_96, %swap3A_97], %swap3A_100 {strides = array<i32>} : memref<80x64xf32, #tpu.memory_space<vmem>>, vector<1x16xf32>,
    }
    %scan3A_11 = arith.constant 80 : i32
    %add3A_12 = arith.constant 0 : i32
    %add3A_13 = arith.addi %mul3A_2, %add3A_12 : i32
    "tpu.region"() ({
      %run_scoped3A_81 = tpu.sem_alloc : memref<!tpu.dma_semaphore, #tpu.memory_space<semaphore_mem>>
      %dma_start3A_82 = arith.constant 0 : i32
      %dma_start3A_83 = tpu.memref_slice %arg13[%add3A_13, %dma_start3A_82] : memref<10112x64xf32, #tpu.memory_space<vmem_shared>> -> memref<80x64xf32, #tpu.memory_space<vmem_shared>>
      %dma_start3A_84 = arith.constant 0 : i32
      %dma_start3A_85 = tpu.memref_slice %arg13[%add3A_13, %dma_start3A_84] : memref<10112x64xf32, #tpu.memory_space<vmem_shared>> -> memref<80x64xf32, #tpu.memory_space<vmem_shared>>
      tpu.enqueue_dma source(%arg8 : memref<80x64xf32, #tpu.memory_space<vmem>>) target(%dma_start3A_85 : memref<80x64xf32, #tpu.memory_space<vmem_shared>>) target_semaphore(%run_scoped3A_81 : memref<!tpu.dma_semaphore, #tpu.memory_space<semaphore_mem>>)
      %dma_wait3A_86 = arith.constant 0 : i32
      %dma_wait3A_87 = tpu.memref_slice %arg13[%add3A_13, %dma_wait3A_86] : memref<10112x64xf32, #tpu.memory_space<vmem_shared>> -> memref<80x64xf32, #tpu.memory_space<vmem_shared>>
      %dma_wait3A_88 = arith.constant 0 : i32
      %dma_wait3A_89 = tpu.memref_slice %arg13[%add3A_13, %dma_wait3A_88] : memref<10112x64xf32, #tpu.memory_space<vmem_shared>> -> memref<80x64xf32, #tpu.memory_space<vmem_shared>>
      tpu.wait_dma2 semaphore(%run_scoped3A_81 : memref<!tpu.dma_semaphore, #tpu.memory_space<semaphore_mem>>) src(%arg8 : memref<80x64xf32, #tpu.memory_space<vmem>>) dst(%dma_wait3A_89 : memref<80x64xf32, #tpu.memory_space<vmem_shared>>)
      tpu.yield
    }) : () -> ()
    %add3A_14 = arith.constant 80 : i32
    %add3A_15 = arith.addi %mul3A_2, %add3A_14 : i32
    "tpu.region"() ({
      %run_scoped3A_81 = tpu.sem_alloc : memref<!tpu.dma_semaphore, #tpu.memory_space<semaphore_mem>>
      %dma_start3A_82 = arith.constant 0 : i32
      %dma_start3A_83 = tpu.memref_slice %arg13[%add3A_15, %dma_start3A_82] : memref<10112x64xf32, #tpu.memory_space<vmem_shared>> -> memref<80x64xf32, #tpu.memory_space<vmem_shared>>
      %dma_start3A_84 = arith.constant 0 : i32
      %dma_start3A_85 = tpu.memref_slice %arg13[%add3A_15, %dma_start3A_84] : memref<10112x64xf32, #tpu.memory_space<vmem_shared>> -> memref<80x64xf32, #tpu.memory_space<vmem_shared>>
      tpu.enqueue_dma source(%arg8 : memref<80x64xf32, #tpu.memory_space<vmem>>) target(%dma_start3A_85 : memref<80x64xf32, #tpu.memory_space<vmem_shared>>) target_semaphore(%run_scoped3A_81 : memref<!tpu.dma_semaphore, #tpu.memory_space<semaphore_mem>>)
      %dma_wait3A_86 = arith.constant 0 : i32
      %dma_wait3A_87 = tpu.memref_slice %arg13[%add3A_15, %dma_wait3A_86] : memref<10112x64xf32, #tpu.memory_space<vmem_shared>> -> memref<80x64xf32, #tpu.memory_space<vmem_shared>>
      %dma_wait3A_88 = arith.constant 0 : i32
      %dma_wait3A_89 = tpu.memref_slice %arg13[%add3A_15, %dma_wait3A_88] : memref<10112x64xf32, #tpu.memory_space<vmem_shared>> -> memref<80x64xf32, #tpu.memory_space<vmem_shared>>
      tpu.wait_dma2 semaphore(%run_scoped3A_81 : memref<!tpu.dma_semaphore, #tpu.memory_space<semaphore_mem>>) src(%arg8 : memref<80x64xf32, #tpu.memory_space<vmem>>) dst(%dma_wait3A_89 : memref<80x64xf32, #tpu.memory_space<vmem_shared>>)
      tpu.yield
    }) : () -> ()
    %add3A_16 = arith.constant 160 : i32
    %add3A_17 = arith.addi %mul3A_2, %add3A_16 : i32
    "tpu.region"() ({
      %run_scoped3A_81 = tpu.sem_alloc : memref<!tpu.dma_semaphore, #tpu.memory_space<semaphore_mem>>
      %dma_start3A_82 = arith.constant 0 : i32
      %dma_start3A_83 = tpu.memref_slice %arg13[%add3A_17, %dma_start3A_82] : memref<10112x64xf32, #tpu.memory_space<vmem_shared>> -> memref<80x64xf32, #tpu.memory_space<vmem_shared>>
      %dma_start3A_84 = arith.constant 0 : i32
      %dma_start3A_85 = tpu.memref_slice %arg13[%add3A_17, %dma_start3A_84] : memref<10112x64xf32, #tpu.memory_space<vmem_shared>> -> memref<80x64xf32, #tpu.memory_space<vmem_shared>>
      tpu.enqueue_dma source(%arg8 : memref<80x64xf32, #tpu.memory_space<vmem>>) target(%dma_start3A_85 : memref<80x64xf32, #tpu.memory_space<vmem_shared>>) target_semaphore(%run_scoped3A_81 : memref<!tpu.dma_semaphore, #tpu.memory_space<semaphore_mem>>)
      %dma_wait3A_86 = arith.constant 0 : i32
      %dma_wait3A_87 = tpu.memref_slice %arg13[%add3A_17, %dma_wait3A_86] : memref<10112x64xf32, #tpu.memory_space<vmem_shared>> -> memref<80x64xf32, #tpu.memory_space<vmem_shared>>
      %dma_wait3A_88 = arith.constant 0 : i32
      %dma_wait3A_89 = tpu.memref_slice %arg13[%add3A_17, %dma_wait3A_88] : memref<10112x64xf32, #tpu.memory_space<vmem_shared>> -> memref<80x64xf32, #tpu.memory_space<vmem_shared>>
      tpu.wait_dma2 semaphore(%run_scoped3A_81 : memref<!tpu.dma_semaphore, #tpu.memory_space<semaphore_mem>>) src(%arg8 : memref<80x64xf32, #tpu.memory_space<vmem>>) dst(%dma_wait3A_89 : memref<80x64xf32, #tpu.memory_space<vmem_shared>>)
      tpu.yield
    }) : () -> ()
    %add3A_18 = arith.constant 240 : i32
    %add3A_19 = arith.addi %mul3A_2, %add3A_18 : i32
    "tpu.region"() ({
      %run_scoped3A_81 = tpu.sem_alloc : memref<!tpu.dma_semaphore, #tpu.memory_space<semaphore_mem>>
      %dma_start3A_82 = arith.constant 0 : i32
      %dma_start3A_83 = tpu.memref_slice %arg13[%add3A_19, %dma_start3A_82] : memref<10112x64xf32, #tpu.memory_space<vmem_shared>> -> memref<80x64xf32, #tpu.memory_space<vmem_shared>>
      %dma_start3A_84 = arith.constant 0 : i32
      %dma_start3A_85 = tpu.memref_slice %arg13[%add3A_19, %dma_start3A_84] : memref<10112x64xf32, #tpu.memory_space<vmem_shared>> -> memref<80x64xf32, #tpu.memory_space<vmem_shared>>
      tpu.enqueue_dma source(%arg8 : memref<80x64xf32, #tpu.memory_space<vmem>>) target(%dma_start3A_85 : memref<80x64xf32, #tpu.memory_space<vmem_shared>>) target_semaphore(%run_scoped3A_81 : memref<!tpu.dma_semaphore, #tpu.memory_space<semaphore_mem>>)
      %dma_wait3A_86 = arith.constant 0 : i32
      %dma_wait3A_87 = tpu.memref_slice %arg13[%add3A_19, %dma_wait3A_86] : memref<10112x64xf32, #tpu.memory_space<vmem_shared>> -> memref<80x64xf32, #tpu.memory_space<vmem_shared>>
      %dma_wait3A_88 = arith.constant 0 : i32
      %dma_wait3A_89 = tpu.memref_slice %arg13[%add3A_19, %dma_wait3A_88] : memref<10112x64xf32, #tpu.memory_space<vmem_shared>> -> memref<80x64xf32, #tpu.memory_space<vmem_shared>>
      tpu.wait_dma2 semaphore(%run_scoped3A_81 : memref<!tpu.dma_semaphore, #tpu.memory_space<semaphore_mem>>) src(%arg8 : memref<80x64xf32, #tpu.memory_space<vmem>>) dst(%dma_wait3A_89 : memref<80x64xf32, #tpu.memory_space<vmem_shared>>)
      tpu.yield
    }) : () -> ()
    %add3A_20 = arith.constant 320 : i32
    %add3A_21 = arith.addi %mul3A_2, %add3A_20 : i32
    "tpu.region"() ({
      %run_scoped3A_81 = tpu.sem_alloc : memref<!tpu.dma_semaphore, #tpu.memory_space<semaphore_mem>>
      %dma_start3A_82 = arith.constant 0 : i32
      %dma_start3A_83 = tpu.memref_slice %arg13[%add3A_21, %dma_start3A_82] : memref<10112x64xf32, #tpu.memory_space<vmem_shared>> -> memref<80x64xf32, #tpu.memory_space<vmem_shared>>
      %dma_start3A_84 = arith.constant 0 : i32
      %dma_start3A_85 = tpu.memref_slice %arg13[%add3A_21, %dma_start3A_84] : memref<10112x64xf32, #tpu.memory_space<vmem_shared>> -> memref<80x64xf32, #tpu.memory_space<vmem_shared>>
      tpu.enqueue_dma source(%arg8 : memref<80x64xf32, #tpu.memory_space<vmem>>) target(%dma_start3A_85 : memref<80x64xf32, #tpu.memory_space<vmem_shared>>) target_semaphore(%run_scoped3A_81 : memref<!tpu.dma_semaphore, #tpu.memory_space<semaphore_mem>>)
      %dma_wait3A_86 = arith.constant 0 : i32
      %dma_wait3A_87 = tpu.memref_slice %arg13[%add3A_21, %dma_wait3A_86] : memref<10112x64xf32, #tpu.memory_space<vmem_shared>> -> memref<80x64xf32, #tpu.memory_space<vmem_shared>>
      %dma_wait3A_88 = arith.constant 0 : i32
      %dma_wait3A_89 = tpu.memref_slice %arg13[%add3A_21, %dma_wait3A_88] : memref<10112x64xf32, #tpu.memory_space<vmem_shared>> -> memref<80x64xf32, #tpu.memory_space<vmem_shared>>
      tpu.wait_dma2 semaphore(%run_scoped3A_81 : memref<!tpu.dma_semaphore, #tpu.memory_space<semaphore_mem>>) src(%arg8 : memref<80x64xf32, #tpu.memory_space<vmem>>) dst(%dma_wait3A_89 : memref<80x64xf32, #tpu.memory_space<vmem_shared>>)
      tpu.yield
    }) : () -> ()
    %add3A_22 = arith.constant 400 : i32
    %add3A_23 = arith.addi %mul3A_2, %add3A_22 : i32
    "tpu.region"() ({
      %run_scoped3A_81 = tpu.sem_alloc : memref<!tpu.dma_semaphore, #tpu.memory_space<semaphore_mem>>
      %dma_start3A_82 = arith.constant 0 : i32
      %dma_start3A_83 = tpu.memref_slice %arg13[%add3A_23, %dma_start3A_82] : memref<10112x64xf32, #tpu.memory_space<vmem_shared>> -> memref<80x64xf32, #tpu.memory_space<vmem_shared>>
      %dma_start3A_84 = arith.constant 0 : i32
      %dma_start3A_85 = tpu.memref_slice %arg13[%add3A_23, %dma_start3A_84] : memref<10112x64xf32, #tpu.memory_space<vmem_shared>> -> memref<80x64xf32, #tpu.memory_space<vmem_shared>>
      tpu.enqueue_dma source(%arg8 : memref<80x64xf32, #tpu.memory_space<vmem>>) target(%dma_start3A_85 : memref<80x64xf32, #tpu.memory_space<vmem_shared>>) target_semaphore(%run_scoped3A_81 : memref<!tpu.dma_semaphore, #tpu.memory_space<semaphore_mem>>)
      %dma_wait3A_86 = arith.constant 0 : i32
      %dma_wait3A_87 = tpu.memref_slice %arg13[%add3A_23, %dma_wait3A_86] : memref<10112x64xf32, #tpu.memory_space<vmem_shared>> -> memref<80x64xf32, #tpu.memory_space<vmem_shared>>
      %dma_wait3A_88 = arith.constant 0 : i32
      %dma_wait3A_89 = tpu.memref_slice %arg13[%add3A_23, %dma_wait3A_88] : memref<10112x64xf32, #tpu.memory_space<vmem_shared>> -> memref<80x64xf32, #tpu.memory_space<vmem_shared>>
      tpu.wait_dma2 semaphore(%run_scoped3A_81 : memref<!tpu.dma_semaphore, #tpu.memory_space<semaphore_mem>>) src(%arg8 : memref<80x64xf32, #tpu.memory_space<vmem>>) dst(%dma_wait3A_89 : memref<80x64xf32, #tpu.memory_space<vmem_shared>>)
      tpu.yield
    }) : () -> ()
    %add3A_24 = arith.constant 480 : i32
    %add3A_25 = arith.addi %mul3A_2, %add3A_24 : i32
    "tpu.region"() ({
      %run_scoped3A_81 = tpu.sem_alloc : memref<!tpu.dma_semaphore, #tpu.memory_space<semaphore_mem>>
      %dma_start3A_82 = arith.constant 0 : i32
      %dma_start3A_83 = tpu.memref_slice %arg13[%add3A_25, %dma_start3A_82] : memref<10112x64xf32, #tpu.memory_space<vmem_shared>> -> memref<80x64xf32, #tpu.memory_space<vmem_shared>>
      %dma_start3A_84 = arith.constant 0 : i32
      %dma_start3A_85 = tpu.memref_slice %arg13[%add3A_25, %dma_start3A_84] : memref<10112x64xf32, #tpu.memory_space<vmem_shared>> -> memref<80x64xf32, #tpu.memory_space<vmem_shared>>
      tpu.enqueue_dma source(%arg8 : memref<80x64xf32, #tpu.memory_space<vmem>>) target(%dma_start3A_85 : memref<80x64xf32, #tpu.memory_space<vmem_shared>>) target_semaphore(%run_scoped3A_81 : memref<!tpu.dma_semaphore, #tpu.memory_space<semaphore_mem>>)
      %dma_wait3A_86 = arith.constant 0 : i32
      %dma_wait3A_87 = tpu.memref_slice %arg13[%add3A_25, %dma_wait3A_86] : memref<10112x64xf32, #tpu.memory_space<vmem_shared>> -> memref<80x64xf32, #tpu.memory_space<vmem_shared>>
      %dma_wait3A_88 = arith.constant 0 : i32
      %dma_wait3A_89 = tpu.memref_slice %arg13[%add3A_25, %dma_wait3A_88] : memref<10112x64xf32, #tpu.memory_space<vmem_shared>> -> memref<80x64xf32, #tpu.memory_space<vmem_shared>>
      tpu.wait_dma2 semaphore(%run_scoped3A_81 : memref<!tpu.dma_semaphore, #tpu.memory_space<semaphore_mem>>) src(%arg8 : memref<80x64xf32, #tpu.memory_space<vmem>>) dst(%dma_wait3A_89 : memref<80x64xf32, #tpu.memory_space<vmem_shared>>)
      tpu.yield
    }) : () -> ()
    %add3A_26 = arith.constant 560 : i32
    %add3A_27 = arith.addi %mul3A_2, %add3A_26 : i32
    "tpu.region"() ({
      %run_scoped3A_81 = tpu.sem_alloc : memref<!tpu.dma_semaphore, #tpu.memory_space<semaphore_mem>>
      %dma_start3A_82 = arith.constant 0 : i32
      %dma_start3A_83 = arith.constant 0 : i32
      %dma_start3A_84 = tpu.memref_slice %arg8[%dma_start3A_82, %dma_start3A_83] : memref<80x64xf32, #tpu.memory_space<vmem>> -> memref<72x64xf32, #tpu.memory_space<vmem>>
      %dma_start3A_85 = arith.constant 0 : i32
      %dma_start3A_86 = tpu.memref_slice %arg13[%add3A_27, %dma_start3A_85] : memref<10112x64xf32, #tpu.memory_space<vmem_shared>> -> memref<72x64xf32, #tpu.memory_space<vmem_shared>>
      %dma_start3A_87 = arith.constant 0 : i32
      %dma_start3A_88 = tpu.memref_slice %arg13[%add3A_27, %dma_start3A_87] : memref<10112x64xf32, #tpu.memory_space<vmem_shared>> -> memref<72x64xf32, #tpu.memory_space<vmem_shared>>
      %dma_start3A_89 = arith.constant 0 : i32
      %dma_start3A_90 = arith.constant 0 : i32
      %dma_start3A_91 = tpu.memref_slice %arg8[%dma_start3A_89, %dma_start3A_90] : memref<80x64xf32, #tpu.memory_space<vmem>> -> memref<72x64xf32, #tpu.memory_space<vmem>>
      tpu.enqueue_dma source(%dma_start3A_91 : memref<72x64xf32, #tpu.memory_space<vmem>>) target(%dma_start3A_88 : memref<72x64xf32, #tpu.memory_space<vmem_shared>>) target_semaphore(%run_scoped3A_81 : memref<!tpu.dma_semaphore, #tpu.memory_space<semaphore_mem>>)
      %dma_wait3A_92 = arith.constant 0 : i32
      %dma_wait3A_93 = arith.constant 0 : i32
      %dma_wait3A_94 = tpu.memref_slice %arg8[%dma_wait3A_92, %dma_wait3A_93] : memref<80x64xf32, #tpu.memory_space<vmem>> -> memref<72x64xf32, #tpu.memory_space<vmem>>
      %dma_wait3A_95 = arith.constant 0 : i32
      %dma_wait3A_96 = tpu.memref_slice %arg13[%add3A_27, %dma_wait3A_95] : memref<10112x64xf32, #tpu.memory_space<vmem_shared>> -> memref<72x64xf32, #tpu.memory_space<vmem_shared>>
      %dma_wait3A_97 = arith.constant 0 : i32
      %dma_wait3A_98 = tpu.memref_slice %arg13[%add3A_27, %dma_wait3A_97] : memref<10112x64xf32, #tpu.memory_space<vmem_shared>> -> memref<72x64xf32, #tpu.memory_space<vmem_shared>>
      %dma_wait3A_99 = arith.constant 0 : i32
      %dma_wait3A_100 = arith.constant 0 : i32
      %dma_wait3A_101 = tpu.memref_slice %arg8[%dma_wait3A_99, %dma_wait3A_100] : memref<80x64xf32, #tpu.memory_space<vmem>> -> memref<72x64xf32, #tpu.memory_space<vmem>>
      tpu.wait_dma2 semaphore(%run_scoped3A_81 : memref<!tpu.dma_semaphore, #tpu.memory_space<semaphore_mem>>) src(%dma_wait3A_101 : memref<72x64xf32, #tpu.memory_space<vmem>>) dst(%dma_wait3A_98 : memref<72x64xf32, #tpu.memory_space<vmem_shared>>)
      tpu.yield
    }) : () -> ()
    %run_scoped3A = arith.constant 0 : i32
    "tpu.region"() ({
      %run_scoped3A_81 = tpu.sem_alloc : memref<!tpu.dma_semaphore, #tpu.memory_space<semaphore_mem>>
      %dma_start3A_82 = arith.constant 0 : i32
      %dma_start3A_83 = arith.constant 0 : i32
      %dma_start3A_84 = tpu.memref_slice %arg3[%run_scoped3A, %add3A, %dma_start3A_82, %dma_start3A_83] : memref<2x32x125x80xi32, #tpu.memory_space<hbm>> -> memref<1x1x125x80xi32, #tpu.memory_space<hbm>>
      %dma_start3A_85 = tpu.memref_squeeze %dma_start3A_84 : memref<1x1x125x80xi32, #tpu.memory_space<hbm>> -> memref<125x80xi32, #tpu.memory_space<hbm>>
      %dma_start3A_86 = arith.constant 0 : i32
      %dma_start3A_87 = arith.constant 0 : i32
      %dma_start3A_88 = tpu.memref_slice %arg3[%run_scoped3A, %add3A, %dma_start3A_86, %dma_start3A_87] : memref<2x32x125x80xi32, #tpu.memory_space<hbm>> -> memref<1x1x125x80xi32, #tpu.memory_space<hbm>>
      %dma_start3A_89 = tpu.memref_squeeze %dma_start3A_88 : memref<1x1x125x80xi32, #tpu.memory_space<hbm>> -> memref<125x80xi32, #tpu.memory_space<hbm>>
      tpu.enqueue_dma source(%dma_start3A_89 : memref<125x80xi32, #tpu.memory_space<hbm>>) target(%arg6 : memref<125x80xi32, #tpu.memory_space<vmem>>) target_semaphore(%run_scoped3A_81 : memref<!tpu.dma_semaphore, #tpu.memory_space<semaphore_mem>>)
      %dma_wait3A_90 = arith.constant 0 : i32
      %dma_wait3A_91 = arith.constant 0 : i32
      %dma_wait3A_92 = tpu.memref_slice %arg3[%run_scoped3A, %add3A, %dma_wait3A_90, %dma_wait3A_91] : memref<2x32x125x80xi32, #tpu.memory_space<hbm>> -> memref<1x1x125x80xi32, #tpu.memory_space<hbm>>
      %dma_wait3A_93 = tpu.memref_squeeze %dma_wait3A_92 : memref<1x1x125x80xi32, #tpu.memory_space<hbm>> -> memref<125x80xi32, #tpu.memory_space<hbm>>
      %dma_wait3A_94 = arith.constant 0 : i32
      %dma_wait3A_95 = arith.constant 0 : i32
      %dma_wait3A_96 = tpu.memref_slice %arg3[%run_scoped3A, %add3A, %dma_wait3A_94, %dma_wait3A_95] : memref<2x32x125x80xi32, #tpu.memory_space<hbm>> -> memref<1x1x125x80xi32, #tpu.memory_space<hbm>>
      %dma_wait3A_97 = tpu.memref_squeeze %dma_wait3A_96 : memref<1x1x125x80xi32, #tpu.memory_space<hbm>> -> memref<125x80xi32, #tpu.memory_space<hbm>>
      tpu.wait_dma2 semaphore(%run_scoped3A_81 : memref<!tpu.dma_semaphore, #tpu.memory_space<semaphore_mem>>) src(%dma_wait3A_97 : memref<125x80xi32, #tpu.memory_space<hbm>>) dst(%arg6 : memref<125x80xi32, #tpu.memory_space<vmem>>)
      tpu.yield
    }) : () -> ()
    %run_scoped3A_28 = arith.constant 1 : i32
    "tpu.region"() ({
      %run_scoped3A_81 = tpu.sem_alloc : memref<!tpu.dma_semaphore, #tpu.memory_space<semaphore_mem>>
      %dma_start3A_82 = arith.constant 0 : i32
      %dma_start3A_83 = arith.constant 0 : i32
      %dma_start3A_84 = tpu.memref_slice %arg3[%run_scoped3A_28, %add3A, %dma_start3A_82, %dma_start3A_83] : memref<2x32x125x80xi32, #tpu.memory_space<hbm>> -> memref<1x1x125x80xi32, #tpu.memory_space<hbm>>
      %dma_start3A_85 = tpu.memref_squeeze %dma_start3A_84 : memref<1x1x125x80xi32, #tpu.memory_space<hbm>> -> memref<125x80xi32, #tpu.memory_space<hbm>>
      %dma_start3A_86 = arith.constant 0 : i32
      %dma_start3A_87 = arith.constant 0 : i32
      %dma_start3A_88 = tpu.memref_slice %arg3[%run_scoped3A_28, %add3A, %dma_start3A_86, %dma_start3A_87] : memref<2x32x125x80xi32, #tpu.memory_space<hbm>> -> memref<1x1x125x80xi32, #tpu.memory_space<hbm>>
      %dma_start3A_89 = tpu.memref_squeeze %dma_start3A_88 : memref<1x1x125x80xi32, #tpu.memory_space<hbm>> -> memref<125x80xi32, #tpu.memory_space<hbm>>
      tpu.enqueue_dma source(%dma_start3A_89 : memref<125x80xi32, #tpu.memory_space<hbm>>) target(%arg7 : memref<125x80xi32, #tpu.memory_space<vmem>>) target_semaphore(%run_scoped3A_81 : memref<!tpu.dma_semaphore, #tpu.memory_space<semaphore_mem>>)
      %dma_wait3A_90 = arith.constant 0 : i32
      %dma_wait3A_91 = arith.constant 0 : i32
      %dma_wait3A_92 = tpu.memref_slice %arg3[%run_scoped3A_28, %add3A, %dma_wait3A_90, %dma_wait3A_91] : memref<2x32x125x80xi32, #tpu.memory_space<hbm>> -> memref<1x1x125x80xi32, #tpu.memory_space<hbm>>
      %dma_wait3A_93 = tpu.memref_squeeze %dma_wait3A_92 : memref<1x1x125x80xi32, #tpu.memory_space<hbm>> -> memref<125x80xi32, #tpu.memory_space<hbm>>
      %dma_wait3A_94 = arith.constant 0 : i32
      %dma_wait3A_95 = arith.constant 0 : i32
      %dma_wait3A_96 = tpu.memref_slice %arg3[%run_scoped3A_28, %add3A, %dma_wait3A_94, %dma_wait3A_95] : memref<2x32x125x80xi32, #tpu.memory_space<hbm>> -> memref<1x1x125x80xi32, #tpu.memory_space<hbm>>
      %dma_wait3A_97 = tpu.memref_squeeze %dma_wait3A_96 : memref<1x1x125x80xi32, #tpu.memory_space<hbm>> -> memref<125x80xi32, #tpu.memory_space<hbm>>
      tpu.wait_dma2 semaphore(%run_scoped3A_81 : memref<!tpu.dma_semaphore, #tpu.memory_space<semaphore_mem>>) src(%dma_wait3A_97 : memref<125x80xi32, #tpu.memory_space<hbm>>) dst(%arg7 : memref<125x80xi32, #tpu.memory_space<vmem>>)
      tpu.yield
    }) : () -> ()
    %dma_wait3A = arith.constant 0 : i32
    %dma_wait3A_29 = tpu.memref_slice %arg14[%mul3A_2, %dma_wait3A] : memref<10112x64xf32, #tpu.memory_space<vmem_shared>> -> memref<632x64xf32, #tpu.memory_space<vmem_shared>>
    %dma_wait3A_30 = arith.constant 0 : i32
    %dma_wait3A_31 = tpu.memref_slice %arg2[%mul3A_2, %dma_wait3A_30] : memref<10112x64xf32, #tpu.memory_space<hbm>> -> memref<632x64xf32, #tpu.memory_space<hbm>>
    tpu.wait_dma2 semaphore(%arg15 : memref<!tpu.dma_semaphore, #tpu.memory_space<semaphore_mem>>) src(%dma_wait3A_31 : memref<632x64xf32, #tpu.memory_space<hbm>>) dst(%dma_wait3A_29 : memref<632x64xf32, #tpu.memory_space<vmem_shared>>)
    %barrier3A = arith.constant 0 : index
    tpu.barrier barrier_id(%barrier3A)
    %dma_start3A_32 = arith.constant 0 : i32
    %dma_start3A_33 = arith.constant 0 : i32
    %dma_start3A_34 = tpu.memref_slice %arg6[%dma_start3A_32, %dma_start3A_33] : memref<125x80xi32, #tpu.memory_space<vmem>> -> memref<1x80xi32, #tpu.memory_space<vmem>>
    %dma_start3A_35 = tpu.memref_squeeze %dma_start3A_34 : memref<1x80xi32, #tpu.memory_space<vmem>> -> memref<80xi32, #tpu.memory_space<vmem>>
    %dma_start3A_36 = arith.constant 0 : i32
    %dma_start3A_37 = arith.constant 0 : i32
    %dma_start3A_38 = tpu.memref_slice %arg14[%dma_start3A_36, %dma_start3A_37] : memref<10112x64xf32, #tpu.memory_space<vmem_shared>> -> memref<10112x64xf32, #tpu.memory_space<vmem_shared>>
    tpu.enqueue_indirect_dma source(%dma_start3A_38 : memref<10112x64xf32, #tpu.memory_space<vmem_shared>>) target(%arg8 : memref<80x64xf32, #tpu.memory_space<vmem>>) offsets(%dma_start3A_35 : memref<80xi32, #tpu.memory_space<vmem>>) semaphore(%arg15 : memref<!tpu.dma_semaphore, #tpu.memory_space<semaphore_mem>>)
    %dma_start3A_39 = arith.constant 1 : i32
    %dma_start3A_40 = arith.constant 0 : i32
    %dma_start3A_41 = tpu.memref_slice %arg6[%dma_start3A_39, %dma_start3A_40] : memref<125x80xi32, #tpu.memory_space<vmem>> -> memref<1x80xi32, #tpu.memory_space<vmem>>
    %dma_start3A_42 = tpu.memref_squeeze %dma_start3A_41 : memref<1x80xi32, #tpu.memory_space<vmem>> -> memref<80xi32, #tpu.memory_space<vmem>>
    %dma_start3A_43 = arith.constant 0 : i32
    %dma_start3A_44 = arith.constant 0 : i32
    %dma_start3A_45 = tpu.memref_slice %arg14[%dma_start3A_43, %dma_start3A_44] : memref<10112x64xf32, #tpu.memory_space<vmem_shared>> -> memref<10112x64xf32, #tpu.memory_space<vmem_shared>>
    tpu.enqueue_indirect_dma source(%dma_start3A_45 : memref<10112x64xf32, #tpu.memory_space<vmem_shared>>) target(%arg9 : memref<80x64xf32, #tpu.memory_space<vmem>>) offsets(%dma_start3A_42 : memref<80xi32, #tpu.memory_space<vmem>>) semaphore(%arg16 : memref<!tpu.dma_semaphore, #tpu.memory_space<semaphore_mem>>)
    %dma_start3A_46 = arith.constant 2 : i32
    %dma_start3A_47 = arith.constant 0 : i32
    %dma_start3A_48 = tpu.memref_slice %arg6[%dma_start3A_46, %dma_start3A_47] : memref<125x80xi32, #tpu.memory_space<vmem>> -> memref<1x80xi32, #tpu.memory_space<vmem>>
    %dma_start3A_49 = tpu.memref_squeeze %dma_start3A_48 : memref<1x80xi32, #tpu.memory_space<vmem>> -> memref<80xi32, #tpu.memory_space<vmem>>
    %dma_start3A_50 = arith.constant 0 : i32
    %dma_start3A_51 = arith.constant 0 : i32
    %dma_start3A_52 = tpu.memref_slice %arg14[%dma_start3A_50, %dma_start3A_51] : memref<10112x64xf32, #tpu.memory_space<vmem_shared>> -> memref<10112x64xf32, #tpu.memory_space<vmem_shared>>
    tpu.enqueue_indirect_dma source(%dma_start3A_52 : memref<10112x64xf32, #tpu.memory_space<vmem_shared>>) target(%arg10 : memref<80x64xf32, #tpu.memory_space<vmem>>) offsets(%dma_start3A_49 : memref<80xi32, #tpu.memory_space<vmem>>) semaphore(%arg17 : memref<!tpu.dma_semaphore, #tpu.memory_space<semaphore_mem>>)
    %dma_start3A_53 = arith.constant 3 : i32
    %dma_start3A_54 = arith.constant 0 : i32
    %dma_start3A_55 = tpu.memref_slice %arg6[%dma_start3A_53, %dma_start3A_54] : memref<125x80xi32, #tpu.memory_space<vmem>> -> memref<1x80xi32, #tpu.memory_space<vmem>>
    %dma_start3A_56 = tpu.memref_squeeze %dma_start3A_55 : memref<1x80xi32, #tpu.memory_space<vmem>> -> memref<80xi32, #tpu.memory_space<vmem>>
    %dma_start3A_57 = arith.constant 0 : i32
    %dma_start3A_58 = arith.constant 0 : i32
    %dma_start3A_59 = tpu.memref_slice %arg14[%dma_start3A_57, %dma_start3A_58] : memref<10112x64xf32, #tpu.memory_space<vmem_shared>> -> memref<10112x64xf32, #tpu.memory_space<vmem_shared>>
    tpu.enqueue_indirect_dma source(%dma_start3A_59 : memref<10112x64xf32, #tpu.memory_space<vmem_shared>>) target(%arg11 : memref<80x64xf32, #tpu.memory_space<vmem>>) offsets(%dma_start3A_56 : memref<80xi32, #tpu.memory_space<vmem>>) semaphore(%arg18 : memref<!tpu.dma_semaphore, #tpu.memory_space<semaphore_mem>>)
    %dma_start3A_60 = arith.constant 4 : i32
    %dma_start3A_61 = arith.constant 0 : i32
    %dma_start3A_62 = tpu.memref_slice %arg6[%dma_start3A_60, %dma_start3A_61] : memref<125x80xi32, #tpu.memory_space<vmem>> -> memref<1x80xi32, #tpu.memory_space<vmem>>
    %dma_start3A_63 = tpu.memref_squeeze %dma_start3A_62 : memref<1x80xi32, #tpu.memory_space<vmem>> -> memref<80xi32, #tpu.memory_space<vmem>>
    %dma_start3A_64 = arith.constant 0 : i32
    %dma_start3A_65 = arith.constant 0 : i32
    %dma_start3A_66 = tpu.memref_slice %arg14[%dma_start3A_64, %dma_start3A_65] : memref<10112x64xf32, #tpu.memory_space<vmem_shared>> -> memref<10112x64xf32, #tpu.memory_space<vmem_shared>>
    tpu.enqueue_indirect_dma source(%dma_start3A_66 : memref<10112x64xf32, #tpu.memory_space<vmem_shared>>) target(%arg12 : memref<80x64xf32, #tpu.memory_space<vmem>>) offsets(%dma_start3A_63 : memref<80xi32, #tpu.memory_space<vmem>>) semaphore(%arg19 : memref<!tpu.dma_semaphore, #tpu.memory_space<semaphore_mem>>)
    %scan3A_67 = arith.constant 0 : i32
    %scan3A_68 = arith.constant 0 : i32
    %scan3A_69 = arith.constant 25 : i32
    %scan3A_70 = arith.addi %scan3A_68, %scan3A_69 : i32
    %scan3A_71 = arith.constant 1 : i32
    scf.for %scan3A_81 = %scan3A_68 to %scan3A_70 step %scan3A_71  : i32 {
      %mul3A_82 = arith.constant 5 : i32
      %mul3A_83 = arith.muli %scan3A_81, %mul3A_82 : i32
      %add3A_84 = arith.constant 0 : i32
      %add3A_85 = arith.addi %mul3A_83, %add3A_84 : i32
      %dma_wait3A_86 = arith.constant 0 : i32
      %dma_wait3A_87 = tpu.memref_slice %arg6[%add3A_85, %dma_wait3A_86] : memref<125x80xi32, #tpu.memory_space<vmem>> -> memref<1x80xi32, #tpu.memory_space<vmem>>
      %dma_wait3A_88 = tpu.memref_squeeze %dma_wait3A_87 : memref<1x80xi32, #tpu.memory_space<vmem>> -> memref<80xi32, #tpu.memory_space<vmem>>
      %dma_wait3A_89 = arith.constant 0 : i32
      %dma_wait3A_90 = arith.constant 0 : i32
      %dma_wait3A_91 = tpu.memref_slice %arg14[%dma_wait3A_89, %dma_wait3A_90] : memref<10112x64xf32, #tpu.memory_space<vmem_shared>> -> memref<10112x64xf32, #tpu.memory_space<vmem_shared>>
      tpu.wait_indirect_dma semaphore(%arg15 : memref<!tpu.dma_semaphore, #tpu.memory_space<semaphore_mem>>) src(%dma_wait3A_91 : memref<10112x64xf32, #tpu.memory_space<vmem_shared>>) dst(%arg8 : memref<80x64xf32, #tpu.memory_space<vmem>>)
      "tpu.region"() ({
        %run_scoped3A_166 = tpu.sem_alloc : memref<!tpu.dma_semaphore, #tpu.memory_space<semaphore_mem>>
        %dma_start3A_167 = arith.constant 0 : i32
        %dma_start3A_168 = tpu.memref_slice %arg7[%add3A_85, %dma_start3A_167] : memref<125x80xi32, #tpu.memory_space<vmem>> -> memref<1x80xi32, #tpu.memory_space<vmem>>
        %dma_start3A_169 = tpu.memref_squeeze %dma_start3A_168 : memref<1x80xi32, #tpu.memory_space<vmem>> -> memref<80xi32, #tpu.memory_space<vmem>>
        %dma_start3A_170 = arith.constant 0 : i32
        %dma_start3A_171 = arith.constant 0 : i32
        %dma_start3A_172 = tpu.memref_slice %arg13[%dma_start3A_170, %dma_start3A_171] : memref<10112x64xf32, #tpu.memory_space<vmem_shared>> -> memref<10112x64xf32, #tpu.memory_space<vmem_shared>>
        tpu.enqueue_indirect_dma source(%arg8 : memref<80x64xf32, #tpu.memory_space<vmem>>) target(%dma_start3A_172 : memref<10112x64xf32, #tpu.memory_space<vmem_shared>>) offsets(%dma_start3A_169 : memref<80xi32, #tpu.memory_space<vmem>>) semaphore(%run_scoped3A_166 : memref<!tpu.dma_semaphore, #tpu.memory_space<semaphore_mem>>) {add = true}
        %dma_wait3A_173 = arith.constant 0 : i32
        %dma_wait3A_174 = tpu.memref_slice %arg7[%add3A_85, %dma_wait3A_173] : memref<125x80xi32, #tpu.memory_space<vmem>> -> memref<1x80xi32, #tpu.memory_space<vmem>>
        %dma_wait3A_175 = tpu.memref_squeeze %dma_wait3A_174 : memref<1x80xi32, #tpu.memory_space<vmem>> -> memref<80xi32, #tpu.memory_space<vmem>>
        %dma_wait3A_176 = arith.constant 0 : i32
        %dma_wait3A_177 = arith.constant 0 : i32
        %dma_wait3A_178 = tpu.memref_slice %arg13[%dma_wait3A_176, %dma_wait3A_177] : memref<10112x64xf32, #tpu.memory_space<vmem_shared>> -> memref<10112x64xf32, #tpu.memory_space<vmem_shared>>
        tpu.wait_indirect_dma semaphore(%run_scoped3A_166 : memref<!tpu.dma_semaphore, #tpu.memory_space<semaphore_mem>>) src(%arg8 : memref<80x64xf32, #tpu.memory_space<vmem>>) dst(%dma_wait3A_178 : memref<10112x64xf32, #tpu.memory_space<vmem_shared>>)
        tpu.yield
      }) : () -> ()
      %add3A_92 = arith.constant 5 : i32
      %add3A_93 = arith.addi %add3A_85, %add3A_92 : i32
      %lt3A = arith.constant 125 : i32
      %lt3A_94 = arith.cmpi slt, %add3A_93, %lt3A : i32
      %convert_element_type3A_95 = arith.extui %lt3A_94 : i1 to i32
      %cond3A_96 = arith.constant 0 : i32
      %cond3A_97 = arith.cmpi ne, %convert_element_type3A_95, %cond3A_96 : i32
      scf.if %cond3A_97 {
        %add3A_166 = arith.constant 5 : i32
        %add3A_167 = arith.addi %add3A_85, %add3A_166 : i32
        %dma_start3A_168 = arith.constant 0 : i32
        %dma_start3A_169 = tpu.memref_slice %arg6[%add3A_167, %dma_start3A_168] : memref<125x80xi32, #tpu.memory_space<vmem>> -> memref<1x80xi32, #tpu.memory_space<vmem>>
        %dma_start3A_170 = tpu.memref_squeeze %dma_start3A_169 : memref<1x80xi32, #tpu.memory_space<vmem>> -> memref<80xi32, #tpu.memory_space<vmem>>
        %dma_start3A_171 = arith.constant 0 : i32
        %dma_start3A_172 = arith.constant 0 : i32
        %dma_start3A_173 = tpu.memref_slice %arg14[%dma_start3A_171, %dma_start3A_172] : memref<10112x64xf32, #tpu.memory_space<vmem_shared>> -> memref<10112x64xf32, #tpu.memory_space<vmem_shared>>
        tpu.enqueue_indirect_dma source(%dma_start3A_173 : memref<10112x64xf32, #tpu.memory_space<vmem_shared>>) target(%arg8 : memref<80x64xf32, #tpu.memory_space<vmem>>) offsets(%dma_start3A_170 : memref<80xi32, #tpu.memory_space<vmem>>) semaphore(%arg15 : memref<!tpu.dma_semaphore, #tpu.memory_space<semaphore_mem>>)
      } else {
      }
      %mul3A_98 = arith.constant 5 : i32
      %mul3A_99 = arith.muli %scan3A_81, %mul3A_98 : i32
      %add3A_100 = arith.constant 1 : i32
      %add3A_101 = arith.addi %mul3A_99, %add3A_100 : i32
      %dma_wait3A_102 = arith.constant 0 : i32
      %dma_wait3A_103 = tpu.memref_slice %arg6[%add3A_101, %dma_wait3A_102] : memref<125x80xi32, #tpu.memory_space<vmem>> -> memref<1x80xi32, #tpu.memory_space<vmem>>
      %dma_wait3A_104 = tpu.memref_squeeze %dma_wait3A_103 : memref<1x80xi32, #tpu.memory_space<vmem>> -> memref<80xi32, #tpu.memory_space<vmem>>
      %dma_wait3A_105 = arith.constant 0 : i32
      %dma_wait3A_106 = arith.constant 0 : i32
      %dma_wait3A_107 = tpu.memref_slice %arg14[%dma_wait3A_105, %dma_wait3A_106] : memref<10112x64xf32, #tpu.memory_space<vmem_shared>> -> memref<10112x64xf32, #tpu.memory_space<vmem_shared>>
      tpu.wait_indirect_dma semaphore(%arg16 : memref<!tpu.dma_semaphore, #tpu.memory_space<semaphore_mem>>) src(%dma_wait3A_107 : memref<10112x64xf32, #tpu.memory_space<vmem_shared>>) dst(%arg9 : memref<80x64xf32, #tpu.memory_space<vmem>>)
      "tpu.region"() ({
        %run_scoped3A_166 = tpu.sem_alloc : memref<!tpu.dma_semaphore, #tpu.memory_space<semaphore_mem>>
        %dma_start3A_167 = arith.constant 0 : i32
        %dma_start3A_168 = tpu.memref_slice %arg7[%add3A_101, %dma_start3A_167] : memref<125x80xi32, #tpu.memory_space<vmem>> -> memref<1x80xi32, #tpu.memory_space<vmem>>
        %dma_start3A_169 = tpu.memref_squeeze %dma_start3A_168 : memref<1x80xi32, #tpu.memory_space<vmem>> -> memref<80xi32, #tpu.memory_space<vmem>>
        %dma_start3A_170 = arith.constant 0 : i32
        %dma_start3A_171 = arith.constant 0 : i32
        %dma_start3A_172 = tpu.memref_slice %arg13[%dma_start3A_170, %dma_start3A_171] : memref<10112x64xf32, #tpu.memory_space<vmem_shared>> -> memref<10112x64xf32, #tpu.memory_space<vmem_shared>>
        tpu.enqueue_indirect_dma source(%arg9 : memref<80x64xf32, #tpu.memory_space<vmem>>) target(%dma_start3A_172 : memref<10112x64xf32, #tpu.memory_space<vmem_shared>>) offsets(%dma_start3A_169 : memref<80xi32, #tpu.memory_space<vmem>>) semaphore(%run_scoped3A_166 : memref<!tpu.dma_semaphore, #tpu.memory_space<semaphore_mem>>) {add = true}
        %dma_wait3A_173 = arith.constant 0 : i32
        %dma_wait3A_174 = tpu.memref_slice %arg7[%add3A_101, %dma_wait3A_173] : memref<125x80xi32, #tpu.memory_space<vmem>> -> memref<1x80xi32, #tpu.memory_space<vmem>>
        %dma_wait3A_175 = tpu.memref_squeeze %dma_wait3A_174 : memref<1x80xi32, #tpu.memory_space<vmem>> -> memref<80xi32, #tpu.memory_space<vmem>>
        %dma_wait3A_176 = arith.constant 0 : i32
        %dma_wait3A_177 = arith.constant 0 : i32
        %dma_wait3A_178 = tpu.memref_slice %arg13[%dma_wait3A_176, %dma_wait3A_177] : memref<10112x64xf32, #tpu.memory_space<vmem_shared>> -> memref<10112x64xf32, #tpu.memory_space<vmem_shared>>
        tpu.wait_indirect_dma semaphore(%run_scoped3A_166 : memref<!tpu.dma_semaphore, #tpu.memory_space<semaphore_mem>>) src(%arg9 : memref<80x64xf32, #tpu.memory_space<vmem>>) dst(%dma_wait3A_178 : memref<10112x64xf32, #tpu.memory_space<vmem_shared>>)
        tpu.yield
      }) : () -> ()
      %add3A_108 = arith.constant 5 : i32
      %add3A_109 = arith.addi %add3A_101, %add3A_108 : i32
      %lt3A_110 = arith.constant 125 : i32
      %lt3A_111 = arith.cmpi slt, %add3A_109, %lt3A_110 : i32
      %convert_element_type3A_112 = arith.extui %lt3A_111 : i1 to i32
      %cond3A_113 = arith.constant 0 : i32
      %cond3A_114 = arith.cmpi ne, %convert_element_type3A_112, %cond3A_113 : i32
      scf.if %cond3A_114 {
        %add3A_166 = arith.constant 5 : i32
        %add3A_167 = arith.addi %add3A_101, %add3A_166 : i32
        %dma_start3A_168 = arith.constant 0 : i32
        %dma_start3A_169 = tpu.memref_slice %arg6[%add3A_167, %dma_start3A_168] : memref<125x80xi32, #tpu.memory_space<vmem>> -> memref<1x80xi32, #tpu.memory_space<vmem>>
        %dma_start3A_170 = tpu.memref_squeeze %dma_start3A_169 : memref<1x80xi32, #tpu.memory_space<vmem>> -> memref<80xi32, #tpu.memory_space<vmem>>
        %dma_start3A_171 = arith.constant 0 : i32
        %dma_start3A_172 = arith.constant 0 : i32
        %dma_start3A_173 = tpu.memref_slice %arg14[%dma_start3A_171, %dma_start3A_172] : memref<10112x64xf32, #tpu.memory_space<vmem_shared>> -> memref<10112x64xf32, #tpu.memory_space<vmem_shared>>
        tpu.enqueue_indirect_dma source(%dma_start3A_173 : memref<10112x64xf32, #tpu.memory_space<vmem_shared>>) target(%arg9 : memref<80x64xf32, #tpu.memory_space<vmem>>) offsets(%dma_start3A_170 : memref<80xi32, #tpu.memory_space<vmem>>) semaphore(%arg16 : memref<!tpu.dma_semaphore, #tpu.memory_space<semaphore_mem>>)
      } else {
      }
      %mul3A_115 = arith.constant 5 : i32
      %mul3A_116 = arith.muli %scan3A_81, %mul3A_115 : i32
      %add3A_117 = arith.constant 2 : i32
      %add3A_118 = arith.addi %mul3A_116, %add3A_117 : i32
      %dma_wait3A_119 = arith.constant 0 : i32
      %dma_wait3A_120 = tpu.memref_slice %arg6[%add3A_118, %dma_wait3A_119] : memref<125x80xi32, #tpu.memory_space<vmem>> -> memref<1x80xi32, #tpu.memory_space<vmem>>
      %dma_wait3A_121 = tpu.memref_squeeze %dma_wait3A_120 : memref<1x80xi32, #tpu.memory_space<vmem>> -> memref<80xi32, #tpu.memory_space<vmem>>
      %dma_wait3A_122 = arith.constant 0 : i32
      %dma_wait3A_123 = arith.constant 0 : i32
      %dma_wait3A_124 = tpu.memref_slice %arg14[%dma_wait3A_122, %dma_wait3A_123] : memref<10112x64xf32, #tpu.memory_space<vmem_shared>> -> memref<10112x64xf32, #tpu.memory_space<vmem_shared>>
      tpu.wait_indirect_dma semaphore(%arg17 : memref<!tpu.dma_semaphore, #tpu.memory_space<semaphore_mem>>) src(%dma_wait3A_124 : memref<10112x64xf32, #tpu.memory_space<vmem_shared>>) dst(%arg10 : memref<80x64xf32, #tpu.memory_space<vmem>>)
      "tpu.region"() ({
        %run_scoped3A_166 = tpu.sem_alloc : memref<!tpu.dma_semaphore, #tpu.memory_space<semaphore_mem>>
        %dma_start3A_167 = arith.constant 0 : i32
        %dma_start3A_168 = tpu.memref_slice %arg7[%add3A_118, %dma_start3A_167] : memref<125x80xi32, #tpu.memory_space<vmem>> -> memref<1x80xi32, #tpu.memory_space<vmem>>
        %dma_start3A_169 = tpu.memref_squeeze %dma_start3A_168 : memref<1x80xi32, #tpu.memory_space<vmem>> -> memref<80xi32, #tpu.memory_space<vmem>>
        %dma_start3A_170 = arith.constant 0 : i32
        %dma_start3A_171 = arith.constant 0 : i32
        %dma_start3A_172 = tpu.memref_slice %arg13[%dma_start3A_170, %dma_start3A_171] : memref<10112x64xf32, #tpu.memory_space<vmem_shared>> -> memref<10112x64xf32, #tpu.memory_space<vmem_shared>>
        tpu.enqueue_indirect_dma source(%arg10 : memref<80x64xf32, #tpu.memory_space<vmem>>) target(%dma_start3A_172 : memref<10112x64xf32, #tpu.memory_space<vmem_shared>>) offsets(%dma_start3A_169 : memref<80xi32, #tpu.memory_space<vmem>>) semaphore(%run_scoped3A_166 : memref<!tpu.dma_semaphore, #tpu.memory_space<semaphore_mem>>) {add = true}
        %dma_wait3A_173 = arith.constant 0 : i32
        %dma_wait3A_174 = tpu.memref_slice %arg7[%add3A_118, %dma_wait3A_173] : memref<125x80xi32, #tpu.memory_space<vmem>> -> memref<1x80xi32, #tpu.memory_space<vmem>>
        %dma_wait3A_175 = tpu.memref_squeeze %dma_wait3A_174 : memref<1x80xi32, #tpu.memory_space<vmem>> -> memref<80xi32, #tpu.memory_space<vmem>>
        %dma_wait3A_176 = arith.constant 0 : i32
        %dma_wait3A_177 = arith.constant 0 : i32
        %dma_wait3A_178 = tpu.memref_slice %arg13[%dma_wait3A_176, %dma_wait3A_177] : memref<10112x64xf32, #tpu.memory_space<vmem_shared>> -> memref<10112x64xf32, #tpu.memory_space<vmem_shared>>
        tpu.wait_indirect_dma semaphore(%run_scoped3A_166 : memref<!tpu.dma_semaphore, #tpu.memory_space<semaphore_mem>>) src(%arg10 : memref<80x64xf32, #tpu.memory_space<vmem>>) dst(%dma_wait3A_178 : memref<10112x64xf32, #tpu.memory_space<vmem_shared>>)
        tpu.yield
      }) : () -> ()
      %add3A_125 = arith.constant 5 : i32
      %add3A_126 = arith.addi %add3A_118, %add3A_125 : i32
      %lt3A_127 = arith.constant 125 : i32
      %lt3A_128 = arith.cmpi slt, %add3A_126, %lt3A_127 : i32
      %convert_element_type3A_129 = arith.extui %lt3A_128 : i1 to i32
      %cond3A_130 = arith.constant 0 : i32
      %cond3A_131 = arith.cmpi ne, %convert_element_type3A_129, %cond3A_130 : i32
      scf.if %cond3A_131 {
        %add3A_166 = arith.constant 5 : i32
        %add3A_167 = arith.addi %add3A_118, %add3A_166 : i32
        %dma_start3A_168 = arith.constant 0 : i32
        %dma_start3A_169 = tpu.memref_slice %arg6[%add3A_167, %dma_start3A_168] : memref<125x80xi32, #tpu.memory_space<vmem>> -> memref<1x80xi32, #tpu.memory_space<vmem>>
        %dma_start3A_170 = tpu.memref_squeeze %dma_start3A_169 : memref<1x80xi32, #tpu.memory_space<vmem>> -> memref<80xi32, #tpu.memory_space<vmem>>
        %dma_start3A_171 = arith.constant 0 : i32
        %dma_start3A_172 = arith.constant 0 : i32
        %dma_start3A_173 = tpu.memref_slice %arg14[%dma_start3A_171, %dma_start3A_172] : memref<10112x64xf32, #tpu.memory_space<vmem_shared>> -> memref<10112x64xf32, #tpu.memory_space<vmem_shared>>
        tpu.enqueue_indirect_dma source(%dma_start3A_173 : memref<10112x64xf32, #tpu.memory_space<vmem_shared>>) target(%arg10 : memref<80x64xf32, #tpu.memory_space<vmem>>) offsets(%dma_start3A_170 : memref<80xi32, #tpu.memory_space<vmem>>) semaphore(%arg17 : memref<!tpu.dma_semaphore, #tpu.memory_space<semaphore_mem>>)
      } else {
      }
      %mul3A_132 = arith.constant 5 : i32
      %mul3A_133 = arith.muli %scan3A_81, %mul3A_132 : i32
      %add3A_134 = arith.constant 3 : i32
      %add3A_135 = arith.addi %mul3A_133, %add3A_134 : i32
      %dma_wait3A_136 = arith.constant 0 : i32
      %dma_wait3A_137 = tpu.memref_slice %arg6[%add3A_135, %dma_wait3A_136] : memref<125x80xi32, #tpu.memory_space<vmem>> -> memref<1x80xi32, #tpu.memory_space<vmem>>
      %dma_wait3A_138 = tpu.memref_squeeze %dma_wait3A_137 : memref<1x80xi32, #tpu.memory_space<vmem>> -> memref<80xi32, #tpu.memory_space<vmem>>
      %dma_wait3A_139 = arith.constant 0 : i32
      %dma_wait3A_140 = arith.constant 0 : i32
      %dma_wait3A_141 = tpu.memref_slice %arg14[%dma_wait3A_139, %dma_wait3A_140] : memref<10112x64xf32, #tpu.memory_space<vmem_shared>> -> memref<10112x64xf32, #tpu.memory_space<vmem_shared>>
      tpu.wait_indirect_dma semaphore(%arg18 : memref<!tpu.dma_semaphore, #tpu.memory_space<semaphore_mem>>) src(%dma_wait3A_141 : memref<10112x64xf32, #tpu.memory_space<vmem_shared>>) dst(%arg11 : memref<80x64xf32, #tpu.memory_space<vmem>>)
      "tpu.region"() ({
        %run_scoped3A_166 = tpu.sem_alloc : memref<!tpu.dma_semaphore, #tpu.memory_space<semaphore_mem>>
        %dma_start3A_167 = arith.constant 0 : i32
        %dma_start3A_168 = tpu.memref_slice %arg7[%add3A_135, %dma_start3A_167] : memref<125x80xi32, #tpu.memory_space<vmem>> -> memref<1x80xi32, #tpu.memory_space<vmem>>
        %dma_start3A_169 = tpu.memref_squeeze %dma_start3A_168 : memref<1x80xi32, #tpu.memory_space<vmem>> -> memref<80xi32, #tpu.memory_space<vmem>>
        %dma_start3A_170 = arith.constant 0 : i32
        %dma_start3A_171 = arith.constant 0 : i32
        %dma_start3A_172 = tpu.memref_slice %arg13[%dma_start3A_170, %dma_start3A_171] : memref<10112x64xf32, #tpu.memory_space<vmem_shared>> -> memref<10112x64xf32, #tpu.memory_space<vmem_shared>>
        tpu.enqueue_indirect_dma source(%arg11 : memref<80x64xf32, #tpu.memory_space<vmem>>) target(%dma_start3A_172 : memref<10112x64xf32, #tpu.memory_space<vmem_shared>>) offsets(%dma_start3A_169 : memref<80xi32, #tpu.memory_space<vmem>>) semaphore(%run_scoped3A_166 : memref<!tpu.dma_semaphore, #tpu.memory_space<semaphore_mem>>) {add = true}
        %dma_wait3A_173 = arith.constant 0 : i32
        %dma_wait3A_174 = tpu.memref_slice %arg7[%add3A_135, %dma_wait3A_173] : memref<125x80xi32, #tpu.memory_space<vmem>> -> memref<1x80xi32, #tpu.memory_space<vmem>>
        %dma_wait3A_175 = tpu.memref_squeeze %dma_wait3A_174 : memref<1x80xi32, #tpu.memory_space<vmem>> -> memref<80xi32, #tpu.memory_space<vmem>>
        %dma_wait3A_176 = arith.constant 0 : i32
        %dma_wait3A_177 = arith.constant 0 : i32
        %dma_wait3A_178 = tpu.memref_slice %arg13[%dma_wait3A_176, %dma_wait3A_177] : memref<10112x64xf32, #tpu.memory_space<vmem_shared>> -> memref<10112x64xf32, #tpu.memory_space<vmem_shared>>
        tpu.wait_indirect_dma semaphore(%run_scoped3A_166 : memref<!tpu.dma_semaphore, #tpu.memory_space<semaphore_mem>>) src(%arg11 : memref<80x64xf32, #tpu.memory_space<vmem>>) dst(%dma_wait3A_178 : memref<10112x64xf32, #tpu.memory_space<vmem_shared>>)
        tpu.yield
      }) : () -> ()
      %add3A_142 = arith.constant 5 : i32
      %add3A_143 = arith.addi %add3A_135, %add3A_142 : i32
      %lt3A_144 = arith.constant 125 : i32
      %lt3A_145 = arith.cmpi slt, %add3A_143, %lt3A_144 : i32
      %convert_element_type3A_146 = arith.extui %lt3A_145 : i1 to i32
      %cond3A_147 = arith.constant 0 : i32
      %cond3A_148 = arith.cmpi ne, %convert_element_type3A_146, %cond3A_147 : i32
      scf.if %cond3A_148 {
        %add3A_166 = arith.constant 5 : i32
        %add3A_167 = arith.addi %add3A_135, %add3A_166 : i32
        %dma_start3A_168 = arith.constant 0 : i32
        %dma_start3A_169 = tpu.memref_slice %arg6[%add3A_167, %dma_start3A_168] : memref<125x80xi32, #tpu.memory_space<vmem>> -> memref<1x80xi32, #tpu.memory_space<vmem>>
        %dma_start3A_170 = tpu.memref_squeeze %dma_start3A_169 : memref<1x80xi32, #tpu.memory_space<vmem>> -> memref<80xi32, #tpu.memory_space<vmem>>
        %dma_start3A_171 = arith.constant 0 : i32
        %dma_start3A_172 = arith.constant 0 : i32
        %dma_start3A_173 = tpu.memref_slice %arg14[%dma_start3A_171, %dma_start3A_172] : memref<10112x64xf32, #tpu.memory_space<vmem_shared>> -> memref<10112x64xf32, #tpu.memory_space<vmem_shared>>
        tpu.enqueue_indirect_dma source(%dma_start3A_173 : memref<10112x64xf32, #tpu.memory_space<vmem_shared>>) target(%arg11 : memref<80x64xf32, #tpu.memory_space<vmem>>) offsets(%dma_start3A_170 : memref<80xi32, #tpu.memory_space<vmem>>) semaphore(%arg18 : memref<!tpu.dma_semaphore, #tpu.memory_space<semaphore_mem>>)
      } else {
      }
      %mul3A_149 = arith.constant 5 : i32
      %mul3A_150 = arith.muli %scan3A_81, %mul3A_149 : i32
      %add3A_151 = arith.constant 4 : i32
      %add3A_152 = arith.addi %mul3A_150, %add3A_151 : i32
      %dma_wait3A_153 = arith.constant 0 : i32
      %dma_wait3A_154 = tpu.memref_slice %arg6[%add3A_152, %dma_wait3A_153] : memref<125x80xi32, #tpu.memory_space<vmem>> -> memref<1x80xi32, #tpu.memory_space<vmem>>
      %dma_wait3A_155 = tpu.memref_squeeze %dma_wait3A_154 : memref<1x80xi32, #tpu.memory_space<vmem>> -> memref<80xi32, #tpu.memory_space<vmem>>
      %dma_wait3A_156 = arith.constant 0 : i32
      %dma_wait3A_157 = arith.constant 0 : i32
      %dma_wait3A_158 = tpu.memref_slice %arg14[%dma_wait3A_156, %dma_wait3A_157] : memref<10112x64xf32, #tpu.memory_space<vmem_shared>> -> memref<10112x64xf32, #tpu.memory_space<vmem_shared>>
      tpu.wait_indirect_dma semaphore(%arg19 : memref<!tpu.dma_semaphore, #tpu.memory_space<semaphore_mem>>) src(%dma_wait3A_158 : memref<10112x64xf32, #tpu.memory_space<vmem_shared>>) dst(%arg12 : memref<80x64xf32, #tpu.memory_space<vmem>>)
      "tpu.region"() ({
        %run_scoped3A_166 = tpu.sem_alloc : memref<!tpu.dma_semaphore, #tpu.memory_space<semaphore_mem>>
        %dma_start3A_167 = arith.constant 0 : i32
        %dma_start3A_168 = tpu.memref_slice %arg7[%add3A_152, %dma_start3A_167] : memref<125x80xi32, #tpu.memory_space<vmem>> -> memref<1x80xi32, #tpu.memory_space<vmem>>
        %dma_start3A_169 = tpu.memref_squeeze %dma_start3A_168 : memref<1x80xi32, #tpu.memory_space<vmem>> -> memref<80xi32, #tpu.memory_space<vmem>>
        %dma_start3A_170 = arith.constant 0 : i32
        %dma_start3A_171 = arith.constant 0 : i32
        %dma_start3A_172 = tpu.memref_slice %arg13[%dma_start3A_170, %dma_start3A_171] : memref<10112x64xf32, #tpu.memory_space<vmem_shared>> -> memref<10112x64xf32, #tpu.memory_space<vmem_shared>>
        tpu.enqueue_indirect_dma source(%arg12 : memref<80x64xf32, #tpu.memory_space<vmem>>) target(%dma_start3A_172 : memref<10112x64xf32, #tpu.memory_space<vmem_shared>>) offsets(%dma_start3A_169 : memref<80xi32, #tpu.memory_space<vmem>>) semaphore(%run_scoped3A_166 : memref<!tpu.dma_semaphore, #tpu.memory_space<semaphore_mem>>) {add = true}
        %dma_wait3A_173 = arith.constant 0 : i32
        %dma_wait3A_174 = tpu.memref_slice %arg7[%add3A_152, %dma_wait3A_173] : memref<125x80xi32, #tpu.memory_space<vmem>> -> memref<1x80xi32, #tpu.memory_space<vmem>>
        %dma_wait3A_175 = tpu.memref_squeeze %dma_wait3A_174 : memref<1x80xi32, #tpu.memory_space<vmem>> -> memref<80xi32, #tpu.memory_space<vmem>>
        %dma_wait3A_176 = arith.constant 0 : i32
        %dma_wait3A_177 = arith.constant 0 : i32
        %dma_wait3A_178 = tpu.memref_slice %arg13[%dma_wait3A_176, %dma_wait3A_177] : memref<10112x64xf32, #tpu.memory_space<vmem_shared>> -> memref<10112x64xf32, #tpu.memory_space<vmem_shared>>
        tpu.wait_indirect_dma semaphore(%run_scoped3A_166 : memref<!tpu.dma_semaphore, #tpu.memory_space<semaphore_mem>>) src(%arg12 : memref<80x64xf32, #tpu.memory_space<vmem>>) dst(%dma_wait3A_178 : memref<10112x64xf32, #tpu.memory_space<vmem_shared>>)
        tpu.yield
      }) : () -> ()
      %add3A_159 = arith.constant 5 : i32
      %add3A_160 = arith.addi %add3A_152, %add3A_159 : i32
      %lt3A_161 = arith.constant 125 : i32
      %lt3A_162 = arith.cmpi slt, %add3A_160, %lt3A_161 : i32
      %convert_element_type3A_163 = arith.extui %lt3A_162 : i1 to i32
      %cond3A_164 = arith.constant 0 : i32
      %cond3A_165 = arith.cmpi ne, %convert_element_type3A_163, %cond3A_164 : i32
      scf.if %cond3A_165 {
        %add3A_166 = arith.constant 5 : i32
        %add3A_167 = arith.addi %add3A_152, %add3A_166 : i32
        %dma_start3A_168 = arith.constant 0 : i32
        %dma_start3A_169 = tpu.memref_slice %arg6[%add3A_167, %dma_start3A_168] : memref<125x80xi32, #tpu.memory_space<vmem>> -> memref<1x80xi32, #tpu.memory_space<vmem>>
        %dma_start3A_170 = tpu.memref_squeeze %dma_start3A_169 : memref<1x80xi32, #tpu.memory_space<vmem>> -> memref<80xi32, #tpu.memory_space<vmem>>
        %dma_start3A_171 = arith.constant 0 : i32
        %dma_start3A_172 = arith.constant 0 : i32
        %dma_start3A_173 = tpu.memref_slice %arg14[%dma_start3A_171, %dma_start3A_172] : memref<10112x64xf32, #tpu.memory_space<vmem_shared>> -> memref<10112x64xf32, #tpu.memory_space<vmem_shared>>
        tpu.enqueue_indirect_dma source(%dma_start3A_173 : memref<10112x64xf32, #tpu.memory_space<vmem_shared>>) target(%arg12 : memref<80x64xf32, #tpu.memory_space<vmem>>) offsets(%dma_start3A_170 : memref<80xi32, #tpu.memory_space<vmem>>) semaphore(%arg19 : memref<!tpu.dma_semaphore, #tpu.memory_space<semaphore_mem>>)
      } else {
      }
    }
    %scan3A_72 = arith.constant 25 : i32
    %barrier3A_73 = arith.constant 0 : index
    tpu.barrier barrier_id(%barrier3A_73)
    %eq3A = arith.constant 0 : i32
    %eq3A_74 = arith.cmpi eq, %arg0, %eq3A : i32
    %convert_element_type3A = arith.extui %eq3A_74 : i1 to i32
    %cond3A = arith.constant 0 : i32
    %cond3A_75 = arith.cmpi ne, %convert_element_type3A, %cond3A : i32
    scf.if %cond3A_75 {
      "tpu.region"() ({
        %run_scoped3A_81 = tpu.sem_alloc : memref<!tpu.dma_semaphore, #tpu.memory_space<semaphore_mem>>
        %dma_start3A_82 = arith.constant 0 : i32
        %dma_start3A_83 = tpu.memref_slice %arg4[%mul3A_2, %dma_start3A_82] : memref<10112x64xf32, #tpu.memory_space<hbm>> -> memref<632x64xf32, #tpu.memory_space<hbm>>
        %dma_start3A_84 = arith.constant 0 : i32
        %dma_start3A_85 = tpu.memref_slice %arg13[%mul3A_2, %dma_start3A_84] : memref<10112x64xf32, #tpu.memory_space<vmem_shared>> -> memref<632x64xf32, #tpu.memory_space<vmem_shared>>
        tpu.enqueue_dma source(%dma_start3A_85 : memref<632x64xf32, #tpu.memory_space<vmem_shared>>) target(%dma_start3A_83 : memref<632x64xf32, #tpu.memory_space<hbm>>) target_semaphore(%run_scoped3A_81 : memref<!tpu.dma_semaphore, #tpu.memory_space<semaphore_mem>>)
        %dma_wait3A_86 = arith.constant 0 : i32
        %dma_wait3A_87 = tpu.memref_slice %arg4[%mul3A_2, %dma_wait3A_86] : memref<10112x64xf32, #tpu.memory_space<hbm>> -> memref<632x64xf32, #tpu.memory_space<hbm>>
        %dma_wait3A_88 = arith.constant 0 : i32
        %dma_wait3A_89 = tpu.memref_slice %arg13[%mul3A_2, %dma_wait3A_88] : memref<10112x64xf32, #tpu.memory_space<vmem_shared>> -> memref<632x64xf32, #tpu.memory_space<vmem_shared>>
        tpu.wait_dma2 semaphore(%run_scoped3A_81 : memref<!tpu.dma_semaphore, #tpu.memory_space<semaphore_mem>>) src(%dma_wait3A_89 : memref<632x64xf32, #tpu.memory_space<vmem_shared>>) dst(%dma_wait3A_87 : memref<632x64xf32, #tpu.memory_space<hbm>>)
        tpu.yield
      }) : () -> ()
    } else {
    }
    %eq3A_76 = arith.constant 1 : i32
    %eq3A_77 = arith.cmpi eq, %arg0, %eq3A_76 : i32
    %convert_element_type3A_78 = arith.extui %eq3A_77 : i1 to i32
    %cond3A_79 = arith.constant 0 : i32
    %cond3A_80 = arith.cmpi ne, %convert_element_type3A_78, %cond3A_79 : i32
    scf.if %cond3A_80 {
      "tpu.region"() ({
        %run_scoped3A_81 = tpu.sem_alloc : memref<!tpu.dma_semaphore, #tpu.memory_space<semaphore_mem>>
        %dma_start3A_82 = arith.constant 0 : i32
        %dma_start3A_83 = tpu.memref_slice %arg5[%mul3A_2, %dma_start3A_82] : memref<10112x64xf32, #tpu.memory_space<hbm>> -> memref<632x64xf32, #tpu.memory_space<hbm>>
        %dma_start3A_84 = arith.constant 0 : i32
        %dma_start3A_85 = tpu.memref_slice %arg13[%mul3A_2, %dma_start3A_84] : memref<10112x64xf32, #tpu.memory_space<vmem_shared>> -> memref<632x64xf32, #tpu.memory_space<vmem_shared>>
        tpu.enqueue_dma source(%dma_start3A_85 : memref<632x64xf32, #tpu.memory_space<vmem_shared>>) target(%dma_start3A_83 : memref<632x64xf32, #tpu.memory_space<hbm>>) target_semaphore(%run_scoped3A_81 : memref<!tpu.dma_semaphore, #tpu.memory_space<semaphore_mem>>)
        %dma_wait3A_86 = arith.constant 0 : i32
        %dma_wait3A_87 = tpu.memref_slice %arg5[%mul3A_2, %dma_wait3A_86] : memref<10112x64xf32, #tpu.memory_space<hbm>> -> memref<632x64xf32, #tpu.memory_space<hbm>>
        %dma_wait3A_88 = arith.constant 0 : i32
        %dma_wait3A_89 = tpu.memref_slice %arg13[%mul3A_2, %dma_wait3A_88] : memref<10112x64xf32, #tpu.memory_space<vmem_shared>> -> memref<632x64xf32, #tpu.memory_space<vmem_shared>>
        tpu.wait_dma2 semaphore(%run_scoped3A_81 : memref<!tpu.dma_semaphore, #tpu.memory_space<semaphore_mem>>) src(%dma_wait3A_89 : memref<632x64xf32, #tpu.memory_space<vmem_shared>>) dst(%dma_wait3A_87 : memref<632x64xf32, #tpu.memory_space<hbm>>)
        tpu.yield
      }) : () -> ()
    } else {
    }
    return
  }
}

module attributes {stable_mosaic.version = 14 : i64} {
  func.func @_proj_body(%arg0: i32, %arg1: memref<1264x256xf32, #tpu.memory_space<vmem>>, %arg2: memref<256x128xf32, #tpu.memory_space<vmem>>, %arg3: memref<1264x128xf32, #tpu.memory_space<vmem>>) attributes {dimension_semantics = [#tpu.dimension_semantics<arbitrary>], iteration_bounds = array<i64: 4>, scalar_prefetch = 0 : i64, scratch_operands = 0 : i64, tpu.core_type = #tpu.core_type<tc>, window_params = [{transform_indices = @transform_0, window_bounds = array<i64: 1264, 256>}, {pipeline_mode = #tpu.pipeline_mode<synchronous>, transform_indices = @transform_1, window_bounds = array<i64: 256, 128>}, {transform_indices = @transform_2, window_bounds = array<i64: 1264, 128>}]} {
    %mul3A = arith.constant 1264 : i32
    %mul3A_0 = arith.muli %arg0, %mul3A : i32
    %iota3A = tpu.iota {dimensions = array<i32: 0>} : vector<1264x1xi32>
    %add3A = vector.broadcast %mul3A_0 : i32 to vector<1264x1xi32>
    %add3A_1 = arith.addi %add3A, %iota3A : vector<1264x1xi32>
    %lt3A = arith.constant 5000 : i32
    %lt3A_2 = vector.broadcast %lt3A : i32 to vector<1264x1xi32>
    %lt3A_3 = arith.cmpi slt, %add3A_1, %lt3A_2 : vector<1264x1xi32>
    %convert_element_type3A = arith.extui %lt3A_3 : vector<1264x1xi1> to vector<1264x1xi32>
    %convert_element_type3A_4 = arith.sitofp %convert_element_type3A : vector<1264x1xi32> to vector<1264x1xf32>
    %gt3A = arith.constant 0.000000e+00 : f32
    %gt3A_5 = vector.broadcast %gt3A : f32 to vector<1264x1xf32>
    %gt3A_6 = arith.cmpf ogt, %convert_element_type3A_4, %gt3A_5 : vector<1264x1xf32>
    %get3A = arith.constant 0 : index
    %get3A_7 = arith.constant 0 : index
    %get3A_8 = vector.load %arg1[%get3A, %get3A_7] : memref<1264x256xf32, #tpu.memory_space<vmem>>, vector<1264x256xf32>
    %jit3A = arith.constant 0.000000e+00 : f32
    %broadcast_in_dim3A = vector.shape_cast %gt3A_6 : vector<1264x1xi1> to vector<1264x1xi1>
    %broadcast_in_dim3A_9 = vector.broadcast %broadcast_in_dim3A : vector<1264x1xi1> to vector<1264x256xi1>
    %broadcast_in_dim3A_10 = vector.broadcast %jit3A : f32 to vector<1264x256xf32>
    %select_n3A = arith.select %broadcast_in_dim3A_9, %get3A_8, %broadcast_in_dim3A_10 : vector<1264x256xi1>, vector<1264x256xf32>
    %get3A_11 = arith.constant 0 : index
    %get3A_12 = arith.constant 0 : index
    %get3A_13 = vector.load %arg2[%get3A_11, %get3A_12] : memref<256x128xf32, #tpu.memory_space<vmem>>, vector<256x128xf32>
    %dot_general3A = arith.constant dense<0.000000e+00> : vector<1264x128xf32>
    %dot_general3A_14 = tpu.matmul %select_n3A, %get3A_13, %dot_general3A {dimension_numbers = #tpu.dot_dimension_numbers<[1], [0], [0], [1], [0, 0, 1, 1], [], []>, precision = #tpu.contract_precision<fp32>, transpose_lhs_hint = false} : vector<1264x256xf32>, vector<256x128xf32>, vector<1264x128xf32> -> vector<1264x128xf32>
    %swap3A = arith.constant 0 : index
    %swap3A_15 = arith.constant 0 : index
    %swap3A_16 = vector.load %arg3[%swap3A, %swap3A_15] : memref<1264x128xf32, #tpu.memory_space<vmem>>, vector<1264x128xf32>
    tpu.vector_store %arg3[%swap3A, %swap3A_15], %dot_general3A_14 {strides = array<i32>} : memref<1264x128xf32, #tpu.memory_space<vmem>>, vector<1264x128xf32>,
    return
  }
  func.func @transform_0(%arg0: i32) -> (i32, i32) {
    %c0_i32 = arith.constant 0 : i32
    %c0_i32_0 = arith.constant 0 : i32
    return %arg0, %c0_i32 : i32, i32
  }
  func.func @transform_1(%arg0: i32) -> (i32, i32) {
    %c0_i32 = arith.constant 0 : i32
    %c0_i32_0 = arith.constant 0 : i32
    %c0_i32_1 = arith.constant 0 : i32
    return %c0_i32, %c0_i32_0 : i32, i32
  }
  func.func @transform_2(%arg0: i32) -> (i32, i32) {
    %c0_i32 = arith.constant 0 : i32
    %c0_i32_0 = arith.constant 0 : i32
    return %arg0, %c0_i32 : i32, i32
  }
}

module attributes {stable_mosaic.version = 14 : i64} {
  func.func @_stats_body(%arg0: i32, %arg1: memref<1264x128xf32, #tpu.memory_space<vmem>>, %arg2: memref<1264x128xf32, #tpu.memory_space<vmem>>, %arg3: memref<1264x128xf32, #tpu.memory_space<vmem>>, %arg4: memref<1x128xf32, #tpu.memory_space<vmem>>, %arg5: memref<128x128xf32, #tpu.memory_space<vmem>>, %arg6: memref<1x128xf32, #tpu.memory_space<vmem>>, %arg7: memref<1264x128xf32, #tpu.memory_space<vmem>>, %arg8: memref<2x128xf32, #tpu.memory_space<vmem>>) attributes {dimension_semantics = [#tpu.dimension_semantics<arbitrary>], iteration_bounds = array<i64: 4>, scalar_prefetch = 0 : i64, scratch_operands = 0 : i64, tpu.core_type = #tpu.core_type<tc>, window_params = [{transform_indices = @transform_0, window_bounds = array<i64: 1264, 128>}, {transform_indices = @transform_1, window_bounds = array<i64: 1264, 128>}, {transform_indices = @transform_2, window_bounds = array<i64: 1264, 128>}, {pipeline_mode = #tpu.pipeline_mode<synchronous>, transform_indices = @transform_3, window_bounds = array<i64: 1, 128>}, {pipeline_mode = #tpu.pipeline_mode<synchronous>, transform_indices = @transform_4, window_bounds = array<i64: 128, 128>}, {pipeline_mode = #tpu.pipeline_mode<synchronous>, transform_indices = @transform_5, window_bounds = array<i64: 1, 128>}, {transform_indices = @transform_6, window_bounds = array<i64: 1264, 128>}, {pipeline_mode = #tpu.pipeline_mode<synchronous>, transform_indices = @transform_7, window_bounds = array<i64: 2, 128>}]} {
    %get3A = arith.constant 0 : index
    %get3A_0 = arith.constant 0 : index
    %get3A_1 = vector.load %arg1[%get3A, %get3A_0] : memref<1264x128xf32, #tpu.memory_space<vmem>>, vector<1264x128xf32>
    %get3A_2 = arith.constant 0 : index
    %get3A_3 = arith.constant 0 : index
    %get3A_4 = vector.load %arg2[%get3A_2, %get3A_3] : memref<1264x128xf32, #tpu.memory_space<vmem>>, vector<1264x128xf32>
    %add3A = arith.addf %get3A_1, %get3A_4 : vector<1264x128xf32>
    %get3A_5 = arith.constant 0 : index
    %get3A_6 = arith.constant 0 : index
    %get3A_7 = vector.load %arg3[%get3A_5, %get3A_6] : memref<1264x128xf32, #tpu.memory_space<vmem>>, vector<1264x128xf32>
    %add3A_8 = arith.addf %add3A, %get3A_7 : vector<1264x128xf32>
    %get3A_9 = arith.constant 0 : index
    %get3A_10 = arith.constant 0 : index
    %get3A_11 = vector.load %arg4[%get3A_9, %get3A_10] : memref<1x128xf32, #tpu.memory_space<vmem>>, vector<1x128xf32>
    %add3A_12 = vector.broadcast %get3A_11 : vector<1x128xf32> to vector<1264x128xf32>
    %add3A_13 = arith.addf %add3A_8, %add3A_12 : vector<1264x128xf32>
    %max3A = arith.constant 0.000000e+00 : f32
    %max3A_14 = vector.broadcast %max3A : f32 to vector<1264x128xf32>
    %max3A_15 = arith.maximumf %add3A_13, %max3A_14 : vector<1264x128xf32>
    %get3A_16 = arith.constant 0 : index
    %get3A_17 = arith.constant 0 : index
    %get3A_18 = vector.load %arg5[%get3A_16, %get3A_17] : memref<128x128xf32, #tpu.memory_space<vmem>>, vector<128x128xf32>
    %dot_general3A = arith.constant dense<0.000000e+00> : vector<1264x128xf32>
    %dot_general3A_19 = tpu.matmul %max3A_15, %get3A_18, %dot_general3A {dimension_numbers = #tpu.dot_dimension_numbers<[1], [0], [0], [1], [0, 0, 1, 1], [], []>, precision = #tpu.contract_precision<fp32>, transpose_lhs_hint = false} : vector<1264x128xf32>, vector<128x128xf32>, vector<1264x128xf32> -> vector<1264x128xf32>
    %get3A_20 = arith.constant 0 : index
    %get3A_21 = arith.constant 0 : index
    %get3A_22 = vector.load %arg6[%get3A_20, %get3A_21] : memref<1x128xf32, #tpu.memory_space<vmem>>, vector<1x128xf32>
    %add3A_23 = vector.broadcast %get3A_22 : vector<1x128xf32> to vector<1264x128xf32>
    %add3A_24 = arith.addf %dot_general3A_19, %add3A_23 : vector<1264x128xf32>
    %swap3A = arith.constant 0 : index
    %swap3A_25 = arith.constant 0 : index
    %swap3A_26 = vector.load %arg7[%swap3A, %swap3A_25] : memref<1264x128xf32, #tpu.memory_space<vmem>>, vector<1264x128xf32>
    tpu.vector_store %arg7[%swap3A, %swap3A_25], %add3A_24 {strides = array<i32>} : memref<1264x128xf32, #tpu.memory_space<vmem>>, vector<1264x128xf32>,
    %mul3A = arith.constant 1264 : i32
    %mul3A_27 = arith.muli %arg0, %mul3A : i32
    %iota3A = tpu.iota {dimensions = array<i32: 0>} : vector<1264x1xi32>
    %add3A_28 = vector.broadcast %mul3A_27 : i32 to vector<1264x1xi32>
    %add3A_29 = arith.addi %add3A_28, %iota3A : vector<1264x1xi32>
    %lt3A = arith.constant 5000 : i32
    %lt3A_30 = vector.broadcast %lt3A : i32 to vector<1264x1xi32>
    %lt3A_31 = arith.cmpi slt, %add3A_29, %lt3A_30 : vector<1264x1xi32>
    %convert_element_type3A = arith.extui %lt3A_31 : vector<1264x1xi1> to vector<1264x1xi32>
    %convert_element_type3A_32 = arith.sitofp %convert_element_type3A : vector<1264x1xi32> to vector<1264x1xf32>
    %mul3A_33 = vector.broadcast %convert_element_type3A_32 : vector<1264x1xf32> to vector<1264x128xf32>
    %mul3A_34 = arith.mulf %add3A_24, %mul3A_33 : vector<1264x128xf32>
    %reduce_sum3A = arith.constant dense<0.000000e+00> : vector<128xf32>
    %reduce_sum3A_35 = vector.multi_reduction <add>, %mul3A_34, %reduce_sum3A [0] : vector<1264x128xf32> to vector<128xf32>
    %broadcast_in_dim3A = vector.shape_cast %reduce_sum3A_35 : vector<128xf32> to vector<1x128xf32>
    %mul3A_36 = arith.mulf %mul3A_34, %mul3A_34 : vector<1264x128xf32>
    %reduce_sum3A_37 = arith.constant dense<0.000000e+00> : vector<128xf32>
    %reduce_sum3A_38 = vector.multi_reduction <add>, %mul3A_36, %reduce_sum3A_37 [0] : vector<1264x128xf32> to vector<128xf32>
    %broadcast_in_dim3A_39 = vector.shape_cast %reduce_sum3A_38 : vector<128xf32> to vector<1x128xf32>
    %concatenate3A = tpu.concatenate %broadcast_in_dim3A, %broadcast_in_dim3A_39 in 0 : vector<1x128xf32>, vector<1x128xf32> -> vector<2x128xf32>
    %eq3A = arith.constant 0 : i32
    %eq3A_40 = arith.cmpi eq, %arg0, %eq3A : i32
    %convert_element_type3A_41 = arith.extui %eq3A_40 : i1 to i32
    %cond3A = arith.constant 0 : i32
    %cond3A_42 = arith.cmpi ne, %convert_element_type3A_41, %cond3A : i32
    scf.if %cond3A_42 {
      %broadcast_in_dim3A_50 = arith.constant 0.000000e+00 : f32
      %broadcast_in_dim3A_51 = vector.broadcast %broadcast_in_dim3A_50 : f32 to vector<2x128xf32>
      %swap3A_52 = arith.constant 0 : index
      %swap3A_53 = arith.constant 0 : index
      %swap3A_54 = vector.load %arg8[%swap3A_52, %swap3A_53] : memref<2x128xf32, #tpu.memory_space<vmem>>, vector<2x128xf32>
      tpu.vector_store %arg8[%swap3A_52, %swap3A_53], %broadcast_in_dim3A_51 {strides = array<i32>} : memref<2x128xf32, #tpu.memory_space<vmem>>, vector<2x128xf32>,
    } else {
    }
    %get3A_43 = arith.constant 0 : index
    %get3A_44 = arith.constant 0 : index
    %get3A_45 = vector.load %arg8[%get3A_43, %get3A_44] : memref<2x128xf32, #tpu.memory_space<vmem>>, vector<2x128xf32>
    %add3A_46 = arith.addf %get3A_45, %concatenate3A : vector<2x128xf32>
    %swap3A_47 = arith.constant 0 : index
    %swap3A_48 = arith.constant 0 : index
    %swap3A_49 = vector.load %arg8[%swap3A_47, %swap3A_48] : memref<2x128xf32, #tpu.memory_space<vmem>>, vector<2x128xf32>
    tpu.vector_store %arg8[%swap3A_47, %swap3A_48], %add3A_46 {strides = array<i32>} : memref<2x128xf32, #tpu.memory_space<vmem>>, vector<2x128xf32>,
    return
  }
  func.func @transform_0(%arg0: i32) -> (i32, i32) {
    %c0_i32 = arith.constant 0 : i32
    %c0_i32_0 = arith.constant 0 : i32
    return %arg0, %c0_i32 : i32, i32
  }
  func.func @transform_1(%arg0: i32) -> (i32, i32) {
    %c0_i32 = arith.constant 0 : i32
    %c0_i32_0 = arith.constant 0 : i32
    return %arg0, %c0_i32 : i32, i32
  }
  func.func @transform_2(%arg0: i32) -> (i32, i32) {
    %c0_i32 = arith.constant 0 : i32
    %c0_i32_0 = arith.constant 0 : i32
    return %arg0, %c0_i32 : i32, i32
  }
  func.func @transform_3(%arg0: i32) -> (i32, i32) {
    %c0_i32 = arith.constant 0 : i32
    %c0_i32_0 = arith.constant 0 : i32
    %c0_i32_1 = arith.constant 0 : i32
    return %c0_i32, %c0_i32_0 : i32, i32
  }
  func.func @transform_4(%arg0: i32) -> (i32, i32) {
    %c0_i32 = arith.constant 0 : i32
    %c0_i32_0 = arith.constant 0 : i32
    %c0_i32_1 = arith.constant 0 : i32
    return %c0_i32, %c0_i32_0 : i32, i32
  }
  func.func @transform_5(%arg0: i32) -> (i32, i32) {
    %c0_i32 = arith.constant 0 : i32
    %c0_i32_0 = arith.constant 0 : i32
    %c0_i32_1 = arith.constant 0 : i32
    return %c0_i32, %c0_i32_0 : i32, i32
  }
  func.func @transform_6(%arg0: i32) -> (i32, i32) {
    %c0_i32 = arith.constant 0 : i32
    %c0_i32_0 = arith.constant 0 : i32
    return %arg0, %c0_i32 : i32, i32
  }
  func.func @transform_7(%arg0: i32) -> (i32, i32) {
    %c0_i32 = arith.constant 0 : i32
    %c0_i32_0 = arith.constant 0 : i32
    %c0_i32_1 = arith.constant 0 : i32
    return %c0_i32, %c0_i32_0 : i32, i32
  }
}

module attributes {stable_mosaic.version = 14 : i64} {
  func.func @_norm_proj_body(%arg0: i32, %arg1: memref<1264x128xf32, #tpu.memory_space<vmem>>, %arg2: memref<2x128xf32, #tpu.memory_space<vmem>>, %arg3: memref<1x128xf32, #tpu.memory_space<vmem>>, %arg4: memref<1x128xf32, #tpu.memory_space<vmem>>, %arg5: memref<128x128xf32, #tpu.memory_space<vmem>>, %arg6: memref<1264x128xf32, #tpu.memory_space<vmem>>) attributes {dimension_semantics = [#tpu.dimension_semantics<arbitrary>], iteration_bounds = array<i64: 4>, scalar_prefetch = 0 : i64, scratch_operands = 0 : i64, tpu.core_type = #tpu.core_type<tc>, window_params = [{transform_indices = @transform_0, window_bounds = array<i64: 1264, 128>}, {pipeline_mode = #tpu.pipeline_mode<synchronous>, transform_indices = @transform_1, window_bounds = array<i64: 2, 128>}, {pipeline_mode = #tpu.pipeline_mode<synchronous>, transform_indices = @transform_2, window_bounds = array<i64: 1, 128>}, {pipeline_mode = #tpu.pipeline_mode<synchronous>, transform_indices = @transform_3, window_bounds = array<i64: 1, 128>}, {pipeline_mode = #tpu.pipeline_mode<synchronous>, transform_indices = @transform_4, window_bounds = array<i64: 128, 128>}, {transform_indices = @transform_5, window_bounds = array<i64: 1264, 128>}]} {
    %get3A = arith.constant 0 : index
    %get3A_0 = arith.constant 0 : index
    %get3A_1 = vector.load %arg2[%get3A, %get3A_0] : memref<2x128xf32, #tpu.memory_space<vmem>>, vector<2x128xf32>
    %slice3A = vector.extract_strided_slice %get3A_1 {offsets = [0, 0], sizes = [1, 128], strides = [1, 1]} : vector<2x128xf32> to vector<1x128xf32>
    %slice3A_2 = vector.extract_strided_slice %slice3A {offsets = [0, 0], sizes = [1, 64], strides = [1, 1]} : vector<1x128xf32> to vector<1x64xf32>
    %slice3A_3 = vector.extract_strided_slice %slice3A {offsets = [0, 64], sizes = [1, 64], strides = [1, 1]} : vector<1x128xf32> to vector<1x64xf32>
    %add3A = arith.addf %slice3A_2, %slice3A_3 : vector<1x64xf32>
    %div3A = arith.constant 1.000000e+04 : f32
    %div3A_4 = vector.broadcast %div3A : f32 to vector<1x64xf32>
    %div3A_5 = arith.divf %add3A, %div3A_4 : vector<1x64xf32>
    %slice3A_6 = vector.extract_strided_slice %get3A_1 {offsets = [1, 0], sizes = [1, 128], strides = [1, 1]} : vector<2x128xf32> to vector<1x128xf32>
    %slice3A_7 = vector.extract_strided_slice %slice3A_6 {offsets = [0, 0], sizes = [1, 64], strides = [1, 1]} : vector<1x128xf32> to vector<1x64xf32>
    %slice3A_8 = vector.extract_strided_slice %slice3A_6 {offsets = [0, 64], sizes = [1, 64], strides = [1, 1]} : vector<1x128xf32> to vector<1x64xf32>
    %add3A_9 = arith.addf %slice3A_7, %slice3A_8 : vector<1x64xf32>
    %div3A_10 = arith.constant 1.000000e+04 : f32
    %div3A_11 = vector.broadcast %div3A_10 : f32 to vector<1x64xf32>
    %div3A_12 = arith.divf %add3A_9, %div3A_11 : vector<1x64xf32>
    %mul3A = arith.mulf %div3A_5, %div3A_5 : vector<1x64xf32>
    %sub3A = arith.subf %div3A_12, %mul3A : vector<1x64xf32>
    %add3A_13 = arith.constant 9.99999974E-6 : f32
    %add3A_14 = vector.broadcast %add3A_13 : f32 to vector<1x64xf32>
    %add3A_15 = arith.addf %sub3A, %add3A_14 : vector<1x64xf32>
    %rsqrt3A = math.rsqrt %add3A_15 : vector<1x64xf32>
    %concatenate3A = tpu.concatenate %div3A_5, %div3A_5 in 1 : vector<1x64xf32>, vector<1x64xf32> -> vector<1x128xf32>
    %concatenate3A_16 = tpu.concatenate %rsqrt3A, %rsqrt3A in 1 : vector<1x64xf32>, vector<1x64xf32> -> vector<1x128xf32>
    %get3A_17 = arith.constant 0 : index
    %get3A_18 = arith.constant 0 : index
    %get3A_19 = vector.load %arg1[%get3A_17, %get3A_18] : memref<1264x128xf32, #tpu.memory_space<vmem>>, vector<1264x128xf32>
    %sub3A_20 = vector.broadcast %concatenate3A : vector<1x128xf32> to vector<1264x128xf32>
    %sub3A_21 = arith.subf %get3A_19, %sub3A_20 : vector<1264x128xf32>
    %mul3A_22 = vector.broadcast %concatenate3A_16 : vector<1x128xf32> to vector<1264x128xf32>
    %mul3A_23 = arith.mulf %sub3A_21, %mul3A_22 : vector<1264x128xf32>
    %get3A_24 = arith.constant 0 : index
    %get3A_25 = arith.constant 0 : index
    %get3A_26 = vector.load %arg3[%get3A_24, %get3A_25] : memref<1x128xf32, #tpu.memory_space<vmem>>, vector<1x128xf32>
    %mul3A_27 = vector.broadcast %get3A_26 : vector<1x128xf32> to vector<1264x128xf32>
    %mul3A_28 = arith.mulf %mul3A_23, %mul3A_27 : vector<1264x128xf32>
    %get3A_29 = arith.constant 0 : index
    %get3A_30 = arith.constant 0 : index
    %get3A_31 = vector.load %arg4[%get3A_29, %get3A_30] : memref<1x128xf32, #tpu.memory_space<vmem>>, vector<1x128xf32>
    %add3A_32 = vector.broadcast %get3A_31 : vector<1x128xf32> to vector<1264x128xf32>
    %add3A_33 = arith.addf %mul3A_28, %add3A_32 : vector<1264x128xf32>
    %max3A = arith.constant 0.000000e+00 : f32
    %max3A_34 = vector.broadcast %max3A : f32 to vector<1264x128xf32>
    %max3A_35 = arith.maximumf %add3A_33, %max3A_34 : vector<1264x128xf32>
    %mul3A_36 = arith.constant 1264 : i32
    %mul3A_37 = arith.muli %arg0, %mul3A_36 : i32
    %iota3A = tpu.iota {dimensions = array<i32: 0>} : vector<1264x1xi32>
    %add3A_38 = vector.broadcast %mul3A_37 : i32 to vector<1264x1xi32>
    %add3A_39 = arith.addi %add3A_38, %iota3A : vector<1264x1xi32>
    %lt3A = arith.constant 5000 : i32
    %lt3A_40 = vector.broadcast %lt3A : i32 to vector<1264x1xi32>
    %lt3A_41 = arith.cmpi slt, %add3A_39, %lt3A_40 : vector<1264x1xi32>
    %convert_element_type3A = arith.extui %lt3A_41 : vector<1264x1xi1> to vector<1264x1xi32>
    %convert_element_type3A_42 = arith.sitofp %convert_element_type3A : vector<1264x1xi32> to vector<1264x1xf32>
    %mul3A_43 = vector.broadcast %convert_element_type3A_42 : vector<1264x1xf32> to vector<1264x128xf32>
    %mul3A_44 = arith.mulf %max3A_35, %mul3A_43 : vector<1264x128xf32>
    %get3A_45 = arith.constant 0 : index
    %get3A_46 = arith.constant 0 : index
    %get3A_47 = vector.load %arg5[%get3A_45, %get3A_46] : memref<128x128xf32, #tpu.memory_space<vmem>>, vector<128x128xf32>
    %dot_general3A = arith.constant dense<0.000000e+00> : vector<1264x128xf32>
    %dot_general3A_48 = tpu.matmul %mul3A_44, %get3A_47, %dot_general3A {dimension_numbers = #tpu.dot_dimension_numbers<[1], [0], [0], [1], [0, 0, 1, 1], [], []>, precision = #tpu.contract_precision<fp32>, transpose_lhs_hint = false} : vector<1264x128xf32>, vector<128x128xf32>, vector<1264x128xf32> -> vector<1264x128xf32>
    %swap3A = arith.constant 0 : index
    %swap3A_49 = arith.constant 0 : index
    %swap3A_50 = vector.load %arg6[%swap3A, %swap3A_49] : memref<1264x128xf32, #tpu.memory_space<vmem>>, vector<1264x128xf32>
    tpu.vector_store %arg6[%swap3A, %swap3A_49], %dot_general3A_48 {strides = array<i32>} : memref<1264x128xf32, #tpu.memory_space<vmem>>, vector<1264x128xf32>,
    return
  }
  func.func @transform_0(%arg0: i32) -> (i32, i32) {
    %c0_i32 = arith.constant 0 : i32
    %c0_i32_0 = arith.constant 0 : i32
    return %arg0, %c0_i32 : i32, i32
  }
  func.func @transform_1(%arg0: i32) -> (i32, i32) {
    %c0_i32 = arith.constant 0 : i32
    %c0_i32_0 = arith.constant 0 : i32
    %c0_i32_1 = arith.constant 0 : i32
    return %c0_i32, %c0_i32_0 : i32, i32
  }
  func.func @transform_2(%arg0: i32) -> (i32, i32) {
    %c0_i32 = arith.constant 0 : i32
    %c0_i32_0 = arith.constant 0 : i32
    %c0_i32_1 = arith.constant 0 : i32
    return %c0_i32, %c0_i32_0 : i32, i32
  }
  func.func @transform_3(%arg0: i32) -> (i32, i32) {
    %c0_i32 = arith.constant 0 : i32
    %c0_i32_0 = arith.constant 0 : i32
    %c0_i32_1 = arith.constant 0 : i32
    return %c0_i32, %c0_i32_0 : i32, i32
  }
  func.func @transform_4(%arg0: i32) -> (i32, i32) {
    %c0_i32 = arith.constant 0 : i32
    %c0_i32_0 = arith.constant 0 : i32
    %c0_i32_1 = arith.constant 0 : i32
    return %c0_i32, %c0_i32_0 : i32, i32
  }
  func.func @transform_5(%arg0: i32) -> (i32, i32) {
    %c0_i32 = arith.constant 0 : i32
    %c0_i32_0 = arith.constant 0 : i32
    return %arg0, %c0_i32 : i32, i32
  }
}

module attributes {stable_mosaic.version = 14 : i64} {
  func.func @_pool_head_body(%arg0: i32, %arg1: memref<1264x128xf32, #tpu.memory_space<vmem>>, %arg2: memref<2x128xf32, #tpu.memory_space<vmem>>, %arg3: memref<1x128xf32, #tpu.memory_space<vmem>>, %arg4: memref<1x128xf32, #tpu.memory_space<vmem>>, %arg5: memref<1x1x1264xi32, #tpu.memory_space<vmem>>, %arg6: memref<1x1x1264xi32, #tpu.memory_space<vmem>>, %arg7: memref<64x64xf32, #tpu.memory_space<vmem>>, %arg8: memref<1x64xf32, #tpu.memory_space<vmem>>, %arg9: memref<64x10xf32, #tpu.memory_space<vmem>>, %arg10: memref<1x10xf32, #tpu.memory_space<vmem>>, %arg11: memref<128x10xf32, #tpu.memory_space<vmem>>, %arg12: memref<128x64xf32, #tpu.memory_space<vmem>>) attributes {dimension_semantics = [#tpu.dimension_semantics<arbitrary>], iteration_bounds = array<i64: 4>, scalar_prefetch = 0 : i64, scratch_operands = 1 : i64, tpu.core_type = #tpu.core_type<tc>, window_params = [{transform_indices = @transform_0, window_bounds = array<i64: 1264, 128>}, {pipeline_mode = #tpu.pipeline_mode<synchronous>, transform_indices = @transform_1, window_bounds = array<i64: 2, 128>}, {pipeline_mode = #tpu.pipeline_mode<synchronous>, transform_indices = @transform_2, window_bounds = array<i64: 1, 128>}, {pipeline_mode = #tpu.pipeline_mode<synchronous>, transform_indices = @transform_3, window_bounds = array<i64: 1, 128>}, {transform_indices = @transform_4, window_bounds = array<i64: 1, 1, 1264>}, {transform_indices = @transform_5, window_bounds = array<i64: 1, 1, 1264>}, {pipeline_mode = #tpu.pipeline_mode<synchronous>, transform_indices = @transform_6, window_bounds = array<i64: 64, 64>}, {pipeline_mode = #tpu.pipeline_mode<synchronous>, transform_indices = @transform_7, window_bounds = array<i64: 1, 64>}, {pipeline_mode = #tpu.pipeline_mode<synchronous>, transform_indices = @transform_8, window_bounds = array<i64: 64, 10>}, {pipeline_mode = #tpu.pipeline_mode<synchronous>, transform_indices = @transform_9, window_bounds = array<i64: 1, 10>}, {pipeline_mode = #tpu.pipeline_mode<synchronous>, transform_indices = @transform_10, window_bounds = array<i64: 128, 10>}]} {
    %get3A = arith.constant 0 : index
    %get3A_0 = arith.constant 0 : index
    %get3A_1 = vector.load %arg2[%get3A, %get3A_0] : memref<2x128xf32, #tpu.memory_space<vmem>>, vector<2x128xf32>
    %slice3A = vector.extract_strided_slice %get3A_1 {offsets = [0, 0], sizes = [1, 128], strides = [1, 1]} : vector<2x128xf32> to vector<1x128xf32>
    %slice3A_2 = vector.extract_strided_slice %slice3A {offsets = [0, 0], sizes = [1, 64], strides = [1, 1]} : vector<1x128xf32> to vector<1x64xf32>
    %slice3A_3 = vector.extract_strided_slice %slice3A {offsets = [0, 64], sizes = [1, 64], strides = [1, 1]} : vector<1x128xf32> to vector<1x64xf32>
    %add3A = arith.addf %slice3A_2, %slice3A_3 : vector<1x64xf32>
    %div3A = arith.constant 1.000000e+04 : f32
    %div3A_4 = vector.broadcast %div3A : f32 to vector<1x64xf32>
    %div3A_5 = arith.divf %add3A, %div3A_4 : vector<1x64xf32>
    %slice3A_6 = vector.extract_strided_slice %get3A_1 {offsets = [1, 0], sizes = [1, 128], strides = [1, 1]} : vector<2x128xf32> to vector<1x128xf32>
    %slice3A_7 = vector.extract_strided_slice %slice3A_6 {offsets = [0, 0], sizes = [1, 64], strides = [1, 1]} : vector<1x128xf32> to vector<1x64xf32>
    %slice3A_8 = vector.extract_strided_slice %slice3A_6 {offsets = [0, 64], sizes = [1, 64], strides = [1, 1]} : vector<1x128xf32> to vector<1x64xf32>
    %add3A_9 = arith.addf %slice3A_7, %slice3A_8 : vector<1x64xf32>
    %div3A_10 = arith.constant 1.000000e+04 : f32
    %div3A_11 = vector.broadcast %div3A_10 : f32 to vector<1x64xf32>
    %div3A_12 = arith.divf %add3A_9, %div3A_11 : vector<1x64xf32>
    %mul3A = arith.mulf %div3A_5, %div3A_5 : vector<1x64xf32>
    %sub3A = arith.subf %div3A_12, %mul3A : vector<1x64xf32>
    %add3A_13 = arith.constant 9.99999974E-6 : f32
    %add3A_14 = vector.broadcast %add3A_13 : f32 to vector<1x64xf32>
    %add3A_15 = arith.addf %sub3A, %add3A_14 : vector<1x64xf32>
    %rsqrt3A = math.rsqrt %add3A_15 : vector<1x64xf32>
    %concatenate3A = tpu.concatenate %div3A_5, %div3A_5 in 1 : vector<1x64xf32>, vector<1x64xf32> -> vector<1x128xf32>
    %concatenate3A_16 = tpu.concatenate %rsqrt3A, %rsqrt3A in 1 : vector<1x64xf32>, vector<1x64xf32> -> vector<1x128xf32>
    %get3A_17 = arith.constant 0 : index
    %get3A_18 = arith.constant 0 : index
    %get3A_19 = vector.load %arg1[%get3A_17, %get3A_18] : memref<1264x128xf32, #tpu.memory_space<vmem>>, vector<1264x128xf32>
    %sub3A_20 = vector.broadcast %concatenate3A : vector<1x128xf32> to vector<1264x128xf32>
    %sub3A_21 = arith.subf %get3A_19, %sub3A_20 : vector<1264x128xf32>
    %mul3A_22 = vector.broadcast %concatenate3A_16 : vector<1x128xf32> to vector<1264x128xf32>
    %mul3A_23 = arith.mulf %sub3A_21, %mul3A_22 : vector<1264x128xf32>
    %get3A_24 = arith.constant 0 : index
    %get3A_25 = arith.constant 0 : index
    %get3A_26 = vector.load %arg3[%get3A_24, %get3A_25] : memref<1x128xf32, #tpu.memory_space<vmem>>, vector<1x128xf32>
    %mul3A_27 = vector.broadcast %get3A_26 : vector<1x128xf32> to vector<1264x128xf32>
    %mul3A_28 = arith.mulf %mul3A_23, %mul3A_27 : vector<1264x128xf32>
    %get3A_29 = arith.constant 0 : index
    %get3A_30 = arith.constant 0 : index
    %get3A_31 = vector.load %arg4[%get3A_29, %get3A_30] : memref<1x128xf32, #tpu.memory_space<vmem>>, vector<1x128xf32>
    %add3A_32 = vector.broadcast %get3A_31 : vector<1x128xf32> to vector<1264x128xf32>
    %add3A_33 = arith.addf %mul3A_28, %add3A_32 : vector<1264x128xf32>
    %max3A = arith.constant 0.000000e+00 : f32
    %max3A_34 = vector.broadcast %max3A : f32 to vector<1264x128xf32>
    %max3A_35 = arith.maximumf %add3A_33, %max3A_34 : vector<1264x128xf32>
    %mul3A_36 = arith.constant 1264 : i32
    %mul3A_37 = arith.muli %arg0, %mul3A_36 : i32
    %iota3A = tpu.iota {dimensions = array<i32: 0>} : vector<1264x1xi32>
    %add3A_38 = vector.broadcast %mul3A_37 : i32 to vector<1264x1xi32>
    %add3A_39 = arith.addi %add3A_38, %iota3A : vector<1264x1xi32>
    %lt3A = arith.constant 5000 : i32
    %lt3A_40 = vector.broadcast %lt3A : i32 to vector<1264x1xi32>
    %lt3A_41 = arith.cmpi slt, %add3A_39, %lt3A_40 : vector<1264x1xi32>
    %convert_element_type3A = arith.extui %lt3A_41 : vector<1264x1xi1> to vector<1264x1xi32>
    %convert_element_type3A_42 = arith.sitofp %convert_element_type3A : vector<1264x1xi32> to vector<1264x1xf32>
    %mul3A_43 = vector.broadcast %convert_element_type3A_42 : vector<1264x1xf32> to vector<1264x128xf32>
    %mul3A_44 = arith.mulf %max3A_35, %mul3A_43 : vector<1264x128xf32>
    %iota3A_45 = tpu.iota {dimensions = array<i32: 0>} : vector<128x1264xi32>
    %get3A_46 = arith.constant 0 : index
    %get3A_47 = arith.constant 0 : index
    %get3A_48 = arith.constant 0 : index
    %get3A_49 = vector.load %arg5[%get3A_46, %get3A_47, %get3A_48] : memref<1x1x1264xi32, #tpu.memory_space<vmem>>, vector<1x1x1264xi32>
    %get3A_50 = vector.shape_cast %get3A_49 : vector<1x1x1264xi32> to vector<1x1264xi32>
    %eq3A = vector.broadcast %get3A_50 : vector<1x1264xi32> to vector<128x1264xi32>
    %eq3A_51 = arith.cmpi eq, %iota3A_45, %eq3A : vector<128x1264xi32>
    %convert_element_type3A_52 = arith.extui %eq3A_51 : vector<128x1264xi1> to vector<128x1264xi32>
    %convert_element_type3A_53 = arith.sitofp %convert_element_type3A_52 : vector<128x1264xi32> to vector<128x1264xf32>
    %get3A_54 = arith.constant 0 : index
    %get3A_55 = arith.constant 0 : index
    %get3A_56 = arith.constant 0 : index
    %get3A_57 = vector.load %arg6[%get3A_54, %get3A_55, %get3A_56] : memref<1x1x1264xi32, #tpu.memory_space<vmem>>, vector<1x1x1264xi32>
    %get3A_58 = vector.shape_cast %get3A_57 : vector<1x1x1264xi32> to vector<1x1264xi32>
    %eq3A_59 = vector.broadcast %get3A_58 : vector<1x1264xi32> to vector<128x1264xi32>
    %eq3A_60 = arith.cmpi eq, %iota3A_45, %eq3A_59 : vector<128x1264xi32>
    %convert_element_type3A_61 = arith.extui %eq3A_60 : vector<128x1264xi1> to vector<128x1264xi32>
    %convert_element_type3A_62 = arith.sitofp %convert_element_type3A_61 : vector<128x1264xi32> to vector<128x1264xf32>
    %dot_general3A = arith.constant dense<0.000000e+00> : vector<128x128xf32>
    %dot_general3A_63 = tpu.matmul %convert_element_type3A_53, %mul3A_44, %dot_general3A {dimension_numbers = #tpu.dot_dimension_numbers<[1], [0], [0], [1], [0, 0, 1, 1], [], []>, precision = #tpu.contract_precision<fp32>, transpose_lhs_hint = false} : vector<128x1264xf32>, vector<1264x128xf32>, vector<128x128xf32> -> vector<128x128xf32>
    %slice3A_64 = vector.extract_strided_slice %dot_general3A_63 {offsets = [0, 0], sizes = [128, 64], strides = [1, 1]} : vector<128x128xf32> to vector<128x64xf32>
    %dot_general3A_65 = arith.constant dense<0.000000e+00> : vector<128x128xf32>
    %dot_general3A_66 = tpu.matmul %convert_element_type3A_62, %mul3A_44, %dot_general3A_65 {dimension_numbers = #tpu.dot_dimension_numbers<[1], [0], [0], [1], [0, 0, 1, 1], [], []>, precision = #tpu.contract_precision<fp32>, transpose_lhs_hint = false} : vector<128x1264xf32>, vector<1264x128xf32>, vector<128x128xf32> -> vector<128x128xf32>
    %slice3A_67 = vector.extract_strided_slice %dot_general3A_66 {offsets = [0, 64], sizes = [128, 64], strides = [1, 1]} : vector<128x128xf32> to vector<128x64xf32>
    %add3A_68 = arith.addf %slice3A_64, %slice3A_67 : vector<128x64xf32>
    %eq3A_69 = arith.constant 0 : i32
    %eq3A_70 = arith.cmpi eq, %arg0, %eq3A_69 : i32
    %convert_element_type3A_71 = arith.extui %eq3A_70 : i1 to i32
    %cond3A = arith.constant 0 : i32
    %cond3A_72 = arith.cmpi ne, %convert_element_type3A_71, %cond3A : i32
    scf.if %cond3A_72 {
      %swap3A = arith.constant 0 : index
      %swap3A_82 = arith.constant 0 : index
      %swap3A_83 = vector.load %arg12[%swap3A, %swap3A_82] : memref<128x64xf32, #tpu.memory_space<vmem>>, vector<128x64xf32>
      tpu.vector_store %arg12[%swap3A, %swap3A_82], %add3A_68 {strides = array<i32>} : memref<128x64xf32, #tpu.memory_space<vmem>>, vector<128x64xf32>,
    } else {
    }
    %gt3A = arith.constant 0 : i32
    %gt3A_73 = arith.cmpi sgt, %arg0, %gt3A : i32
    %convert_element_type3A_74 = arith.extui %gt3A_73 : i1 to i32
    %cond3A_75 = arith.constant 0 : i32
    %cond3A_76 = arith.cmpi ne, %convert_element_type3A_74, %cond3A_75 : i32
    scf.if %cond3A_76 {
      %get3A_82 = arith.constant 0 : index
      %get3A_83 = arith.constant 0 : index
      %get3A_84 = vector.load %arg12[%get3A_82, %get3A_83] : memref<128x64xf32, #tpu.memory_space<vmem>>, vector<128x64xf32>
      %add3A_85 = arith.addf %get3A_84, %add3A_68 : vector<128x64xf32>
      %swap3A = arith.constant 0 : index
      %swap3A_86 = arith.constant 0 : index
      %swap3A_87 = vector.load %arg12[%swap3A, %swap3A_86] : memref<128x64xf32, #tpu.memory_space<vmem>>, vector<128x64xf32>
      tpu.vector_store %arg12[%swap3A, %swap3A_86], %add3A_85 {strides = array<i32>} : memref<128x64xf32, #tpu.memory_space<vmem>>, vector<128x64xf32>,
    } else {
    }
    %eq3A_77 = arith.constant 3 : i32
    %eq3A_78 = arith.cmpi eq, %arg0, %eq3A_77 : i32
    %convert_element_type3A_79 = arith.extui %eq3A_78 : i1 to i32
    %cond3A_80 = arith.constant 0 : i32
    %cond3A_81 = arith.cmpi ne, %convert_element_type3A_79, %cond3A_80 : i32
    scf.if %cond3A_81 {
      %get3A_82 = arith.constant 0 : index
      %get3A_83 = arith.constant 0 : index
      %get3A_84 = vector.load %arg12[%get3A_82, %get3A_83] : memref<128x64xf32, #tpu.memory_space<vmem>>, vector<128x64xf32>
      %get3A_85 = arith.constant 0 : index
      %get3A_86 = arith.constant 0 : index
      %get3A_87 = vector.load %arg7[%get3A_85, %get3A_86] : memref<64x64xf32, #tpu.memory_space<vmem>>, vector<64x64xf32>
      %dot_general3A_88 = arith.constant dense<0.000000e+00> : vector<128x64xf32>
      %dot_general3A_89 = tpu.matmul %get3A_84, %get3A_87, %dot_general3A_88 {dimension_numbers = #tpu.dot_dimension_numbers<[1], [0], [0], [1], [0, 0, 1, 1], [], []>, precision = #tpu.contract_precision<fp32>, transpose_lhs_hint = false} : vector<128x64xf32>, vector<64x64xf32>, vector<128x64xf32> -> vector<128x64xf32>
      %get3A_90 = arith.constant 0 : index
      %get3A_91 = arith.constant 0 : index
      %get3A_92 = vector.load %arg8[%get3A_90, %get3A_91] : memref<1x64xf32, #tpu.memory_space<vmem>>, vector<1x64xf32>
      %add3A_93 = vector.broadcast %get3A_92 : vector<1x64xf32> to vector<128x64xf32>
      %add3A_94 = arith.addf %dot_general3A_89, %add3A_93 : vector<128x64xf32>
      %max3A_95 = arith.constant 0.000000e+00 : f32
      %max3A_96 = vector.broadcast %max3A_95 : f32 to vector<128x64xf32>
      %max3A_97 = arith.maximumf %add3A_94, %max3A_96 : vector<128x64xf32>
      %get3A_98 = arith.constant 0 : index
      %get3A_99 = arith.constant 0 : index
      %get3A_100 = vector.load %arg9[%get3A_98, %get3A_99] : memref<64x10xf32, #tpu.memory_space<vmem>>, vector<64x10xf32>
      %dot_general3A_101 = arith.constant dense<0.000000e+00> : vector<128x10xf32>
      %dot_general3A_102 = tpu.matmul %max3A_97, %get3A_100, %dot_general3A_101 {dimension_numbers = #tpu.dot_dimension_numbers<[1], [0], [0], [1], [0, 0, 1, 1], [], []>, precision = #tpu.contract_precision<fp32>, transpose_lhs_hint = false} : vector<128x64xf32>, vector<64x10xf32>, vector<128x10xf32> -> vector<128x10xf32>
      %get3A_103 = arith.constant 0 : index
      %get3A_104 = arith.constant 0 : index
      %get3A_105 = vector.load %arg10[%get3A_103, %get3A_104] : memref<1x10xf32, #tpu.memory_space<vmem>>, vector<1x10xf32>
      %add3A_106 = vector.broadcast %get3A_105 : vector<1x10xf32> to vector<128x10xf32>
      %add3A_107 = arith.addf %dot_general3A_102, %add3A_106 : vector<128x10xf32>
      %swap3A = arith.constant 0 : index
      %swap3A_108 = arith.constant 0 : index
      %swap3A_109 = vector.load %arg11[%swap3A, %swap3A_108] : memref<128x10xf32, #tpu.memory_space<vmem>>, vector<128x10xf32>
      tpu.vector_store %arg11[%swap3A, %swap3A_108], %add3A_107 {strides = array<i32>} : memref<128x10xf32, #tpu.memory_space<vmem>>, vector<128x10xf32>,
    } else {
    }
    return
  }
  func.func @transform_0(%arg0: i32) -> (i32, i32) {
    %c0_i32 = arith.constant 0 : i32
    %c0_i32_0 = arith.constant 0 : i32
    return %arg0, %c0_i32 : i32, i32
  }
  func.func @transform_1(%arg0: i32) -> (i32, i32) {
    %c0_i32 = arith.constant 0 : i32
    %c0_i32_0 = arith.constant 0 : i32
    %c0_i32_1 = arith.constant 0 : i32
    return %c0_i32, %c0_i32_0 : i32, i32
  }
  func.func @transform_2(%arg0: i32) -> (i32, i32) {
    %c0_i32 = arith.constant 0 : i32
    %c0_i32_0 = arith.constant 0 : i32
    %c0_i32_1 = arith.constant 0 : i32
    return %c0_i32, %c0_i32_0 : i32, i32
  }
  func.func @transform_3(%arg0: i32) -> (i32, i32) {
    %c0_i32 = arith.constant 0 : i32
    %c0_i32_0 = arith.constant 0 : i32
    %c0_i32_1 = arith.constant 0 : i32
    return %c0_i32, %c0_i32_0 : i32, i32
  }
  func.func @transform_4(%arg0: i32) -> (i32, i32, i32) {
    %c0_i32 = arith.constant 0 : i32
    %c0_i32_0 = arith.constant 0 : i32
    %c0_i32_1 = arith.constant 0 : i32
    return %arg0, %c0_i32, %c0_i32_0 : i32, i32, i32
  }
  func.func @transform_5(%arg0: i32) -> (i32, i32, i32) {
    %c0_i32 = arith.constant 0 : i32
    %c0_i32_0 = arith.constant 0 : i32
    %c0_i32_1 = arith.constant 0 : i32
    return %arg0, %c0_i32, %c0_i32_0 : i32, i32, i32
  }
  func.func @transform_6(%arg0: i32) -> (i32, i32) {
    %c0_i32 = arith.constant 0 : i32
    %c0_i32_0 = arith.constant 0 : i32
    %c0_i32_1 = arith.constant 0 : i32
    return %c0_i32, %c0_i32_0 : i32, i32
  }
  func.func @transform_7(%arg0: i32) -> (i32, i32) {
    %c0_i32 = arith.constant 0 : i32
    %c0_i32_0 = arith.constant 0 : i32
    %c0_i32_1 = arith.constant 0 : i32
    return %c0_i32, %c0_i32_0 : i32, i32
  }
  func.func @transform_8(%arg0: i32) -> (i32, i32) {
    %c0_i32 = arith.constant 0 : i32
    %c0_i32_0 = arith.constant 0 : i32
    %c0_i32_1 = arith.constant 0 : i32
    return %c0_i32, %c0_i32_0 : i32, i32
  }
  func.func @transform_9(%arg0: i32) -> (i32, i32) {
    %c0_i32 = arith.constant 0 : i32
    %c0_i32_0 = arith.constant 0 : i32
    %c0_i32_1 = arith.constant 0 : i32
    return %c0_i32, %c0_i32_0 : i32, i32
  }
  func.func @transform_10(%arg0: i32) -> (i32, i32) {
    %c0_i32 = arith.constant 0 : i32
    %c0_i32_0 = arith.constant 0 : i32
    %c0_i32_1 = arith.constant 0 : i32
    return %c0_i32, %c0_i32_0 : i32, i32
  }
}

</mosaic_0001>

<sc_bundles>
// kernel: kernel.12.cloned.1.call-start
scs
__scs_entry_jumppad:
0x0: {  	(pc) =	sbr.rel $0x88, $3  }
0x1: {  	(tag) =	ssettag $0x0;
	lr =	simm.s32 $0x1  }
0x2: {  	[smem:$0x3F88] =	sst lr;
	_ =	strace $0xD0000000  }
0x3: {  	_ = 	snop  }
0x4: {  	_ = 	snop  }
0x5: {  	_ = 	snop  }
0x6: {  	_ = 	snop  }
0x7: {  	_ = 	snop  }
__scs_overlays_trampoline_lowered:
0x8: {  	[smem:$0x3F97] =	sst s0  }
0x9: {  	[smem:$0x3F98] =	sst s1  }
0xa: {  	[smem:$0x3F99] =	sst s2  }
0xb: {  	[smem:$0x3F9A] =	sst s3  }
0xc: {  	[smem:$0x3F9B] =	sst s4  }
0xd: {  	[smem:$0x3F9C] =	sst s5  }
0xe: {  	[smem:$0x3F9D] =	sst s6  }
0xf: {  	[smem:$0x3F9E] =	sst s7  }
0x10: {  	[smem:$0x3F9F] =	sst s8  }
0x11: {  	[smem:$0x3FA0] =	sst s9;
	s0 =	simm.s32 @!p0 $0x0  }
0x12: {  	s1 =	sld [smem:$0x3F86];
	s0 =	simm.s32 @p0 $0x1  }
0x13: {  	[smem:$0x3FA1] =	sst s0;
	s0 =	simm.s32 @!p1 $0x0  }
0x14: {  	s2 =	sld [smem:$0x3F85];
	s0 =	simm.s32 @p1 $0x1  }
0x15: {  	[smem:$0x3FA2] =	sst s0;
	s0 =	simm.s32 @!p2 $0x0  }
0x16: {  	s3 =	sld [smem:$0x3FDB];
	s0 =	simm.s32 @p2 $0x1  }
0x17: {  	s4 =	simm.s32 $0x1BF5;
	[smem:$0x3FA4] =	sst s0  }
0x18: {  	s0 =	sld [smem:$0x3F87];
	_ =	swait.ge [sflag:s4], $0x0  }
0x19: {  	s7 =	sld [smem:$0x3F88]  }
0x1a: {  	s8 =	sadd.s32 $0xFFFFE003, lr  }
0x1b: {  	s9 =	sadd.s32 $0xFFFFFEF7, lr;
	s5 =	simm.s32 $0xFFFFFFFF;
	p2 =	slt.u32 s8, $0xFFFFF086  }
0x1c: {  	p1 =	slt.u32 s9, $0xF7A;
	s5 =	simm.s32 @!p2 $0x0  }
0x1d: {  	s5 =	simm.s32 @p1 $0x1;
	p0 =	seq.s32 s7, s2  }
0x1e: {  	s7 =	smul.u32 @!p0 $0xF7A, s2;
	p2 =	seq.s32 @!p0 s5, $0x0  }
0x1f: {  	s9 =	smul.u32 $0xF7A, s1;
	s8 =	simm.s32 @!p0 $0x1BF5;
	p2 =	por !p2, p0  }
0x20: {  	[sflag:s8] =	ssyncset.s32 @!p0 $0xFFFFF086;
	s6 =	sadd.s32 @!p0 s3, s7;
	s7 =	simm.s32 @!p0 $0x108  }
0x21: {  	s3 =	sadd.s32 s3, s9;
	s6 =	sadd.s32 @!p0 $0x88, s6;
	s7 =	simm.s32 @p2 $0x1082  }
0x22: {  	[simem:s7], [sflag:s8] =	dma.local @!p0 [hbm:s6], $0xF7A  }
0x23: {  	s9 =	sor.u32 $0xD0000000, s2;
	s6 =	simm.s32 $0x108;
	_ =	swait.ge @!p0 [sflag:s8], $0x0  }
0x24: {  	s3 =	sadd.s32 $0x88, s3;
	s6 =	simm.s32 @!p1 $0x1082;
	[sflag:s4] =	ssyncset.s32 $0xFFFFF086  }
0x25: {  	[simem:s6], [sflag:s4] =	dma.local [hbm:s3], $0xF7A  }
0x26: {  	[smem:$0x3F88] =	sst s1;
	(tag) =	ssettag s2;
	_ =	strace s9  }
0x27: {  	s1 =	sld [smem:$0x3F98]  }
0x28: {  	s2 =	sld [smem:$0x3F99]  }
0x29: {  	s4 =	sld [smem:$0x3F9B]  }
0x2a: {  	p0 =	seq.s32 s5, $0x0;
	s5 =	sld [smem:$0x3F9C]  }
0x2b: {  	s6 =	sld [smem:$0x3F9D]  }
0x2c: {  	s7 =	sld [smem:$0x3F9E]  }
0x2d: {  	s3 =	simm.s32 $0x108;
	s8 =	sld [smem:$0x3F9F]  }
0x2e: {  	s3 =	simm.s32 @!p0 $0x1082;
	s9 =	sld [smem:$0x3FA0]  }
0x2f: {  	lr =	sadd.s32 s0, s3;
	s0 =	sld [smem:$0x3F97]  }
0x30: {  	s3 =	sld [smem:$0x3F9A]  }
0x31: {  	[smem:$0x3FA3] =	sst s10  }
0x32: {  	s10 =	sld [smem:$0x3FA1];
	_ =	sdelay $0x3  }
0x33: {  	p0 =	seq.s32 s10, $0x1;
	s10 =	sld [smem:$0x3FA3];
	_ =	sdelay $0x3  }
0x34: {  	[smem:$0x3FA3] =	sst s10  }
0x35: {  	s10 =	sld [smem:$0x3FA2];
	_ =	sdelay $0x3  }
0x36: {  	p1 =	seq.s32 s10, $0x1;
	s10 =	sld [smem:$0x3FA3];
	_ =	sdelay $0x3  }
0x37: {  	[smem:$0x3FA3] =	sst s10  }
0x38: {  	s10 =	sld [smem:$0x3FA4]  }
0x39: {  	_ = 	snop;
	(pc) =	sbr.ind lr, $3  }
0x3a: {  	_ = 	snop  }
0x3b: {  	_ = 	snop  }
0x3c: {  	p2 =	seq.s32 s10, $0x1;
	s10 =	sld [smem:$0x3FA3]  }
0x3d: {  	_ =	shalt  }
0x3e: {  	_ =	shalt  }
0x3f: {  	_ =	shalt  }
0x40: {  	_ =	shalt  }
0x41: {  	_ =	shalt  }
0x42: {  	_ =	shalt  }
0x43: {  	_ =	shalt  }
0x44: {  	_ =	shalt  }
0x45: {  	_ =	shalt  }
0x46: {  	_ =	shalt  }
0x47: {  	_ =	shalt  }
0x48: {  	_ =	shalt  }
0x49: {  	_ =	shalt  }
0x4a: {  	_ =	shalt  }
0x4b: {  	_ =	shalt  }
0x4c: {  	_ =	shalt  }
0x4d: {  	_ =	shalt  }
0x4e: {  	_ =	shalt  }
0x4f: {  	_ =	shalt  }
0x50: {  	_ =	shalt  }
0x51: {  	_ =	shalt  }
0x52: {  	_ =	shalt  }
0x53: {  	_ =	shalt  }
0x54: {  	_ =	shalt  }
0x55: {  	_ =	shalt  }
0x56: {  	_ =	shalt  }
0x57: {  	_ =	shalt  }
0x58: {  	_ =	shalt  }
0x59: {  	_ =	shalt  }
0x5a: {  	_ =	shalt  }
0x5b: {  	_ =	shalt  }
0x5c: {  	_ =	shalt  }
0x5d: {  	_ =	shalt  }
0x5e: {  	_ =	shalt  }
0x5f: {  	_ =	shalt  }
0x60: {  	_ =	shalt  }
0x61: {  	_ =	shalt  }
0x62: {  	_ =	shalt  }
0x63: {  	_ =	shalt  }
0x64: {  	_ =	shalt  }
0x65: {  	_ =	shalt  }
0x66: {  	_ =	shalt  }
0x67: {  	_ =	shalt  }
0x68: {  	_ =	shalt  }
0x69: {  	_ =	shalt  }
0x6a: {  	_ =	shalt  }
0x6b: {  	_ =	shalt  }
0x6c: {  	_ =	shalt  }
0x6d: {  	_ =	shalt  }
0x6e: {  	_ =	shalt  }
0x6f: {  	_ =	shalt  }
0x70: {  	_ =	shalt  }
0x71: {  	_ =	shalt  }
0x72: {  	_ =	shalt  }
0x73: {  	_ =	shalt  }
0x74: {  	_ =	shalt  }
0x75: {  	_ =	shalt  }
0x76: {  	_ =	shalt  }
0x77: {  	_ =	shalt  }
0x78: {  	_ =	shalt  }
0x79: {  	_ =	shalt  }
0x7a: {  	_ =	shalt  }
0x7b: {  	_ =	shalt  }
0x7c: {  	_ =	shalt  }
0x7d: {  	_ =	shalt  }
0x7e: {  	_ =	shalt  }
0x7f: {  	_ =	shalt  }
0x80: {  	_ =	shalt  }
0x81: {  	_ =	shalt  }
0x82: {  	_ =	shalt  }
0x83: {  	_ =	shalt  }
0x84: {  	_ =	shalt  }
0x85: {  	_ =	shalt  }
0x86: {  	_ =	shalt  }
0x87: {  	_ =	shalt  }
.Lfunc_end0:
.L_simem_size_0:
called_computation_lowered:
.L_overlay_start_0:
0x88: {  	s2 =	sld [smem:$0x3FD9]  }
0x89: {  	s3 =	sld [smem:$0x3FFE];
	_ =	sdelay $0x1  }
0x8a: {  	s1 =	srdreg.scid  }
0x8b: {  	s0 =	sand.u32 $0x1, s1  }
0x8c: {  	s16 =	sshll.u32 s0, $0xA;
	s2 =	sadd.s32 s3, s2  }
0x8d: {  	s2 =	sadd.s32 s2, s16  }
0x8e: {  	[smem:$0x3FAF] =	sst s2  }
0x8f: {  	_ = 	snop  }
0x90: {  	(tm) =	ssettm $0x1  }
0x91: {  	s17 =	sld [smem:$0x3FFB];
	_ =	sdelay $0x3  }
0x92: {  	_ =	strace s17  }
0x93: {  	s2 =	sld [smem:$0x3FFC];
	_ =	sdelay $0x3  }
0x94: {  	_ =	strace s2  }
0x95: {  	s2 =	sld [smem:$0x3FFD];
	_ =	sdelay $0x3  }
0x96: {  	_ =	strace s2  }
0x97: {  	_ =	strace $0x8FFFFFFF  }
0x98: {  	s18 =	sld [smem:$0x3FDB];
	_ =	sdelay $0x1  }
0x99: {  	s19 =	simm.s32 $_scs_section_size  }
0x9a: {  	s4 =	simm.s32 $_size__tile_overlayer_lowered;
	s5 =	simm.s32 $_tile_overlayer_lowered  }
0x9b: {  	s22 =	simm.s32 $0x1BFF;
	s21 =	sshll.u32 s5, $0x1;
	s2 =	sadd.s32 s19, s18  }
0x9c: {  	s6 =	simm.s32 $0x0;
	s20 =	sshll.u32 s4, $0x1;
	s4 =	sadd.s32 s21, s2  }
0x9d: {  	[timem:s6], [sflag:s22] =	dma.local [hbm:s4], s20  }
0x9e: {  	_ =	swait.ge [sflag:s22], s20  }
0x9f: {  	s3 =	ssub.s32 $0x0, s20;
	[sflag:s22] =	ssyncset.done $0x0  }
0xa0: {  	[sflag:s22] =	ssyncadd.s32 s3;
	_ =	sdelay $0x1  }
0xa1: {  	s23 =	simm.s32 $0x1B8B  }
0xa2: {  	_ =	swait.ge [sflag:s23], $0x1  }
0xa3: {  	[sflag:s23] =	ssyncset.done $0x0  }
0xa4: {  	s25 =	simm.s32 $0x1B8E;
	s24 =	sld [smem:$0x3FFE];
	[sflag:s23] =	ssyncadd.s32 $0xFFFFFFFF  }
0xa5: {  	s26 =	simm.s32 $execute0_lowered;
	[smem:$0x3FD2] =	sst s25  }
0xa6: {  	s4 =	sshll.u32 s26, $0x1;
	_ =	strace $0x80000046;
	[dreg:$0x1] =	wrdreg $0xFFFFFFFF  }
0xa7: {  	s28 =	simm.s32 $_size_execute0_lowered;
	s2 =	sadd.s32 s2, s4;
	[dreg:$0x0] =	wrdreg $0x0  }
0xa8: {  	s4 =	sshll.u32 s28, $0x1;
	[dreg:$0x2] =	wrdreg s2  }
0xa9: {  	[dreg:$0x3] =	wrdreg s4  }
0xaa: {  	[dreg:$0x4] =	wrdreg $0xC0  }
0xab: {  	_ =	task [dreg:s6], $0x5FFFF  }
0xac: {  	[dreg:$0x1] =	wrdreg $0xFFFFFFFF  }
0xad: {  	[dreg:$0x0] =	wrdreg $0x60  }
0xae: {  	[dreg:$0x2] =	wrdreg s24  }
0xaf: {  	[dreg:$0x3] =	wrdreg $0x150200  }
0xb0: {  	[dreg:$0x4] =	wrdreg $0xB2200  }
0xb1: {  	[dreg:$0x5] =	wrdreg $0x9  }
0xb2: {  	_ =	task.clear_ibuf [dreg:s6], $0x6FFFF;
	_ =	strace $0x90000046  }
0xb3: {  	s29 =	simm.s32 $0x9;
	_ =	strace $0x80000048  }
0xb4: {  	_ =	swait.ge [sflag:s29], $0x1  }
0xb5: {  	[sflag:s29] =	ssyncadd.s32 $0xFFFFFFFF  }
0xb6: {  	_ =	strace $0x90000048  }
0xb7: {  	_ =	sfence  }
0xb8: {  	s30 =	sld [smem:$0x0];
	_ =	sdelay $0x2  }
0xb9: {  	s31 =	sshll.u32 s1, $0xD;
	s1 =	sshrl.u32 s1, $0x2  }
0xba: {  	s3 =	sand.u32 $0x4000, s31;
	s1 =	sadd.s32 s1, s30  }
0xbb: {  	s0 =	sor.u32 s3, s0;
	s1 =	sshll.u32 s1, $0x11  }
0xbc: {  	s0 =	sor.u32 s1, s0  }
0xbd: {  	s0 =	sadd.s32 $0x8F2B, s0  }
0xbe: {  	[sflag:s0] =	ssyncadd.remote.s32 $0x1  }
0xbf: {  	_ =	sfence.sel $0xFFFF  }
0xc0: {  	[dreg:$0x0] =	wrdreg $0xFFFFFFFF;
	(pc) =	sbr.abs _section_cstart, $3  }
0xc1: {  	[dreg:$0x1] =	wrdreg $0xFFFFFFFF  }
0xc2: {  	_ =	task.clear_ibuf [dreg:s6], $0x2FFFF;
	_ =	strace $0x9FFFFFFF  }
0xc3: {  	(tm) =	ssettm $0x7FFFFFFF  }
tec
execute0_lowered:
.L_overlay_start_1:
0x0: {  	(tag) =	ssettag $0x1  }
0x1: {  	s0 =	rddreg [dreg:$0x0]  }
0x2: {  	s1 =	rddreg [dreg:$0x1]  }
0x3: {  	s3 =	rddreg [dreg:$0x2];
	s11 =	stileid.u32  }
0x4: {  	s2 =	srdreg.scid;
	s4 =	simm.s32 $0x0;
	s21 =	simm.s32 $0x4E20  }
0x5: {  	s22 =	simm.s32 $0x6;
	s29 =	simm.s32 $0x7620;
	s31 =	simm.s32 $0x8A20  }
0x6: {  	s28 =	simm.s32 $0x3;
	s30 =	simm.s32 $0x4;
	s5 =	smul.u32 $0x9E00, s11  }
0x7: {  	s2 =	sand.u32 $0x1, s2;
	s6 =	sshll.u32 s11, $0x1;
	[smem:$0x7FF] =	sst s4  }
0x8: {  	s10 =	smul.u32 $0x27800, s11;
	s6 =	sor.u32 s2, s6;
	_ =	strace $0x80000047  }
0x9: {  	s8 =	ssub.s32 $0x2, s2;
	p0 =	seq.s32 s2, $0x1;
	s2 =	simm.s32 $0x41C00  }
0xa: {  	s7 =	sshrl.u32 s5, $0x3;
	s6 =	smul.u32 $0x2710, s6;
	s9 =	sshrl.u32 s8, $0x1  }
0xb: {  	s20 =	sadd.s32 s5, s1;
	s24 =	sshrl.u32 s10, $0x2;
	s2 =	simm.s32 @!p0 $0x2E000  }
0xc: {  	s7 =	sadd.s32 s7, s0;
	s18 =	ssub.s32 s8, s9;
	s8 =	sadd.s32 s5, s3  }
0xd: {  	s26 =	sadd.s32 s24, s3;
	s20 =	sshrl.u32 s20, $0x3;
	s24 =	simm.s32 $0x1  }
0xe: {  	s6 =	sshrl.u32 s6, $0x3;
	s23 =	sadd.s32 $0x1A400, s7;
	s9 =	sadd.s32 $0x1400, s26  }
0xf: {  	s10 =	sadd.s32 $0x2800, s26;
	s12 =	sadd.s32 $0x5000, s26;
	s13 =	sadd.s32 $0x6400, s26  }
0x10: {  	s14 =	sadd.s32 $0x7800, s26;
	s15 =	sadd.s32 $0x8C00, s26;
	s18 =	smax.u32 s18, $0x1  }
0x11: {  	s19 =	sadd.s32 s2, s7;
	s2 =	simm.s32 $0x5;
	[dreg:$0x4] =	wrdreg s23  }
0x12: {  	s0 =	sadd.s32 s6, s0;
	s6 =	sshll.u32 s11, $0x6;
	[dreg:$0x6] =	wrdreg s9  }
0x13: {  	s11 =	sadd.s32 $0x3C00, s26;
	s26 =	simm.s32 $0x6220;
	s23 =	simm.s32 $0x2  }
0x14: {  	s25 =	sor.u32 $0x1C01, s6;
	s16 =	sadd.s32 $0x6A00, s0;
	s17 =	sadd.s32 $0x10640, s0  }
0x15: {  	v0 =	vimm.f32 $0.0e+00;
	s0 =	simm.s32 $0x9E20;
	[dreg:$0x5] =	wrdreg s25;
	s25 =	simm.s32 $0x50  }
.LBB2_1:
0x16: {  	s5 =	rddreg [dreg:$0x4]  }
0x17: {  	s7 =	rddreg [dreg:$0x5]  }
0x18: {  	[spmem:s20], [sflag:s7] =	dma.local [hbm:s5], $0x13C0  }
0x19: {  	s7 =	simm.s32 $0x100;
	s5 =	simm.s32 $0x0  }
.LBB2_2:
0x1a: {  	p0 =	sne.s32 s7, $0x4F00;
	[tilespmem:s5+$0x4E50] =	vst v0;
	s9 =	smov.u32 s7;
	s7 =	sadd.s32 $0x100, s7  }
.Ltmp0:
0x1b: {  	[tilespmem:s5+$0x4E40] =	vst v0;
	(pc) =	sbr.rel @p0 .LBB2_2-.Ltmp0, $3  }
0x1c: {  	[tilespmem:s5+$0x4E20] =	vst v0  }
0x1d: {  	[tilespmem:s5+$0x4E30] =	vst v0;
	_ =	sdelay $0x1  }
0x1e: {  	s5 =	sshra.s32 s9, $0x2  }
0x1f: {  	[tilespmem:s5+$0x4E50] =	vst v0  }
0x20: {  	[tilespmem:s5+$0x4E40] =	vst v0  }
0x21: {  	[tilespmem:s5+$0x4E20] =	vst v0  }
0x22: {  	[tilespmem:s5+$0x4E30] =	vst v0  }
0x23: {  	[spmem:s8] =	stream.linear.scatter [tilespmem:s21], [sflag:$0x6], $0x1400, $0x38;
	[tilespmem:$0x1EE20] =	vst v63  }
0x24: {  	_ =	swait.ge [sflag:s22], $0x1400  }
0x25: {  	[sflag:s22] =	ssyncset.done $0x0  }
0x26: {  	s7 =	rddreg [dreg:$0x6];
	[sflag:s22] =	ssyncadd.s32 $0xFFFFEC00  }
0x27: {  	[spmem:s7] =	stream.linear.scatter [tilespmem:s21], [sflag:$0x6], $0x1400, $0x38;
	[tilespmem:$0x1EE20] =	vst v63  }
0x28: {  	_ =	swait.ge [sflag:s22], $0x1400  }
0x29: {  	[sflag:s22] =	ssyncset.done $0x0  }
0x2a: {  	[sflag:s22] =	ssyncadd.s32 $0xFFFFEC00  }
0x2b: {  	[spmem:s10] =	stream.linear.scatter [tilespmem:s21], [sflag:$0x6], $0x1400, $0x38;
	[tilespmem:$0x1EE20] =	vst v63  }
0x2c: {  	_ =	swait.ge [sflag:s22], $0x1400  }
0x2d: {  	[sflag:s22] =	ssyncset.done $0x0  }
0x2e: {  	[sflag:s22] =	ssyncadd.s32 $0xFFFFEC00  }
0x2f: {  	[spmem:s11] =	stream.linear.scatter [tilespmem:s21], [sflag:$0x6], $0x1400, $0x38;
	[tilespmem:$0x1EE20] =	vst v63  }
0x30: {  	_ =	swait.ge [sflag:s22], $0x1400  }
0x31: {  	[sflag:s22] =	ssyncset.done $0x0  }
0x32: {  	[sflag:s22] =	ssyncadd.s32 $0xFFFFEC00  }
0x33: {  	[spmem:s12] =	stream.linear.scatter [tilespmem:s21], [sflag:$0x6], $0x1400, $0x38;
	[tilespmem:$0x1EE20] =	vst v63  }
0x34: {  	_ =	swait.ge [sflag:s22], $0x1400  }
0x35: {  	[sflag:s22] =	ssyncset.done $0x0  }
0x36: {  	[sflag:s22] =	ssyncadd.s32 $0xFFFFEC00  }
0x37: {  	[spmem:s13] =	stream.linear.scatter [tilespmem:s21], [sflag:$0x6], $0x1400, $0x38;
	[tilespmem:$0x1EE20] =	vst v63  }
0x38: {  	_ =	swait.ge [sflag:s22], $0x1400  }
0x39: {  	[sflag:s22] =	ssyncset.done $0x0  }
0x3a: {  	[sflag:s22] =	ssyncadd.s32 $0xFFFFEC00  }
0x3b: {  	[spmem:s14] =	stream.linear.scatter [tilespmem:s21], [sflag:$0x6], $0x1400, $0x38;
	[tilespmem:$0x1EE20] =	vst v63  }
0x3c: {  	_ =	swait.ge [sflag:s22], $0x1400  }
0x3d: {  	[sflag:s22] =	ssyncset.done $0x0  }
0x3e: {  	[sflag:s22] =	ssyncadd.s32 $0xFFFFEC00  }
0x3f: {  	[spmem:s15] =	stream.linear.scatter [tilespmem:s21], [sflag:$0x6], $0x1200, $0x38;
	[tilespmem:$0x1EE20] =	vst v63  }
0x40: {  	_ =	swait.ge [sflag:s22], $0x1200  }
0x41: {  	[sflag:s22] =	ssyncset.done $0x0  }
0x42: {  	s9 =	simm.s32 $0x0;
	[sflag:s22] =	ssyncadd.s32 $0xFFFFEE00  }
0x43: {  	[tilespmem:s9], [sflag:$0x6] =	stream.linear.gather [hbm4b:s16+s9], $0x2710, $0x38;
	[tilespmem:$0x1EE20] =	vst v63  }
0x44: {  	_ =	swait.ge [sflag:s22], $0x2710  }
0x45: {  	[sflag:s22] =	ssyncset.done $0x0  }
0x46: {  	s7 =	simm.s32 $0x2710;
	[sflag:s22] =	ssyncadd.s32 $0xFFFFD8F0  }
0x47: {  	[tilespmem:s7], [sflag:$0x6] =	stream.linear.gather [hbm4b:s17+s9], $0x2710, $0x38;
	[tilespmem:$0x1EE20] =	vst v63  }
0x48: {  	_ =	swait.ge [sflag:s22], $0x2710  }
0x49: {  	[sflag:s22] =	ssyncset.done $0x0  }
0x4a: {  	[sflag:s22] =	ssyncadd.s32 $0xFFFFD8F0  }
0x4b: {  	_ =	swait.ge [sflag:s24], $0x13C0  }
0x4c: {  	[sflag:s24] =	ssyncset.done $0x0  }
0x4d: {  	[sflag:s24] =	ssyncadd.s32 $0xFFFFEC40  }
0x4e: {  	[bflag:$0x0] =	sbarrier.arrive $0xFFFF  }
0x4f: {  	[tilespmem:s21], [sflag:$0x1] =	stream.indirect.gather [spmem:s1], $0x40, s9, s25, $0xb8;
	[tilespmem:$0x1EE20] =	vst v63  }
0x50: {  	_ = 	snop  }
0x51: {  	[tilespmem:s26], [sflag:$0x2] =	stream.indirect.gather [spmem:s1], $0x40, s25, s25, $0xb8;
	[tilespmem:$0x1EE20] =	vst v63  }
0x52: {  	s7 =	simm.s32 $0xA0  }
0x53: {  	[tilespmem:s29], [sflag:$0x3] =	stream.indirect.gather [spmem:s1], $0x40, s7, s25, $0xb8;
	[tilespmem:$0x1EE20] =	vst v63  }
0x54: {  	s9 =	simm.s32 $0xF0  }
0x55: {  	[tilespmem:s31], [sflag:$0x4] =	stream.indirect.gather [spmem:s1], $0x40, s9, s25, $0xb8;
	[tilespmem:$0x1EE20] =	vst v63  }
0x56: {  	s7 =	simm.s32 $0x140  }
0x57: {  	[tilespmem:s0], [sflag:$0x5] =	stream.indirect.gather [spmem:s1], $0x40, s7, s25, $0xb8;
	[tilespmem:$0x1EE20] =	vst v63  }
0x58: {  	_ =	swait.ge [sflag:s24], $0x1400  }
0x59: {  	[sflag:s24] =	ssyncset.done $0x0  }
0x5a: {  	s9 =	simm.s32 $0x2710;
	[sflag:s24] =	ssyncadd.s32 $0xFFFFEC00  }
0x5b: {  	[spmem:s3] =	stream.indirect.scatter.add.f32 [tilespmem:s21], [sflag:$0x6], $0x40, s9, s25, $0xb8;
	[tilespmem:$0x1EE20] =	vst v63  }
0x5c: {  	_ =	swait.ge [sflag:s22], $0x1400  }
0x5d: {  	[sflag:s22] =	ssyncset.done $0x0  }
0x5e: {  	s7 =	simm.s32 $0x190;
	[sflag:s22] =	ssyncadd.s32 $0xFFFFEC00  }
0x5f: {  	[tilespmem:s21], [sflag:$0x1] =	stream.indirect.gather [spmem:s1], $0x40, s7, s25, $0xb8;
	[tilespmem:$0x1EE20] =	vst v63  }
0x60: {  	_ =	swait.ge [sflag:s23], $0x1400  }
0x61: {  	[sflag:s23] =	ssyncset.done $0x0  }
0x62: {  	s9 =	simm.s32 $0x2760;
	[sflag:s23] =	ssyncadd.s32 $0xFFFFEC00  }
0x63: {  	[spmem:s3] =	stream.indirect.scatter.add.f32 [tilespmem:s26], [sflag:$0x6], $0x40, s9, s25, $0xb8;
	[tilespmem:$0x1EE20] =	vst v63  }
0x64: {  	_ =	swait.ge [sflag:s22], $0x1400  }
0x65: {  	[sflag:s22] =	ssyncset.done $0x0  }
0x66: {  	s7 =	simm.s32 $0x1E0;
	[sflag:s22] =	ssyncadd.s32 $0xFFFFEC00  }
0x67: {  	[tilespmem:s26], [sflag:$0x2] =	stream.indirect.gather [spmem:s1], $0x40, s7, s25, $0xb8;
	[tilespmem:$0x1EE20] =	vst v63  }
0x68: {  	_ =	swait.ge [sflag:s28], $0x1400  }
0x69: {  	[sflag:s28] =	ssyncset.done $0x0  }
0x6a: {  	s9 =	simm.s32 $0x27B0;
	[sflag:s28] =	ssyncadd.s32 $0xFFFFEC00  }
0x6b: {  	[spmem:s3] =	stream.indirect.scatter.add.f32 [tilespmem:s29], [sflag:$0x6], $0x40, s9, s25, $0xb8;
	[tilespmem:$0x1EE20] =	vst v63  }
0x6c: {  	_ =	swait.ge [sflag:s22], $0x1400  }
0x6d: {  	[sflag:s22] =	ssyncset.done $0x0  }
0x6e: {  	s7 =	simm.s32 $0x230;
	[sflag:s22] =	ssyncadd.s32 $0xFFFFEC00  }
0x6f: {  	[tilespmem:s29], [sflag:$0x3] =	stream.indirect.gather [spmem:s1], $0x40, s7, s25, $0xb8;
	[tilespmem:$0x1EE20] =	vst v63  }
0x70: {  	_ =	swait.ge [sflag:s30], $0x1400  }
0x71: {  	[sflag:s30] =	ssyncset.done $0x0  }
0x72: {  	s9 =	simm.s32 $0x2800;
	[sflag:s30] =	ssyncadd.s32 $0xFFFFEC00  }
0x73: {  	[spmem:s3] =	stream.indirect.scatter.add.f32 [tilespmem:s31], [sflag:$0x6], $0x40, s9, s25, $0xb8;
	[tilespmem:$0x1EE20] =	vst v63  }
0x74: {  	_ =	swait.ge [sflag:s22], $0x1400  }
0x75: {  	[sflag:s22] =	ssyncset.done $0x0  }
0x76: {  	s7 =	simm.s32 $0x280;
	[sflag:s22] =	ssyncadd.s32 $0xFFFFEC00  }
0x77: {  	[tilespmem:s31], [sflag:$0x4] =	stream.indirect.gather [spmem:s1], $0x40, s7, s25, $0xb8;
	[tilespmem:$0x1EE20] =	vst v63  }
0x78: {  	_ =	swait.ge [sflag:s2], $0x1400  }
0x79: {  	[sflag:s2] =	ssyncset.done $0x0  }
0x7a: {  	s9 =	simm.s32 $0x2850;
	[sflag:s2] =	ssyncadd.s32 $0xFFFFEC00  }
0x7b: {  	[spmem:s3] =	stream.indirect.scatter.add.f32 [tilespmem:s0], [sflag:$0x6], $0x40, s9, s25, $0xb8;
	[tilespmem:$0x1EE20] =	vst v63  }
0x7c: {  	_ =	swait.ge [sflag:s22], $0x1400  }
0x7d: {  	[sflag:s22] =	ssyncset.done $0x0  }
0x7e: {  	s5 =	simm.s32 $0x640;
	s7 =	simm.s32 $0x2D0;
	[sflag:s22] =	ssyncadd.s32 $0xFFFFEC00  }
.LBB2_4:
0x7f: {  	[tilespmem:s0], [sflag:$0x5] =	stream.indirect.gather [spmem:s1], $0x40, s7, s25, $0xb8;
	[tilespmem:$0x1EE20] =	vst v63  }
0x80: {  	s7 =	smov.u32 s5  }
0x81: {  	p0 =	sne.s32 s5, $0x8FC0;
	s5 =	sadd.s32 $0x640, s5;
	_ =	swait.ge [sflag:s24], $0x1400  }
0x82: {  	s7 =	sshra.s32 s7, $0x2;
	[sflag:s24] =	ssyncset.done $0x0  }
0x83: {  	s9 =	sadd.s32 $0x2710, s7;
	[sflag:s24] =	ssyncadd.s32 $0xFFFFEC00  }
0x84: {  	[spmem:s3] =	stream.indirect.scatter.add.f32 [tilespmem:s21], [sflag:$0x6], $0x40, s9, s25, $0xb8;
	[tilespmem:$0x1EE20] =	vst v63  }
0x85: {  	_ =	swait.ge [sflag:s22], $0x1400  }
0x86: {  	[sflag:s22] =	ssyncset.done $0x0  }
0x87: {  	s9 =	sadd.s32 $0x190, s7;
	[sflag:s22] =	ssyncadd.s32 $0xFFFFEC00  }
0x88: {  	[tilespmem:s21], [sflag:$0x1] =	stream.indirect.gather [spmem:s1], $0x40, s9, s25, $0xb8;
	[tilespmem:$0x1EE20] =	vst v63  }
0x89: {  	_ =	swait.ge [sflag:s23], $0x1400  }
0x8a: {  	[sflag:s23] =	ssyncset.done $0x0  }
0x8b: {  	s9 =	sadd.s32 $0x2760, s7;
	[sflag:s23] =	ssyncadd.s32 $0xFFFFEC00  }
0x8c: {  	[spmem:s3] =	stream.indirect.scatter.add.f32 [tilespmem:s26], [sflag:$0x6], $0x40, s9, s25, $0xb8;
	[tilespmem:$0x1EE20] =	vst v63  }
0x8d: {  	_ =	swait.ge [sflag:s22], $0x1400  }
0x8e: {  	[sflag:s22] =	ssyncset.done $0x0  }
0x8f: {  	s9 =	sadd.s32 $0x1E0, s7;
	[sflag:s22] =	ssyncadd.s32 $0xFFFFEC00  }
0x90: {  	[tilespmem:s26], [sflag:$0x2] =	stream.indirect.gather [spmem:s1], $0x40, s9, s25, $0xb8;
	[tilespmem:$0x1EE20] =	vst v63  }
0x91: {  	_ =	swait.ge [sflag:s28], $0x1400  }
0x92: {  	[sflag:s28] =	ssyncset.done $0x0  }
0x93: {  	s9 =	sadd.s32 $0x27B0, s7;
	[sflag:s28] =	ssyncadd.s32 $0xFFFFEC00  }
0x94: {  	[spmem:s3] =	stream.indirect.scatter.add.f32 [tilespmem:s29], [sflag:$0x6], $0x40, s9, s25, $0xb8;
	[tilespmem:$0x1EE20] =	vst v63  }
0x95: {  	_ =	swait.ge [sflag:s22], $0x1400  }
0x96: {  	[sflag:s22] =	ssyncset.done $0x0  }
0x97: {  	s9 =	sadd.s32 $0x230, s7;
	[sflag:s22] =	ssyncadd.s32 $0xFFFFEC00  }
0x98: {  	[tilespmem:s29], [sflag:$0x3] =	stream.indirect.gather [spmem:s1], $0x40, s9, s25, $0xb8;
	[tilespmem:$0x1EE20] =	vst v63  }
0x99: {  	_ =	swait.ge [sflag:s30], $0x1400  }
0x9a: {  	[sflag:s30] =	ssyncset.done $0x0  }
0x9b: {  	s9 =	sadd.s32 $0x2800, s7;
	[sflag:s30] =	ssyncadd.s32 $0xFFFFEC00  }
0x9c: {  	[spmem:s3] =	stream.indirect.scatter.add.f32 [tilespmem:s31], [sflag:$0x6], $0x40, s9, s25, $0xb8;
	[tilespmem:$0x1EE20] =	vst v63  }
0x9d: {  	_ =	swait.ge [sflag:s22], $0x1400  }
0x9e: {  	[sflag:s22] =	ssyncset.done $0x0  }
0x9f: {  	s9 =	sadd.s32 $0x280, s7;
	[sflag:s22] =	ssyncadd.s32 $0xFFFFEC00  }
0xa0: {  	[tilespmem:s31], [sflag:$0x4] =	stream.indirect.gather [spmem:s1], $0x40, s9, s25, $0xb8;
	[tilespmem:$0x1EE20] =	vst v63  }
0xa1: {  	_ =	swait.ge [sflag:s2], $0x1400  }
0xa2: {  	[sflag:s2] =	ssyncset.done $0x0  }
.Ltmp1:
0xa3: {  	s9 =	sadd.s32 $0x2850, s7;
	[sflag:s2] =	ssyncadd.s32 $0xFFFFEC00;
	(pc) =	sbr.rel @p0 .LBB2_4-.Ltmp1, $4  }
0xa4: {  	[spmem:s3] =	stream.indirect.scatter.add.f32 [tilespmem:s0], [sflag:$0x6], $0x40, s9, s25, $0xb8;
	[tilespmem:$0x1EE20] =	vst v63  }
0xa5: {  	_ =	swait.ge [sflag:s22], $0x1400  }
0xa6: {  	[sflag:s22] =	ssyncset.done $0x0  }
0xa7: {  	s7 =	sadd.s32 $0x2D0, s7;
	[sflag:s22] =	ssyncadd.s32 $0xFFFFEC00  }
0xa8: {  	[tilespmem:s0], [sflag:$0x5] =	stream.indirect.gather [spmem:s1], $0x40, s7, s25, $0xb8;
	[tilespmem:$0x1EE20] =	vst v63  }
0xa9: {  	_ =	swait.ge [sflag:s24], $0x1400  }
0xaa: {  	[sflag:s24] =	ssyncset.done $0x0  }
0xab: {  	s5 =	simm.s32 $0x4C90;
	[sflag:s24] =	ssyncadd.s32 $0xFFFFEC00  }
0xac: {  	[spmem:s3] =	stream.indirect.scatter.add.f32 [tilespmem:s21], [sflag:$0x6], $0x40, s5, s25, $0xb8;
	[tilespmem:$0x1EE20] =	vst v63  }
0xad: {  	_ =	swait.ge [sflag:s22], $0x1400  }
0xae: {  	[sflag:s22] =	ssyncset.done $0x0  }
0xaf: {  	[sflag:s22] =	ssyncadd.s32 $0xFFFFEC00  }
0xb0: {  	_ =	swait.ge [sflag:s23], $0x1400  }
0xb1: {  	[sflag:s23] =	ssyncset.done $0x0  }
0xb2: {  	s7 =	simm.s32 $0x4CE0;
	[sflag:s23] =	ssyncadd.s32 $0xFFFFEC00  }
0xb3: {  	[spmem:s3] =	stream.indirect.scatter.add.f32 [tilespmem:s26], [sflag:$0x6], $0x40, s7, s25, $0xb8;
	[tilespmem:$0x1EE20] =	vst v63  }
0xb4: {  	_ =	swait.ge [sflag:s22], $0x1400  }
0xb5: {  	[sflag:s22] =	ssyncset.done $0x0  }
0xb6: {  	[sflag:s22] =	ssyncadd.s32 $0xFFFFEC00  }
0xb7: {  	_ =	swait.ge [sflag:s28], $0x1400  }
0xb8: {  	[sflag:s28] =	ssyncset.done $0x0  }
0xb9: {  	s9 =	simm.s32 $0x4D30;
	[sflag:s28] =	ssyncadd.s32 $0xFFFFEC00  }
0xba: {  	[spmem:s3] =	stream.indirect.scatter.add.f32 [tilespmem:s29], [sflag:$0x6], $0x40, s9, s25, $0xb8;
	[tilespmem:$0x1EE20] =	vst v63  }
0xbb: {  	_ =	swait.ge [sflag:s22], $0x1400  }
0xbc: {  	[sflag:s22] =	ssyncset.done $0x0  }
0xbd: {  	[sflag:s22] =	ssyncadd.s32 $0xFFFFEC00  }
0xbe: {  	_ =	swait.ge [sflag:s30], $0x1400  }
0xbf: {  	[sflag:s30] =	ssyncset.done $0x0  }
0xc0: {  	s7 =	simm.s32 $0x4D80;
	[sflag:s30] =	ssyncadd.s32 $0xFFFFEC00  }
0xc1: {  	[spmem:s3] =	stream.indirect.scatter.add.f32 [tilespmem:s31], [sflag:$0x6], $0x40, s7, s25, $0xb8;
	[tilespmem:$0x1EE20] =	vst v63  }
0xc2: {  	_ =	swait.ge [sflag:s22], $0x1400  }
0xc3: {  	[sflag:s22] =	ssyncset.done $0x0  }
0xc4: {  	[sflag:s22] =	ssyncadd.s32 $0xFFFFEC00  }
0xc5: {  	_ =	swait.ge [sflag:s2], $0x1400  }
0xc6: {  	[sflag:s2] =	ssyncset.done $0x0  }
0xc7: {  	s9 =	simm.s32 $0x4DD0;
	[sflag:s2] =	ssyncadd.s32 $0xFFFFEC00  }
0xc8: {  	[spmem:s3] =	stream.indirect.scatter.add.f32 [tilespmem:s0], [sflag:$0x6], $0x40, s9, s25, $0xb8;
	[tilespmem:$0x1EE20] =	vst v63  }
0xc9: {  	_ =	swait.ge [sflag:s22], $0x1400  }
0xca: {  	s4 =	sadd.s32 $0x1, s4;
	[sflag:s22] =	ssyncset.done $0x0  }
0xcb: {  	p0 =	sne.s32 s4, s18;
	s7 =	sor.u32 $0x1C06, s6;
	[sflag:s22] =	ssyncadd.s32 $0xFFFFEC00  }
.Ltmp2:
0xcc: {  	s9 =	sshrl.u32 s8, $0x3;
	[bflag:$0x0] =	sbarrier.arrive $0xFFFF;
	(pc) =	sbr.rel @p0 .LBB2_1-.Ltmp2, $4  }
0xcd: {  	[hbm:s19], [sflag:s7] =	dma.local [spmem:s9], $0x13C0  }
0xce: {  	_ =	swait.ge [sflag:s22], $0x13C0  }
0xcf: {  	[sflag:s22] =	ssyncset.done $0x0  }
0xd0: {  	[sflag:s22] =	ssyncadd.s32 $0xFFFFEC40  }
0xd1: {  	_ =	sfence.sel $0x180000  }
0xd2: {  	[bflag:$0x0] =	sbarrier.arrive $0xFFFF  }
0xd3: {  	_ =	strace $0x90000047  }
0xd4: {  	s0 =	stileid.u32;
	[bflag:$0x2] =	sbarrier.arrive $0xFFFF  }
0xd5: {  	p0 =	sne.s32 s0, $0x0;
	s0 =	rddreg [dreg:$0x3]  }
0xd6: {  	s0 =	sadd.s32 @!p0 $0x100000, s0  }
0xd7: {  	[sflag:s0] =	ssyncadd.tile.s32 @!p0 $0x1;
	_ =	shalt  }
.Lfunc_end2:
_tile_overlayer_lowered:
.L_overlay_start_2:
0xd8: {  	(tag) =	ssettag $0x2  }
0xd9: {  	s0 =	rddreg [dreg:$0x0];
	s2 =	stileid.u32  }
0xda: {  	s1 =	rddreg [dreg:$0x1];
	p0 =	sne.s32 s2, $0x0  }
0xdb: {  	s3 =	rddreg [dreg:$0x2];
	[bflag:$0x3] =	sbarrier.arrive $0xFFFF;
	s2 =	simm.s32 @!p0 $0x1C06  }
0xdc: {  	[timem:s3], [sflag:s2] =	dma.local @!p0 [hbm:s0], s1  }
0xdd: {  	s0 =	simm.s32 @!p0 $0x6  }
0xde: {  	_ =	swait.ge @!p0 [sflag:s0], s1  }
0xdf: {  	s1 =	ssub.s32 @!p0 $0x0, s1;
	[sflag:s0] =	ssyncset.done @!p0 $0x0  }
0xe0: {  	[sflag:s0] =	ssyncadd.s32 @!p0 s1  }
0xe1: {  	[bflag:$0x3] =	sbarrier.arrive $0xFFFF  }
0xe2: {  	_ =	shalt  }

// kernel: kernel.15.cloned.1.call-start
scs
__scs_entry_jumppad:
0x0: {  	(pc) =	sbr.rel $0x88, $3  }
0x1: {  	(tag) =	ssettag $0x0;
	lr =	simm.s32 $0x1  }
0x2: {  	[smem:$0x3F88] =	sst lr;
	_ =	strace $0xD0000000  }
0x3: {  	_ = 	snop  }
0x4: {  	_ = 	snop  }
0x5: {  	_ = 	snop  }
0x6: {  	_ = 	snop  }
0x7: {  	_ = 	snop  }
__scs_overlays_trampoline_lowered:
0x8: {  	[smem:$0x3F97] =	sst s0  }
0x9: {  	[smem:$0x3F98] =	sst s1  }
0xa: {  	[smem:$0x3F99] =	sst s2  }
0xb: {  	[smem:$0x3F9A] =	sst s3  }
0xc: {  	[smem:$0x3F9B] =	sst s4  }
0xd: {  	[smem:$0x3F9C] =	sst s5  }
0xe: {  	[smem:$0x3F9D] =	sst s6  }
0xf: {  	[smem:$0x3F9E] =	sst s7  }
0x10: {  	[smem:$0x3F9F] =	sst s8  }
0x11: {  	[smem:$0x3FA0] =	sst s9;
	s0 =	simm.s32 @!p0 $0x0  }
0x12: {  	s1 =	sld [smem:$0x3F86];
	s0 =	simm.s32 @p0 $0x1  }
0x13: {  	[smem:$0x3FA1] =	sst s0;
	s0 =	simm.s32 @!p1 $0x0  }
0x14: {  	s2 =	sld [smem:$0x3F85];
	s0 =	simm.s32 @p1 $0x1  }
0x15: {  	[smem:$0x3FA2] =	sst s0;
	s0 =	simm.s32 @!p2 $0x0  }
0x16: {  	s3 =	sld [smem:$0x3FDB];
	s0 =	simm.s32 @p2 $0x1  }
0x17: {  	s4 =	simm.s32 $0x1BF5;
	[smem:$0x3FA4] =	sst s0  }
0x18: {  	s0 =	sld [smem:$0x3F87];
	_ =	swait.ge [sflag:s4], $0x0  }
0x19: {  	s7 =	sld [smem:$0x3F88]  }
0x1a: {  	s8 =	sadd.s32 $0xFFFFE003, lr  }
0x1b: {  	s9 =	sadd.s32 $0xFFFFFEF7, lr;
	s5 =	simm.s32 $0xFFFFFFFF;
	p2 =	slt.u32 s8, $0xFFFFF086  }
0x1c: {  	p1 =	slt.u32 s9, $0xF7A;
	s5 =	simm.s32 @!p2 $0x0  }
0x1d: {  	s5 =	simm.s32 @p1 $0x1;
	p0 =	seq.s32 s7, s2  }
0x1e: {  	s7 =	smul.u32 @!p0 $0xF7A, s2;
	p2 =	seq.s32 @!p0 s5, $0x0  }
0x1f: {  	s9 =	smul.u32 $0xF7A, s1;
	s8 =	simm.s32 @!p0 $0x1BF5;
	p2 =	por !p2, p0  }
0x20: {  	[sflag:s8] =	ssyncset.s32 @!p0 $0xFFFFF086;
	s6 =	sadd.s32 @!p0 s3, s7;
	s7 =	simm.s32 @!p0 $0x108  }
0x21: {  	s3 =	sadd.s32 s3, s9;
	s6 =	sadd.s32 @!p0 $0x88, s6;
	s7 =	simm.s32 @p2 $0x1082  }
0x22: {  	[simem:s7], [sflag:s8] =	dma.local @!p0 [hbm:s6], $0xF7A  }
0x23: {  	s9 =	sor.u32 $0xD0000000, s2;
	s6 =	simm.s32 $0x108;
	_ =	swait.ge @!p0 [sflag:s8], $0x0  }
0x24: {  	s3 =	sadd.s32 $0x88, s3;
	s6 =	simm.s32 @!p1 $0x1082;
	[sflag:s4] =	ssyncset.s32 $0xFFFFF086  }
0x25: {  	[simem:s6], [sflag:s4] =	dma.local [hbm:s3], $0xF7A  }
0x26: {  	[smem:$0x3F88] =	sst s1;
	(tag) =	ssettag s2;
	_ =	strace s9  }
0x27: {  	s1 =	sld [smem:$0x3F98]  }
0x28: {  	s2 =	sld [smem:$0x3F99]  }
0x29: {  	s4 =	sld [smem:$0x3F9B]  }
0x2a: {  	p0 =	seq.s32 s5, $0x0;
	s5 =	sld [smem:$0x3F9C]  }
0x2b: {  	s6 =	sld [smem:$0x3F9D]  }
0x2c: {  	s7 =	sld [smem:$0x3F9E]  }
0x2d: {  	s3 =	simm.s32 $0x108;
	s8 =	sld [smem:$0x3F9F]  }
0x2e: {  	s3 =	simm.s32 @!p0 $0x1082;
	s9 =	sld [smem:$0x3FA0]  }
0x2f: {  	lr =	sadd.s32 s0, s3;
	s0 =	sld [smem:$0x3F97]  }
0x30: {  	s3 =	sld [smem:$0x3F9A]  }
0x31: {  	[smem:$0x3FA3] =	sst s10  }
0x32: {  	s10 =	sld [smem:$0x3FA1];
	_ =	sdelay $0x3  }
0x33: {  	p0 =	seq.s32 s10, $0x1;
	s10 =	sld [smem:$0x3FA3];
	_ =	sdelay $0x3  }
0x34: {  	[smem:$0x3FA3] =	sst s10  }
0x35: {  	s10 =	sld [smem:$0x3FA2];
	_ =	sdelay $0x3  }
0x36: {  	p1 =	seq.s32 s10, $0x1;
	s10 =	sld [smem:$0x3FA3];
	_ =	sdelay $0x3  }
0x37: {  	[smem:$0x3FA3] =	sst s10  }
0x38: {  	s10 =	sld [smem:$0x3FA4]  }
0x39: {  	_ = 	snop;
	(pc) =	sbr.ind lr, $3  }
0x3a: {  	_ = 	snop  }
0x3b: {  	_ = 	snop  }
0x3c: {  	p2 =	seq.s32 s10, $0x1;
	s10 =	sld [smem:$0x3FA3]  }
0x3d: {  	_ =	shalt  }
0x3e: {  	_ =	shalt  }
0x3f: {  	_ =	shalt  }
0x40: {  	_ =	shalt  }
0x41: {  	_ =	shalt  }
0x42: {  	_ =	shalt  }
0x43: {  	_ =	shalt  }
0x44: {  	_ =	shalt  }
0x45: {  	_ =	shalt  }
0x46: {  	_ =	shalt  }
0x47: {  	_ =	shalt  }
0x48: {  	_ =	shalt  }
0x49: {  	_ =	shalt  }
0x4a: {  	_ =	shalt  }
0x4b: {  	_ =	shalt  }
0x4c: {  	_ =	shalt  }
0x4d: {  	_ =	shalt  }
0x4e: {  	_ =	shalt  }
0x4f: {  	_ =	shalt  }
0x50: {  	_ =	shalt  }
0x51: {  	_ =	shalt  }
0x52: {  	_ =	shalt  }
0x53: {  	_ =	shalt  }
0x54: {  	_ =	shalt  }
0x55: {  	_ =	shalt  }
0x56: {  	_ =	shalt  }
0x57: {  	_ =	shalt  }
0x58: {  	_ =	shalt  }
0x59: {  	_ =	shalt  }
0x5a: {  	_ =	shalt  }
0x5b: {  	_ =	shalt  }
0x5c: {  	_ =	shalt  }
0x5d: {  	_ =	shalt  }
0x5e: {  	_ =	shalt  }
0x5f: {  	_ =	shalt  }
0x60: {  	_ =	shalt  }
0x61: {  	_ =	shalt  }
0x62: {  	_ =	shalt  }
0x63: {  	_ =	shalt  }
0x64: {  	_ =	shalt  }
0x65: {  	_ =	shalt  }
0x66: {  	_ =	shalt  }
0x67: {  	_ =	shalt  }
0x68: {  	_ =	shalt  }
0x69: {  	_ =	shalt  }
0x6a: {  	_ =	shalt  }
0x6b: {  	_ =	shalt  }
0x6c: {  	_ =	shalt  }
0x6d: {  	_ =	shalt  }
0x6e: {  	_ =	shalt  }
0x6f: {  	_ =	shalt  }
0x70: {  	_ =	shalt  }
0x71: {  	_ =	shalt  }
0x72: {  	_ =	shalt  }
0x73: {  	_ =	shalt  }
0x74: {  	_ =	shalt  }
0x75: {  	_ =	shalt  }
0x76: {  	_ =	shalt  }
0x77: {  	_ =	shalt  }
0x78: {  	_ =	shalt  }
0x79: {  	_ =	shalt  }
0x7a: {  	_ =	shalt  }
0x7b: {  	_ =	shalt  }
0x7c: {  	_ =	shalt  }
0x7d: {  	_ =	shalt  }
0x7e: {  	_ =	shalt  }
0x7f: {  	_ =	shalt  }
0x80: {  	_ =	shalt  }
0x81: {  	_ =	shalt  }
0x82: {  	_ =	shalt  }
0x83: {  	_ =	shalt  }
0x84: {  	_ =	shalt  }
0x85: {  	_ =	shalt  }
0x86: {  	_ =	shalt  }
0x87: {  	_ =	shalt  }
.Lfunc_end0:
.L_simem_size_0:
called_computation.1_lowered:
.L_overlay_start_0:
0x88: {  	s2 =	sld [smem:$0x3FD9]  }
0x89: {  	s3 =	sld [smem:$0x3FFE];
	_ =	sdelay $0x1  }
0x8a: {  	s1 =	srdreg.scid  }
0x8b: {  	s0 =	sand.u32 $0x1, s1  }
0x8c: {  	s16 =	sshll.u32 s0, $0xA;
	s2 =	sadd.s32 s3, s2  }
0x8d: {  	s2 =	sadd.s32 s2, s16  }
0x8e: {  	[smem:$0x3FAF] =	sst s2  }
0x8f: {  	_ = 	snop  }
0x90: {  	(tm) =	ssettm $0x1  }
0x91: {  	s17 =	sld [smem:$0x3FFB];
	_ =	sdelay $0x3  }
0x92: {  	_ =	strace s17  }
0x93: {  	s2 =	sld [smem:$0x3FFC];
	_ =	sdelay $0x3  }
0x94: {  	_ =	strace s2  }
0x95: {  	s2 =	sld [smem:$0x3FFD];
	_ =	sdelay $0x3  }
0x96: {  	_ =	strace s2  }
0x97: {  	_ =	strace $0x8FFFFFFF  }
0x98: {  	s18 =	sld [smem:$0x3FDB];
	_ =	sdelay $0x1  }
0x99: {  	s19 =	simm.s32 $_scs_section_size  }
0x9a: {  	s4 =	simm.s32 $_size__tile_overlayer_lowered;
	s5 =	simm.s32 $_tile_overlayer_lowered  }
0x9b: {  	s22 =	simm.s32 $0x1BFF;
	s21 =	sshll.u32 s5, $0x1;
	s2 =	sadd.s32 s19, s18  }
0x9c: {  	s6 =	simm.s32 $0x0;
	s20 =	sshll.u32 s4, $0x1;
	s4 =	sadd.s32 s21, s2  }
0x9d: {  	[timem:s6], [sflag:s22] =	dma.local [hbm:s4], s20  }
0x9e: {  	_ =	swait.ge [sflag:s22], s20  }
0x9f: {  	s3 =	ssub.s32 $0x0, s20;
	[sflag:s22] =	ssyncset.done $0x0  }
0xa0: {  	[sflag:s22] =	ssyncadd.s32 s3;
	_ =	sdelay $0x1  }
0xa1: {  	s23 =	simm.s32 $0x1B8B  }
0xa2: {  	_ =	swait.ge [sflag:s23], $0x1  }
0xa3: {  	[sflag:s23] =	ssyncset.done $0x0  }
0xa4: {  	s25 =	simm.s32 $0x1B8E;
	s24 =	sld [smem:$0x3FFE];
	[sflag:s23] =	ssyncadd.s32 $0xFFFFFFFF  }
0xa5: {  	s26 =	simm.s32 $execute0_lowered;
	[smem:$0x3FD2] =	sst s25  }
0xa6: {  	s4 =	sshll.u32 s26, $0x1;
	_ =	strace $0x80000049;
	[dreg:$0x1] =	wrdreg $0xFFFFFFFF  }
0xa7: {  	s28 =	simm.s32 $_size_execute0_lowered;
	s2 =	sadd.s32 s2, s4;
	[dreg:$0x0] =	wrdreg $0x0  }
0xa8: {  	s4 =	sshll.u32 s28, $0x1;
	[dreg:$0x2] =	wrdreg s2  }
0xa9: {  	[dreg:$0x3] =	wrdreg s4  }
0xaa: {  	[dreg:$0x4] =	wrdreg $0xC0  }
0xab: {  	_ =	task [dreg:s6], $0x5FFFF  }
0xac: {  	[dreg:$0x1] =	wrdreg $0xFFFFFFFF  }
0xad: {  	[dreg:$0x0] =	wrdreg $0x60  }
0xae: {  	[dreg:$0x2] =	wrdreg s24  }
0xaf: {  	[dreg:$0x3] =	wrdreg $0x150200  }
0xb0: {  	[dreg:$0x4] =	wrdreg $0xB2200  }
0xb1: {  	[dreg:$0x5] =	wrdreg $0x9  }
0xb2: {  	_ =	task.clear_ibuf [dreg:s6], $0x6FFFF;
	_ =	strace $0x90000049  }
0xb3: {  	s29 =	simm.s32 $0x9;
	_ =	strace $0x8000004B  }
0xb4: {  	_ =	swait.ge [sflag:s29], $0x1  }
0xb5: {  	[sflag:s29] =	ssyncadd.s32 $0xFFFFFFFF  }
0xb6: {  	_ =	strace $0x9000004B  }
0xb7: {  	_ =	sfence  }
0xb8: {  	s30 =	sld [smem:$0x0];
	_ =	sdelay $0x2  }
0xb9: {  	s31 =	sshll.u32 s1, $0xD;
	s1 =	sshrl.u32 s1, $0x2  }
0xba: {  	s3 =	sand.u32 $0x4000, s31;
	s1 =	sadd.s32 s1, s30  }
0xbb: {  	s0 =	sor.u32 s3, s0;
	s1 =	sshll.u32 s1, $0x11  }
0xbc: {  	s0 =	sor.u32 s1, s0  }
0xbd: {  	s0 =	sadd.s32 $0x8F2B, s0  }
0xbe: {  	[sflag:s0] =	ssyncadd.remote.s32 $0x1  }
0xbf: {  	_ =	sfence.sel $0xFFFF  }
0xc0: {  	[dreg:$0x0] =	wrdreg $0xFFFFFFFF;
	(pc) =	sbr.abs _section_cstart, $3  }
0xc1: {  	[dreg:$0x1] =	wrdreg $0xFFFFFFFF  }
0xc2: {  	_ =	task.clear_ibuf [dreg:s6], $0x2FFFF;
	_ =	strace $0x9FFFFFFF  }
0xc3: {  	(tm) =	ssettm $0x7FFFFFFF  }
tec
execute0_lowered:
.L_overlay_start_1:
0x0: {  	(tag) =	ssettag $0x1  }
0x1: {  	s0 =	rddreg [dreg:$0x0]  }
0x2: {  	s1 =	rddreg [dreg:$0x1]  }
0x3: {  	s3 =	rddreg [dreg:$0x2];
	s11 =	stileid.u32  }
0x4: {  	s2 =	srdreg.scid;
	s4 =	simm.s32 $0x0;
	s21 =	simm.s32 $0x4E20  }
0x5: {  	s22 =	simm.s32 $0x6;
	s29 =	simm.s32 $0x7620;
	s31 =	simm.s32 $0x8A20  }
0x6: {  	s28 =	simm.s32 $0x3;
	s30 =	simm.s32 $0x4;
	s5 =	smul.u32 $0x9E00, s11  }
0x7: {  	s2 =	sand.u32 $0x1, s2;
	s6 =	sshll.u32 s11, $0x1;
	[smem:$0x7FF] =	sst s4  }
0x8: {  	s10 =	smul.u32 $0x27800, s11;
	s6 =	sor.u32 s2, s6;
	_ =	strace $0x8000004A  }
0x9: {  	s8 =	ssub.s32 $0x2, s2;
	p0 =	seq.s32 s2, $0x1;
	s2 =	simm.s32 $0x41C00  }
0xa: {  	s7 =	sshrl.u32 s5, $0x3;
	s6 =	smul.u32 $0x2710, s6;
	s9 =	sshrl.u32 s8, $0x1  }
0xb: {  	s20 =	sadd.s32 s5, s1;
	s24 =	sshrl.u32 s10, $0x2;
	s2 =	simm.s32 @!p0 $0x2E000  }
0xc: {  	s7 =	sadd.s32 s7, s0;
	s18 =	ssub.s32 s8, s9;
	s8 =	sadd.s32 s5, s3  }
0xd: {  	s26 =	sadd.s32 s24, s3;
	s20 =	sshrl.u32 s20, $0x3;
	s24 =	simm.s32 $0x1  }
0xe: {  	s6 =	sshrl.u32 s6, $0x3;
	s23 =	sadd.s32 $0x1A400, s7;
	s9 =	sadd.s32 $0x1400, s26  }
0xf: {  	s10 =	sadd.s32 $0x2800, s26;
	s12 =	sadd.s32 $0x5000, s26;
	s13 =	sadd.s32 $0x6400, s26  }
0x10: {  	s14 =	sadd.s32 $0x7800, s26;
	s15 =	sadd.s32 $0x8C00, s26;
	s18 =	smax.u32 s18, $0x1  }
0x11: {  	s19 =	sadd.s32 s2, s7;
	s2 =	simm.s32 $0x5;
	[dreg:$0x4] =	wrdreg s23  }
0x12: {  	s0 =	sadd.s32 s6, s0;
	s6 =	sshll.u32 s11, $0x6;
	[dreg:$0x6] =	wrdreg s9  }
0x13: {  	s11 =	sadd.s32 $0x3C00, s26;
	s26 =	simm.s32 $0x6220;
	s23 =	simm.s32 $0x2  }
0x14: {  	s25 =	sor.u32 $0x1C01, s6;
	s16 =	sadd.s32 $0x6A00, s0;
	s17 =	sadd.s32 $0x10640, s0  }
0x15: {  	v0 =	vimm.f32 $0.0e+00;
	s0 =	simm.s32 $0x9E20;
	[dreg:$0x5] =	wrdreg s25;
	s25 =	simm.s32 $0x50  }
.LBB2_1:
0x16: {  	s5 =	rddreg [dreg:$0x4]  }
0x17: {  	s7 =	rddreg [dreg:$0x5]  }
0x18: {  	[spmem:s20], [sflag:s7] =	dma.local [hbm:s5], $0x13C0  }
0x19: {  	s7 =	simm.s32 $0x100;
	s5 =	simm.s32 $0x0  }
.LBB2_2:
0x1a: {  	p0 =	sne.s32 s7, $0x4F00;
	[tilespmem:s5+$0x4E50] =	vst v0;
	s9 =	smov.u32 s7;
	s7 =	sadd.s32 $0x100, s7  }
.Ltmp0:
0x1b: {  	[tilespmem:s5+$0x4E40] =	vst v0;
	(pc) =	sbr.rel @p0 .LBB2_2-.Ltmp0, $3  }
0x1c: {  	[tilespmem:s5+$0x4E20] =	vst v0  }
0x1d: {  	[tilespmem:s5+$0x4E30] =	vst v0;
	_ =	sdelay $0x1  }
0x1e: {  	s5 =	sshra.s32 s9, $0x2  }
0x1f: {  	[tilespmem:s5+$0x4E50] =	vst v0  }
0x20: {  	[tilespmem:s5+$0x4E40] =	vst v0  }
0x21: {  	[tilespmem:s5+$0x4E20] =	vst v0  }
0x22: {  	[tilespmem:s5+$0x4E30] =	vst v0  }
0x23: {  	[spmem:s8] =	stream.linear.scatter [tilespmem:s21], [sflag:$0x6], $0x1400, $0x38;
	[tilespmem:$0x1EE20] =	vst v63  }
0x24: {  	_ =	swait.ge [sflag:s22], $0x1400  }
0x25: {  	[sflag:s22] =	ssyncset.done $0x0  }
0x26: {  	s7 =	rddreg [dreg:$0x6];
	[sflag:s22] =	ssyncadd.s32 $0xFFFFEC00  }
0x27: {  	[spmem:s7] =	stream.linear.scatter [tilespmem:s21], [sflag:$0x6], $0x1400, $0x38;
	[tilespmem:$0x1EE20] =	vst v63  }
0x28: {  	_ =	swait.ge [sflag:s22], $0x1400  }
0x29: {  	[sflag:s22] =	ssyncset.done $0x0  }
0x2a: {  	[sflag:s22] =	ssyncadd.s32 $0xFFFFEC00  }
0x2b: {  	[spmem:s10] =	stream.linear.scatter [tilespmem:s21], [sflag:$0x6], $0x1400, $0x38;
	[tilespmem:$0x1EE20] =	vst v63  }
0x2c: {  	_ =	swait.ge [sflag:s22], $0x1400  }
0x2d: {  	[sflag:s22] =	ssyncset.done $0x0  }
0x2e: {  	[sflag:s22] =	ssyncadd.s32 $0xFFFFEC00  }
0x2f: {  	[spmem:s11] =	stream.linear.scatter [tilespmem:s21], [sflag:$0x6], $0x1400, $0x38;
	[tilespmem:$0x1EE20] =	vst v63  }
0x30: {  	_ =	swait.ge [sflag:s22], $0x1400  }
0x31: {  	[sflag:s22] =	ssyncset.done $0x0  }
0x32: {  	[sflag:s22] =	ssyncadd.s32 $0xFFFFEC00  }
0x33: {  	[spmem:s12] =	stream.linear.scatter [tilespmem:s21], [sflag:$0x6], $0x1400, $0x38;
	[tilespmem:$0x1EE20] =	vst v63  }
0x34: {  	_ =	swait.ge [sflag:s22], $0x1400  }
0x35: {  	[sflag:s22] =	ssyncset.done $0x0  }
0x36: {  	[sflag:s22] =	ssyncadd.s32 $0xFFFFEC00  }
0x37: {  	[spmem:s13] =	stream.linear.scatter [tilespmem:s21], [sflag:$0x6], $0x1400, $0x38;
	[tilespmem:$0x1EE20] =	vst v63  }
0x38: {  	_ =	swait.ge [sflag:s22], $0x1400  }
0x39: {  	[sflag:s22] =	ssyncset.done $0x0  }
0x3a: {  	[sflag:s22] =	ssyncadd.s32 $0xFFFFEC00  }
0x3b: {  	[spmem:s14] =	stream.linear.scatter [tilespmem:s21], [sflag:$0x6], $0x1400, $0x38;
	[tilespmem:$0x1EE20] =	vst v63  }
0x3c: {  	_ =	swait.ge [sflag:s22], $0x1400  }
0x3d: {  	[sflag:s22] =	ssyncset.done $0x0  }
0x3e: {  	[sflag:s22] =	ssyncadd.s32 $0xFFFFEC00  }
0x3f: {  	[spmem:s15] =	stream.linear.scatter [tilespmem:s21], [sflag:$0x6], $0x1200, $0x38;
	[tilespmem:$0x1EE20] =	vst v63  }
0x40: {  	_ =	swait.ge [sflag:s22], $0x1200  }
0x41: {  	[sflag:s22] =	ssyncset.done $0x0  }
0x42: {  	s9 =	simm.s32 $0x0;
	[sflag:s22] =	ssyncadd.s32 $0xFFFFEE00  }
0x43: {  	[tilespmem:s9], [sflag:$0x6] =	stream.linear.gather [hbm4b:s16+s9], $0x2710, $0x38;
	[tilespmem:$0x1EE20] =	vst v63  }
0x44: {  	_ =	swait.ge [sflag:s22], $0x2710  }
0x45: {  	[sflag:s22] =	ssyncset.done $0x0  }
0x46: {  	s7 =	simm.s32 $0x2710;
	[sflag:s22] =	ssyncadd.s32 $0xFFFFD8F0  }
0x47: {  	[tilespmem:s7], [sflag:$0x6] =	stream.linear.gather [hbm4b:s17+s9], $0x2710, $0x38;
	[tilespmem:$0x1EE20] =	vst v63  }
0x48: {  	_ =	swait.ge [sflag:s22], $0x2710  }
0x49: {  	[sflag:s22] =	ssyncset.done $0x0  }
0x4a: {  	[sflag:s22] =	ssyncadd.s32 $0xFFFFD8F0  }
0x4b: {  	_ =	swait.ge [sflag:s24], $0x13C0  }
0x4c: {  	[sflag:s24] =	ssyncset.done $0x0  }
0x4d: {  	[sflag:s24] =	ssyncadd.s32 $0xFFFFEC40  }
0x4e: {  	[bflag:$0x0] =	sbarrier.arrive $0xFFFF  }
0x4f: {  	[tilespmem:s21], [sflag:$0x1] =	stream.indirect.gather [spmem:s1], $0x40, s9, s25, $0xb8;
	[tilespmem:$0x1EE20] =	vst v63  }
0x50: {  	_ = 	snop  }
0x51: {  	[tilespmem:s26], [sflag:$0x2] =	stream.indirect.gather [spmem:s1], $0x40, s25, s25, $0xb8;
	[tilespmem:$0x1EE20] =	vst v63  }
0x52: {  	s7 =	simm.s32 $0xA0  }
0x53: {  	[tilespmem:s29], [sflag:$0x3] =	stream.indirect.gather [spmem:s1], $0x40, s7, s25, $0xb8;
	[tilespmem:$0x1EE20] =	vst v63  }
0x54: {  	s9 =	simm.s32 $0xF0  }
0x55: {  	[tilespmem:s31], [sflag:$0x4] =	stream.indirect.gather [spmem:s1], $0x40, s9, s25, $0xb8;
	[tilespmem:$0x1EE20] =	vst v63  }
0x56: {  	s7 =	simm.s32 $0x140  }
0x57: {  	[tilespmem:s0], [sflag:$0x5] =	stream.indirect.gather [spmem:s1], $0x40, s7, s25, $0xb8;
	[tilespmem:$0x1EE20] =	vst v63  }
0x58: {  	_ =	swait.ge [sflag:s24], $0x1400  }
0x59: {  	[sflag:s24] =	ssyncset.done $0x0  }
0x5a: {  	s9 =	simm.s32 $0x2710;
	[sflag:s24] =	ssyncadd.s32 $0xFFFFEC00  }
0x5b: {  	[spmem:s3] =	stream.indirect.scatter.add.f32 [tilespmem:s21], [sflag:$0x6], $0x40, s9, s25, $0xb8;
	[tilespmem:$0x1EE20] =	vst v63  }
0x5c: {  	_ =	swait.ge [sflag:s22], $0x1400  }
0x5d: {  	[sflag:s22] =	ssyncset.done $0x0  }
0x5e: {  	s7 =	simm.s32 $0x190;
	[sflag:s22] =	ssyncadd.s32 $0xFFFFEC00  }
0x5f: {  	[tilespmem:s21], [sflag:$0x1] =	stream.indirect.gather [spmem:s1], $0x40, s7, s25, $0xb8;
	[tilespmem:$0x1EE20] =	vst v63  }
0x60: {  	_ =	swait.ge [sflag:s23], $0x1400  }
0x61: {  	[sflag:s23] =	ssyncset.done $0x0  }
0x62: {  	s9 =	simm.s32 $0x2760;
	[sflag:s23] =	ssyncadd.s32 $0xFFFFEC00  }
0x63: {  	[spmem:s3] =	stream.indirect.scatter.add.f32 [tilespmem:s26], [sflag:$0x6], $0x40, s9, s25, $0xb8;
	[tilespmem:$0x1EE20] =	vst v63  }
0x64: {  	_ =	swait.ge [sflag:s22], $0x1400  }
0x65: {  	[sflag:s22] =	ssyncset.done $0x0  }
0x66: {  	s7 =	simm.s32 $0x1E0;
	[sflag:s22] =	ssyncadd.s32 $0xFFFFEC00  }
0x67: {  	[tilespmem:s26], [sflag:$0x2] =	stream.indirect.gather [spmem:s1], $0x40, s7, s25, $0xb8;
	[tilespmem:$0x1EE20] =	vst v63  }
0x68: {  	_ =	swait.ge [sflag:s28], $0x1400  }
0x69: {  	[sflag:s28] =	ssyncset.done $0x0  }
0x6a: {  	s9 =	simm.s32 $0x27B0;
	[sflag:s28] =	ssyncadd.s32 $0xFFFFEC00  }
0x6b: {  	[spmem:s3] =	stream.indirect.scatter.add.f32 [tilespmem:s29], [sflag:$0x6], $0x40, s9, s25, $0xb8;
	[tilespmem:$0x1EE20] =	vst v63  }
0x6c: {  	_ =	swait.ge [sflag:s22], $0x1400  }
0x6d: {  	[sflag:s22] =	ssyncset.done $0x0  }
0x6e: {  	s7 =	simm.s32 $0x230;
	[sflag:s22] =	ssyncadd.s32 $0xFFFFEC00  }
0x6f: {  	[tilespmem:s29], [sflag:$0x3] =	stream.indirect.gather [spmem:s1], $0x40, s7, s25, $0xb8;
	[tilespmem:$0x1EE20] =	vst v63  }
0x70: {  	_ =	swait.ge [sflag:s30], $0x1400  }
0x71: {  	[sflag:s30] =	ssyncset.done $0x0  }
0x72: {  	s9 =	simm.s32 $0x2800;
	[sflag:s30] =	ssyncadd.s32 $0xFFFFEC00  }
0x73: {  	[spmem:s3] =	stream.indirect.scatter.add.f32 [tilespmem:s31], [sflag:$0x6], $0x40, s9, s25, $0xb8;
	[tilespmem:$0x1EE20] =	vst v63  }
0x74: {  	_ =	swait.ge [sflag:s22], $0x1400  }
0x75: {  	[sflag:s22] =	ssyncset.done $0x0  }
0x76: {  	s7 =	simm.s32 $0x280;
	[sflag:s22] =	ssyncadd.s32 $0xFFFFEC00  }
0x77: {  	[tilespmem:s31], [sflag:$0x4] =	stream.indirect.gather [spmem:s1], $0x40, s7, s25, $0xb8;
	[tilespmem:$0x1EE20] =	vst v63  }
0x78: {  	_ =	swait.ge [sflag:s2], $0x1400  }
0x79: {  	[sflag:s2] =	ssyncset.done $0x0  }
0x7a: {  	s9 =	simm.s32 $0x2850;
	[sflag:s2] =	ssyncadd.s32 $0xFFFFEC00  }
0x7b: {  	[spmem:s3] =	stream.indirect.scatter.add.f32 [tilespmem:s0], [sflag:$0x6], $0x40, s9, s25, $0xb8;
	[tilespmem:$0x1EE20] =	vst v63  }
0x7c: {  	_ =	swait.ge [sflag:s22], $0x1400  }
0x7d: {  	[sflag:s22] =	ssyncset.done $0x0  }
0x7e: {  	s5 =	simm.s32 $0x640;
	s7 =	simm.s32 $0x2D0;
	[sflag:s22] =	ssyncadd.s32 $0xFFFFEC00  }
.LBB2_4:
0x7f: {  	[tilespmem:s0], [sflag:$0x5] =	stream.indirect.gather [spmem:s1], $0x40, s7, s25, $0xb8;
	[tilespmem:$0x1EE20] =	vst v63  }
0x80: {  	s7 =	smov.u32 s5  }
0x81: {  	p0 =	sne.s32 s5, $0x8FC0;
	s5 =	sadd.s32 $0x640, s5;
	_ =	swait.ge [sflag:s24], $0x1400  }
0x82: {  	s7 =	sshra.s32 s7, $0x2;
	[sflag:s24] =	ssyncset.done $0x0  }
0x83: {  	s9 =	sadd.s32 $0x2710, s7;
	[sflag:s24] =	ssyncadd.s32 $0xFFFFEC00  }
0x84: {  	[spmem:s3] =	stream.indirect.scatter.add.f32 [tilespmem:s21], [sflag:$0x6], $0x40, s9, s25, $0xb8;
	[tilespmem:$0x1EE20] =	vst v63  }
0x85: {  	_ =	swait.ge [sflag:s22], $0x1400  }
0x86: {  	[sflag:s22] =	ssyncset.done $0x0  }
0x87: {  	s9 =	sadd.s32 $0x190, s7;
	[sflag:s22] =	ssyncadd.s32 $0xFFFFEC00  }
0x88: {  	[tilespmem:s21], [sflag:$0x1] =	stream.indirect.gather [spmem:s1], $0x40, s9, s25, $0xb8;
	[tilespmem:$0x1EE20] =	vst v63  }
0x89: {  	_ =	swait.ge [sflag:s23], $0x1400  }
0x8a: {  	[sflag:s23] =	ssyncset.done $0x0  }
0x8b: {  	s9 =	sadd.s32 $0x2760, s7;
	[sflag:s23] =	ssyncadd.s32 $0xFFFFEC00  }
0x8c: {  	[spmem:s3] =	stream.indirect.scatter.add.f32 [tilespmem:s26], [sflag:$0x6], $0x40, s9, s25, $0xb8;
	[tilespmem:$0x1EE20] =	vst v63  }
0x8d: {  	_ =	swait.ge [sflag:s22], $0x1400  }
0x8e: {  	[sflag:s22] =	ssyncset.done $0x0  }
0x8f: {  	s9 =	sadd.s32 $0x1E0, s7;
	[sflag:s22] =	ssyncadd.s32 $0xFFFFEC00  }
0x90: {  	[tilespmem:s26], [sflag:$0x2] =	stream.indirect.gather [spmem:s1], $0x40, s9, s25, $0xb8;
	[tilespmem:$0x1EE20] =	vst v63  }
0x91: {  	_ =	swait.ge [sflag:s28], $0x1400  }
0x92: {  	[sflag:s28] =	ssyncset.done $0x0  }
0x93: {  	s9 =	sadd.s32 $0x27B0, s7;
	[sflag:s28] =	ssyncadd.s32 $0xFFFFEC00  }
0x94: {  	[spmem:s3] =	stream.indirect.scatter.add.f32 [tilespmem:s29], [sflag:$0x6], $0x40, s9, s25, $0xb8;
	[tilespmem:$0x1EE20] =	vst v63  }
0x95: {  	_ =	swait.ge [sflag:s22], $0x1400  }
0x96: {  	[sflag:s22] =	ssyncset.done $0x0  }
0x97: {  	s9 =	sadd.s32 $0x230, s7;
	[sflag:s22] =	ssyncadd.s32 $0xFFFFEC00  }
0x98: {  	[tilespmem:s29], [sflag:$0x3] =	stream.indirect.gather [spmem:s1], $0x40, s9, s25, $0xb8;
	[tilespmem:$0x1EE20] =	vst v63  }
0x99: {  	_ =	swait.ge [sflag:s30], $0x1400  }
0x9a: {  	[sflag:s30] =	ssyncset.done $0x0  }
0x9b: {  	s9 =	sadd.s32 $0x2800, s7;
	[sflag:s30] =	ssyncadd.s32 $0xFFFFEC00  }
0x9c: {  	[spmem:s3] =	stream.indirect.scatter.add.f32 [tilespmem:s31], [sflag:$0x6], $0x40, s9, s25, $0xb8;
	[tilespmem:$0x1EE20] =	vst v63  }
0x9d: {  	_ =	swait.ge [sflag:s22], $0x1400  }
0x9e: {  	[sflag:s22] =	ssyncset.done $0x0  }
0x9f: {  	s9 =	sadd.s32 $0x280, s7;
	[sflag:s22] =	ssyncadd.s32 $0xFFFFEC00  }
0xa0: {  	[tilespmem:s31], [sflag:$0x4] =	stream.indirect.gather [spmem:s1], $0x40, s9, s25, $0xb8;
	[tilespmem:$0x1EE20] =	vst v63  }
0xa1: {  	_ =	swait.ge [sflag:s2], $0x1400  }
0xa2: {  	[sflag:s2] =	ssyncset.done $0x0  }
.Ltmp1:
0xa3: {  	s9 =	sadd.s32 $0x2850, s7;
	[sflag:s2] =	ssyncadd.s32 $0xFFFFEC00;
	(pc) =	sbr.rel @p0 .LBB2_4-.Ltmp1, $4  }
0xa4: {  	[spmem:s3] =	stream.indirect.scatter.add.f32 [tilespmem:s0], [sflag:$0x6], $0x40, s9, s25, $0xb8;
	[tilespmem:$0x1EE20] =	vst v63  }
0xa5: {  	_ =	swait.ge [sflag:s22], $0x1400  }
0xa6: {  	[sflag:s22] =	ssyncset.done $0x0  }
0xa7: {  	s7 =	sadd.s32 $0x2D0, s7;
	[sflag:s22] =	ssyncadd.s32 $0xFFFFEC00  }
0xa8: {  	[tilespmem:s0], [sflag:$0x5] =	stream.indirect.gather [spmem:s1], $0x40, s7, s25, $0xb8;
	[tilespmem:$0x1EE20] =	vst v63  }
0xa9: {  	_ =	swait.ge [sflag:s24], $0x1400  }
0xaa: {  	[sflag:s24] =	ssyncset.done $0x0  }
0xab: {  	s5 =	simm.s32 $0x4C90;
	[sflag:s24] =	ssyncadd.s32 $0xFFFFEC00  }
0xac: {  	[spmem:s3] =	stream.indirect.scatter.add.f32 [tilespmem:s21], [sflag:$0x6], $0x40, s5, s25, $0xb8;
	[tilespmem:$0x1EE20] =	vst v63  }
0xad: {  	_ =	swait.ge [sflag:s22], $0x1400  }
0xae: {  	[sflag:s22] =	ssyncset.done $0x0  }
0xaf: {  	[sflag:s22] =	ssyncadd.s32 $0xFFFFEC00  }
0xb0: {  	_ =	swait.ge [sflag:s23], $0x1400  }
0xb1: {  	[sflag:s23] =	ssyncset.done $0x0  }
0xb2: {  	s7 =	simm.s32 $0x4CE0;
	[sflag:s23] =	ssyncadd.s32 $0xFFFFEC00  }
0xb3: {  	[spmem:s3] =	stream.indirect.scatter.add.f32 [tilespmem:s26], [sflag:$0x6], $0x40, s7, s25, $0xb8;
	[tilespmem:$0x1EE20] =	vst v63  }
0xb4: {  	_ =	swait.ge [sflag:s22], $0x1400  }
0xb5: {  	[sflag:s22] =	ssyncset.done $0x0  }
0xb6: {  	[sflag:s22] =	ssyncadd.s32 $0xFFFFEC00  }
0xb7: {  	_ =	swait.ge [sflag:s28], $0x1400  }
0xb8: {  	[sflag:s28] =	ssyncset.done $0x0  }
0xb9: {  	s9 =	simm.s32 $0x4D30;
	[sflag:s28] =	ssyncadd.s32 $0xFFFFEC00  }
0xba: {  	[spmem:s3] =	stream.indirect.scatter.add.f32 [tilespmem:s29], [sflag:$0x6], $0x40, s9, s25, $0xb8;
	[tilespmem:$0x1EE20] =	vst v63  }
0xbb: {  	_ =	swait.ge [sflag:s22], $0x1400  }
0xbc: {  	[sflag:s22] =	ssyncset.done $0x0  }
0xbd: {  	[sflag:s22] =	ssyncadd.s32 $0xFFFFEC00  }
0xbe: {  	_ =	swait.ge [sflag:s30], $0x1400  }
0xbf: {  	[sflag:s30] =	ssyncset.done $0x0  }
0xc0: {  	s7 =	simm.s32 $0x4D80;
	[sflag:s30] =	ssyncadd.s32 $0xFFFFEC00  }
0xc1: {  	[spmem:s3] =	stream.indirect.scatter.add.f32 [tilespmem:s31], [sflag:$0x6], $0x40, s7, s25, $0xb8;
	[tilespmem:$0x1EE20] =	vst v63  }
0xc2: {  	_ =	swait.ge [sflag:s22], $0x1400  }
0xc3: {  	[sflag:s22] =	ssyncset.done $0x0  }
0xc4: {  	[sflag:s22] =	ssyncadd.s32 $0xFFFFEC00  }
0xc5: {  	_ =	swait.ge [sflag:s2], $0x1400  }
0xc6: {  	[sflag:s2] =	ssyncset.done $0x0  }
0xc7: {  	s9 =	simm.s32 $0x4DD0;
	[sflag:s2] =	ssyncadd.s32 $0xFFFFEC00  }
0xc8: {  	[spmem:s3] =	stream.indirect.scatter.add.f32 [tilespmem:s0], [sflag:$0x6], $0x40, s9, s25, $0xb8;
	[tilespmem:$0x1EE20] =	vst v63  }
0xc9: {  	_ =	swait.ge [sflag:s22], $0x1400  }
0xca: {  	s4 =	sadd.s32 $0x1, s4;
	[sflag:s22] =	ssyncset.done $0x0  }
0xcb: {  	p0 =	sne.s32 s4, s18;
	s7 =	sor.u32 $0x1C06, s6;
	[sflag:s22] =	ssyncadd.s32 $0xFFFFEC00  }
.Ltmp2:
0xcc: {  	s9 =	sshrl.u32 s8, $0x3;
	[bflag:$0x0] =	sbarrier.arrive $0xFFFF;
	(pc) =	sbr.rel @p0 .LBB2_1-.Ltmp2, $4  }
0xcd: {  	[hbm:s19], [sflag:s7] =	dma.local [spmem:s9], $0x13C0  }
0xce: {  	_ =	swait.ge [sflag:s22], $0x13C0  }
0xcf: {  	[sflag:s22] =	ssyncset.done $0x0  }
0xd0: {  	[sflag:s22] =	ssyncadd.s32 $0xFFFFEC40  }
0xd1: {  	_ =	sfence.sel $0x180000  }
0xd2: {  	[bflag:$0x0] =	sbarrier.arrive $0xFFFF  }
0xd3: {  	_ =	strace $0x9000004A  }
0xd4: {  	s0 =	stileid.u32;
	[bflag:$0x2] =	sbarrier.arrive $0xFFFF  }
0xd5: {  	p0 =	sne.s32 s0, $0x0;
	s0 =	rddreg [dreg:$0x3]  }
0xd6: {  	s0 =	sadd.s32 @!p0 $0x100000, s0  }
0xd7: {  	[sflag:s0] =	ssyncadd.tile.s32 @!p0 $0x1;
	_ =	shalt  }
.Lfunc_end2:
_tile_overlayer_lowered:
.L_overlay_start_2:
0xd8: {  	(tag) =	ssettag $0x2  }
0xd9: {  	s0 =	rddreg [dreg:$0x0];
	s2 =	stileid.u32  }
0xda: {  	s1 =	rddreg [dreg:$0x1];
	p0 =	sne.s32 s2, $0x0  }
0xdb: {  	s3 =	rddreg [dreg:$0x2];
	[bflag:$0x3] =	sbarrier.arrive $0xFFFF;
	s2 =	simm.s32 @!p0 $0x1C06  }
0xdc: {  	[timem:s3], [sflag:s2] =	dma.local @!p0 [hbm:s0], s1  }
0xdd: {  	s0 =	simm.s32 @!p0 $0x6  }
0xde: {  	_ =	swait.ge @!p0 [sflag:s0], s1  }
0xdf: {  	s1 =	ssub.s32 @!p0 $0x0, s1;
	[sflag:s0] =	ssyncset.done @!p0 $0x0  }
0xe0: {  	[sflag:s0] =	ssyncadd.s32 @!p0 s1  }
0xe1: {  	[bflag:$0x3] =	sbarrier.arrive $0xFFFF  }
0xe2: {  	_ =	shalt  }

// kernel: kernel.18.cloned.1.call-start
scs
__scs_entry_jumppad:
0x0: {  	(pc) =	sbr.rel $0x88, $3  }
0x1: {  	(tag) =	ssettag $0x0;
	lr =	simm.s32 $0x1  }
0x2: {  	[smem:$0x3F88] =	sst lr;
	_ =	strace $0xD0000000  }
0x3: {  	_ = 	snop  }
0x4: {  	_ = 	snop  }
0x5: {  	_ = 	snop  }
0x6: {  	_ = 	snop  }
0x7: {  	_ = 	snop  }
__scs_overlays_trampoline_lowered:
0x8: {  	[smem:$0x3F97] =	sst s0  }
0x9: {  	[smem:$0x3F98] =	sst s1  }
0xa: {  	[smem:$0x3F99] =	sst s2  }
0xb: {  	[smem:$0x3F9A] =	sst s3  }
0xc: {  	[smem:$0x3F9B] =	sst s4  }
0xd: {  	[smem:$0x3F9C] =	sst s5  }
0xe: {  	[smem:$0x3F9D] =	sst s6  }
0xf: {  	[smem:$0x3F9E] =	sst s7  }
0x10: {  	[smem:$0x3F9F] =	sst s8  }
0x11: {  	[smem:$0x3FA0] =	sst s9;
	s0 =	simm.s32 @!p0 $0x0  }
0x12: {  	s1 =	sld [smem:$0x3F86];
	s0 =	simm.s32 @p0 $0x1  }
0x13: {  	[smem:$0x3FA1] =	sst s0;
	s0 =	simm.s32 @!p1 $0x0  }
0x14: {  	s2 =	sld [smem:$0x3F85];
	s0 =	simm.s32 @p1 $0x1  }
0x15: {  	[smem:$0x3FA2] =	sst s0;
	s0 =	simm.s32 @!p2 $0x0  }
0x16: {  	s3 =	sld [smem:$0x3FDB];
	s0 =	simm.s32 @p2 $0x1  }
0x17: {  	s4 =	simm.s32 $0x1BF5;
	[smem:$0x3FA4] =	sst s0  }
0x18: {  	s0 =	sld [smem:$0x3F87];
	_ =	swait.ge [sflag:s4], $0x0  }
0x19: {  	s7 =	sld [smem:$0x3F88]  }
0x1a: {  	s8 =	sadd.s32 $0xFFFFE003, lr  }
0x1b: {  	s9 =	sadd.s32 $0xFFFFFEF7, lr;
	s5 =	simm.s32 $0xFFFFFFFF;
	p2 =	slt.u32 s8, $0xFFFFF086  }
0x1c: {  	p1 =	slt.u32 s9, $0xF7A;
	s5 =	simm.s32 @!p2 $0x0  }
0x1d: {  	s5 =	simm.s32 @p1 $0x1;
	p0 =	seq.s32 s7, s2  }
0x1e: {  	s7 =	smul.u32 @!p0 $0xF7A, s2;
	p2 =	seq.s32 @!p0 s5, $0x0  }
0x1f: {  	s9 =	smul.u32 $0xF7A, s1;
	s8 =	simm.s32 @!p0 $0x1BF5;
	p2 =	por !p2, p0  }
0x20: {  	[sflag:s8] =	ssyncset.s32 @!p0 $0xFFFFF086;
	s6 =	sadd.s32 @!p0 s3, s7;
	s7 =	simm.s32 @!p0 $0x108  }
0x21: {  	s3 =	sadd.s32 s3, s9;
	s6 =	sadd.s32 @!p0 $0x88, s6;
	s7 =	simm.s32 @p2 $0x1082  }
0x22: {  	[simem:s7], [sflag:s8] =	dma.local @!p0 [hbm:s6], $0xF7A  }
0x23: {  	s9 =	sor.u32 $0xD0000000, s2;
	s6 =	simm.s32 $0x108;
	_ =	swait.ge @!p0 [sflag:s8], $0x0  }
0x24: {  	s3 =	sadd.s32 $0x88, s3;
	s6 =	simm.s32 @!p1 $0x1082;
	[sflag:s4] =	ssyncset.s32 $0xFFFFF086  }
0x25: {  	[simem:s6], [sflag:s4] =	dma.local [hbm:s3], $0xF7A  }
0x26: {  	[smem:$0x3F88] =	sst s1;
	(tag) =	ssettag s2;
	_ =	strace s9  }
0x27: {  	s1 =	sld [smem:$0x3F98]  }
0x28: {  	s2 =	sld [smem:$0x3F99]  }
0x29: {  	s4 =	sld [smem:$0x3F9B]  }
0x2a: {  	p0 =	seq.s32 s5, $0x0;
	s5 =	sld [smem:$0x3F9C]  }
0x2b: {  	s6 =	sld [smem:$0x3F9D]  }
0x2c: {  	s7 =	sld [smem:$0x3F9E]  }
0x2d: {  	s3 =	simm.s32 $0x108;
	s8 =	sld [smem:$0x3F9F]  }
0x2e: {  	s3 =	simm.s32 @!p0 $0x1082;
	s9 =	sld [smem:$0x3FA0]  }
0x2f: {  	lr =	sadd.s32 s0, s3;
	s0 =	sld [smem:$0x3F97]  }
0x30: {  	s3 =	sld [smem:$0x3F9A]  }
0x31: {  	[smem:$0x3FA3] =	sst s10  }
0x32: {  	s10 =	sld [smem:$0x3FA1];
	_ =	sdelay $0x3  }
0x33: {  	p0 =	seq.s32 s10, $0x1;
	s10 =	sld [smem:$0x3FA3];
	_ =	sdelay $0x3  }
0x34: {  	[smem:$0x3FA3] =	sst s10  }
0x35: {  	s10 =	sld [smem:$0x3FA2];
	_ =	sdelay $0x3  }
0x36: {  	p1 =	seq.s32 s10, $0x1;
	s10 =	sld [smem:$0x3FA3];
	_ =	sdelay $0x3  }
0x37: {  	[smem:$0x3FA3] =	sst s10  }
0x38: {  	s10 =	sld [smem:$0x3FA4]  }
0x39: {  	_ = 	snop;
	(pc) =	sbr.ind lr, $3  }
0x3a: {  	_ = 	snop  }
0x3b: {  	_ = 	snop  }
0x3c: {  	p2 =	seq.s32 s10, $0x1;
	s10 =	sld [smem:$0x3FA3]  }
0x3d: {  	_ =	shalt  }
0x3e: {  	_ =	shalt  }
0x3f: {  	_ =	shalt  }
0x40: {  	_ =	shalt  }
0x41: {  	_ =	shalt  }
0x42: {  	_ =	shalt  }
0x43: {  	_ =	shalt  }
0x44: {  	_ =	shalt  }
0x45: {  	_ =	shalt  }
0x46: {  	_ =	shalt  }
0x47: {  	_ =	shalt  }
0x48: {  	_ =	shalt  }
0x49: {  	_ =	shalt  }
0x4a: {  	_ =	shalt  }
0x4b: {  	_ =	shalt  }
0x4c: {  	_ =	shalt  }
0x4d: {  	_ =	shalt  }
0x4e: {  	_ =	shalt  }
0x4f: {  	_ =	shalt  }
0x50: {  	_ =	shalt  }
0x51: {  	_ =	shalt  }
0x52: {  	_ =	shalt  }
0x53: {  	_ =	shalt  }
0x54: {  	_ =	shalt  }
0x55: {  	_ =	shalt  }
0x56: {  	_ =	shalt  }
0x57: {  	_ =	shalt  }
0x58: {  	_ =	shalt  }
0x59: {  	_ =	shalt  }
0x5a: {  	_ =	shalt  }
0x5b: {  	_ =	shalt  }
0x5c: {  	_ =	shalt  }
0x5d: {  	_ =	shalt  }
0x5e: {  	_ =	shalt  }
0x5f: {  	_ =	shalt  }
0x60: {  	_ =	shalt  }
0x61: {  	_ =	shalt  }
0x62: {  	_ =	shalt  }
0x63: {  	_ =	shalt  }
0x64: {  	_ =	shalt  }
0x65: {  	_ =	shalt  }
0x66: {  	_ =	shalt  }
0x67: {  	_ =	shalt  }
0x68: {  	_ =	shalt  }
0x69: {  	_ =	shalt  }
0x6a: {  	_ =	shalt  }
0x6b: {  	_ =	shalt  }
0x6c: {  	_ =	shalt  }
0x6d: {  	_ =	shalt  }
0x6e: {  	_ =	shalt  }
0x6f: {  	_ =	shalt  }
0x70: {  	_ =	shalt  }
0x71: {  	_ =	shalt  }
0x72: {  	_ =	shalt  }
0x73: {  	_ =	shalt  }
0x74: {  	_ =	shalt  }
0x75: {  	_ =	shalt  }
0x76: {  	_ =	shalt  }
0x77: {  	_ =	shalt  }
0x78: {  	_ =	shalt  }
0x79: {  	_ =	shalt  }
0x7a: {  	_ =	shalt  }
0x7b: {  	_ =	shalt  }
0x7c: {  	_ =	shalt  }
0x7d: {  	_ =	shalt  }
0x7e: {  	_ =	shalt  }
0x7f: {  	_ =	shalt  }
0x80: {  	_ =	shalt  }
0x81: {  	_ =	shalt  }
0x82: {  	_ =	shalt  }
0x83: {  	_ =	shalt  }
0x84: {  	_ =	shalt  }
0x85: {  	_ =	shalt  }
0x86: {  	_ =	shalt  }
0x87: {  	_ =	shalt  }
.Lfunc_end0:
.L_simem_size_0:
called_computation.2_lowered:
.L_overlay_start_0:
0x88: {  	s2 =	sld [smem:$0x3FD9]  }
0x89: {  	s3 =	sld [smem:$0x3FFE];
	_ =	sdelay $0x1  }
0x8a: {  	s1 =	srdreg.scid  }
0x8b: {  	s0 =	sand.u32 $0x1, s1  }
0x8c: {  	s16 =	sshll.u32 s0, $0xA;
	s2 =	sadd.s32 s3, s2  }
0x8d: {  	s2 =	sadd.s32 s2, s16  }
0x8e: {  	[smem:$0x3FAF] =	sst s2  }
0x8f: {  	_ = 	snop  }
0x90: {  	(tm) =	ssettm $0x1  }
0x91: {  	s17 =	sld [smem:$0x3FFB];
	_ =	sdelay $0x3  }
0x92: {  	_ =	strace s17  }
0x93: {  	s2 =	sld [smem:$0x3FFC];
	_ =	sdelay $0x3  }
0x94: {  	_ =	strace s2  }
0x95: {  	s2 =	sld [smem:$0x3FFD];
	_ =	sdelay $0x3  }
0x96: {  	_ =	strace s2  }
0x97: {  	_ =	strace $0x8FFFFFFF  }
0x98: {  	s18 =	sld [smem:$0x3FDB];
	_ =	sdelay $0x1  }
0x99: {  	s19 =	simm.s32 $_scs_section_size  }
0x9a: {  	s4 =	simm.s32 $_size__tile_overlayer_lowered;
	s5 =	simm.s32 $_tile_overlayer_lowered  }
0x9b: {  	s22 =	simm.s32 $0x1BFF;
	s21 =	sshll.u32 s5, $0x1;
	s2 =	sadd.s32 s19, s18  }
0x9c: {  	s6 =	simm.s32 $0x0;
	s20 =	sshll.u32 s4, $0x1;
	s4 =	sadd.s32 s21, s2  }
0x9d: {  	[timem:s6], [sflag:s22] =	dma.local [hbm:s4], s20  }
0x9e: {  	_ =	swait.ge [sflag:s22], s20  }
0x9f: {  	s3 =	ssub.s32 $0x0, s20;
	[sflag:s22] =	ssyncset.done $0x0  }
0xa0: {  	[sflag:s22] =	ssyncadd.s32 s3;
	_ =	sdelay $0x1  }
0xa1: {  	s23 =	simm.s32 $0x1B8B  }
0xa2: {  	_ =	swait.ge [sflag:s23], $0x1  }
0xa3: {  	[sflag:s23] =	ssyncset.done $0x0  }
0xa4: {  	s25 =	simm.s32 $0x1B8E;
	s24 =	sld [smem:$0x3FFE];
	[sflag:s23] =	ssyncadd.s32 $0xFFFFFFFF  }
0xa5: {  	s26 =	simm.s32 $execute0_lowered;
	[smem:$0x3FD2] =	sst s25  }
0xa6: {  	s4 =	sshll.u32 s26, $0x1;
	_ =	strace $0x8000004C;
	[dreg:$0x1] =	wrdreg $0xFFFFFFFF  }
0xa7: {  	s28 =	simm.s32 $_size_execute0_lowered;
	s2 =	sadd.s32 s2, s4;
	[dreg:$0x0] =	wrdreg $0x0  }
0xa8: {  	s4 =	sshll.u32 s28, $0x1;
	[dreg:$0x2] =	wrdreg s2  }
0xa9: {  	[dreg:$0x3] =	wrdreg s4  }
0xaa: {  	[dreg:$0x4] =	wrdreg $0xC0  }
0xab: {  	_ =	task [dreg:s6], $0x5FFFF  }
0xac: {  	[dreg:$0x1] =	wrdreg $0xFFFFFFFF  }
0xad: {  	[dreg:$0x0] =	wrdreg $0x60  }
0xae: {  	[dreg:$0x2] =	wrdreg s24  }
0xaf: {  	[dreg:$0x3] =	wrdreg $0x150200  }
0xb0: {  	[dreg:$0x4] =	wrdreg $0xB2200  }
0xb1: {  	[dreg:$0x5] =	wrdreg $0x9  }
0xb2: {  	_ =	task.clear_ibuf [dreg:s6], $0x6FFFF;
	_ =	strace $0x9000004C  }
0xb3: {  	s29 =	simm.s32 $0x9;
	_ =	strace $0x8000004E  }
0xb4: {  	_ =	swait.ge [sflag:s29], $0x1  }
0xb5: {  	[sflag:s29] =	ssyncadd.s32 $0xFFFFFFFF  }
0xb6: {  	_ =	strace $0x9000004E  }
0xb7: {  	_ =	sfence  }
0xb8: {  	s30 =	sld [smem:$0x0];
	_ =	sdelay $0x2  }
0xb9: {  	s31 =	sshll.u32 s1, $0xD;
	s1 =	sshrl.u32 s1, $0x2  }
0xba: {  	s3 =	sand.u32 $0x4000, s31;
	s1 =	sadd.s32 s1, s30  }
0xbb: {  	s0 =	sor.u32 s3, s0;
	s1 =	sshll.u32 s1, $0x11  }
0xbc: {  	s0 =	sor.u32 s1, s0  }
0xbd: {  	s0 =	sadd.s32 $0x8F2B, s0  }
0xbe: {  	[sflag:s0] =	ssyncadd.remote.s32 $0x1  }
0xbf: {  	_ =	sfence.sel $0xFFFF  }
0xc0: {  	[dreg:$0x0] =	wrdreg $0xFFFFFFFF;
	(pc) =	sbr.abs _section_cstart, $3  }
0xc1: {  	[dreg:$0x1] =	wrdreg $0xFFFFFFFF  }
0xc2: {  	_ =	task.clear_ibuf [dreg:s6], $0x2FFFF;
	_ =	strace $0x9FFFFFFF  }
0xc3: {  	(tm) =	ssettm $0x7FFFFFFF  }
tec
execute0_lowered:
.L_overlay_start_1:
0x0: {  	(tag) =	ssettag $0x1  }
0x1: {  	s0 =	rddreg [dreg:$0x0]  }
0x2: {  	s1 =	rddreg [dreg:$0x1]  }
0x3: {  	s3 =	rddreg [dreg:$0x2];
	s11 =	stileid.u32  }
0x4: {  	s2 =	srdreg.scid;
	s4 =	simm.s32 $0x0;
	s21 =	simm.s32 $0x4E20  }
0x5: {  	s22 =	simm.s32 $0x6;
	s29 =	simm.s32 $0x7620;
	s31 =	simm.s32 $0x8A20  }
0x6: {  	s28 =	simm.s32 $0x3;
	s30 =	simm.s32 $0x4;
	s5 =	smul.u32 $0x9E00, s11  }
0x7: {  	s2 =	sand.u32 $0x1, s2;
	s6 =	sshll.u32 s11, $0x1;
	[smem:$0x7FF] =	sst s4  }
0x8: {  	s10 =	smul.u32 $0x27800, s11;
	s6 =	sor.u32 s2, s6;
	_ =	strace $0x8000004D  }
0x9: {  	s8 =	ssub.s32 $0x2, s2;
	p0 =	seq.s32 s2, $0x1;
	s2 =	simm.s32 $0x41C00  }
0xa: {  	s7 =	sshrl.u32 s5, $0x3;
	s6 =	smul.u32 $0x2710, s6;
	s9 =	sshrl.u32 s8, $0x1  }
0xb: {  	s20 =	sadd.s32 s5, s1;
	s24 =	sshrl.u32 s10, $0x2;
	s2 =	simm.s32 @!p0 $0x2E000  }
0xc: {  	s7 =	sadd.s32 s7, s0;
	s18 =	ssub.s32 s8, s9;
	s8 =	sadd.s32 s5, s3  }
0xd: {  	s26 =	sadd.s32 s24, s3;
	s20 =	sshrl.u32 s20, $0x3;
	s24 =	simm.s32 $0x1  }
0xe: {  	s6 =	sshrl.u32 s6, $0x3;
	s23 =	sadd.s32 $0x1A400, s7;
	s9 =	sadd.s32 $0x1400, s26  }
0xf: {  	s10 =	sadd.s32 $0x2800, s26;
	s12 =	sadd.s32 $0x5000, s26;
	s13 =	sadd.s32 $0x6400, s26  }
0x10: {  	s14 =	sadd.s32 $0x7800, s26;
	s15 =	sadd.s32 $0x8C00, s26;
	s18 =	smax.u32 s18, $0x1  }
0x11: {  	s19 =	sadd.s32 s2, s7;
	s2 =	simm.s32 $0x5;
	[dreg:$0x4] =	wrdreg s23  }
0x12: {  	s0 =	sadd.s32 s6, s0;
	s6 =	sshll.u32 s11, $0x6;
	[dreg:$0x6] =	wrdreg s9  }
0x13: {  	s11 =	sadd.s32 $0x3C00, s26;
	s26 =	simm.s32 $0x6220;
	s23 =	simm.s32 $0x2  }
0x14: {  	s25 =	sor.u32 $0x1C01, s6;
	s16 =	sadd.s32 $0x6A00, s0;
	s17 =	sadd.s32 $0x10640, s0  }
0x15: {  	v0 =	vimm.f32 $0.0e+00;
	s0 =	simm.s32 $0x9E20;
	[dreg:$0x5] =	wrdreg s25;
	s25 =	simm.s32 $0x50  }
.LBB2_1:
0x16: {  	s5 =	rddreg [dreg:$0x4]  }
0x17: {  	s7 =	rddreg [dreg:$0x5]  }
0x18: {  	[spmem:s20], [sflag:s7] =	dma.local [hbm:s5], $0x13C0  }
0x19: {  	s7 =	simm.s32 $0x100;
	s5 =	simm.s32 $0x0  }
.LBB2_2:
0x1a: {  	p0 =	sne.s32 s7, $0x4F00;
	[tilespmem:s5+$0x4E50] =	vst v0;
	s9 =	smov.u32 s7;
	s7 =	sadd.s32 $0x100, s7  }
.Ltmp0:
0x1b: {  	[tilespmem:s5+$0x4E40] =	vst v0;
	(pc) =	sbr.rel @p0 .LBB2_2-.Ltmp0, $3  }
0x1c: {  	[tilespmem:s5+$0x4E20] =	vst v0  }
0x1d: {  	[tilespmem:s5+$0x4E30] =	vst v0;
	_ =	sdelay $0x1  }
0x1e: {  	s5 =	sshra.s32 s9, $0x2  }
0x1f: {  	[tilespmem:s5+$0x4E50] =	vst v0  }
0x20: {  	[tilespmem:s5+$0x4E40] =	vst v0  }
0x21: {  	[tilespmem:s5+$0x4E20] =	vst v0  }
0x22: {  	[tilespmem:s5+$0x4E30] =	vst v0  }
0x23: {  	[spmem:s8] =	stream.linear.scatter [tilespmem:s21], [sflag:$0x6], $0x1400, $0x38;
	[tilespmem:$0x1EE20] =	vst v63  }
0x24: {  	_ =	swait.ge [sflag:s22], $0x1400  }
0x25: {  	[sflag:s22] =	ssyncset.done $0x0  }
0x26: {  	s7 =	rddreg [dreg:$0x6];
	[sflag:s22] =	ssyncadd.s32 $0xFFFFEC00  }
0x27: {  	[spmem:s7] =	stream.linear.scatter [tilespmem:s21], [sflag:$0x6], $0x1400, $0x38;
	[tilespmem:$0x1EE20] =	vst v63  }
0x28: {  	_ =	swait.ge [sflag:s22], $0x1400  }
0x29: {  	[sflag:s22] =	ssyncset.done $0x0  }
0x2a: {  	[sflag:s22] =	ssyncadd.s32 $0xFFFFEC00  }
0x2b: {  	[spmem:s10] =	stream.linear.scatter [tilespmem:s21], [sflag:$0x6], $0x1400, $0x38;
	[tilespmem:$0x1EE20] =	vst v63  }
0x2c: {  	_ =	swait.ge [sflag:s22], $0x1400  }
0x2d: {  	[sflag:s22] =	ssyncset.done $0x0  }
0x2e: {  	[sflag:s22] =	ssyncadd.s32 $0xFFFFEC00  }
0x2f: {  	[spmem:s11] =	stream.linear.scatter [tilespmem:s21], [sflag:$0x6], $0x1400, $0x38;
	[tilespmem:$0x1EE20] =	vst v63  }
0x30: {  	_ =	swait.ge [sflag:s22], $0x1400  }
0x31: {  	[sflag:s22] =	ssyncset.done $0x0  }
0x32: {  	[sflag:s22] =	ssyncadd.s32 $0xFFFFEC00  }
0x33: {  	[spmem:s12] =	stream.linear.scatter [tilespmem:s21], [sflag:$0x6], $0x1400, $0x38;
	[tilespmem:$0x1EE20] =	vst v63  }
0x34: {  	_ =	swait.ge [sflag:s22], $0x1400  }
0x35: {  	[sflag:s22] =	ssyncset.done $0x0  }
0x36: {  	[sflag:s22] =	ssyncadd.s32 $0xFFFFEC00  }
0x37: {  	[spmem:s13] =	stream.linear.scatter [tilespmem:s21], [sflag:$0x6], $0x1400, $0x38;
	[tilespmem:$0x1EE20] =	vst v63  }
0x38: {  	_ =	swait.ge [sflag:s22], $0x1400  }
0x39: {  	[sflag:s22] =	ssyncset.done $0x0  }
0x3a: {  	[sflag:s22] =	ssyncadd.s32 $0xFFFFEC00  }
0x3b: {  	[spmem:s14] =	stream.linear.scatter [tilespmem:s21], [sflag:$0x6], $0x1400, $0x38;
	[tilespmem:$0x1EE20] =	vst v63  }
0x3c: {  	_ =	swait.ge [sflag:s22], $0x1400  }
0x3d: {  	[sflag:s22] =	ssyncset.done $0x0  }
0x3e: {  	[sflag:s22] =	ssyncadd.s32 $0xFFFFEC00  }
0x3f: {  	[spmem:s15] =	stream.linear.scatter [tilespmem:s21], [sflag:$0x6], $0x1200, $0x38;
	[tilespmem:$0x1EE20] =	vst v63  }
0x40: {  	_ =	swait.ge [sflag:s22], $0x1200  }
0x41: {  	[sflag:s22] =	ssyncset.done $0x0  }
0x42: {  	s9 =	simm.s32 $0x0;
	[sflag:s22] =	ssyncadd.s32 $0xFFFFEE00  }
0x43: {  	[tilespmem:s9], [sflag:$0x6] =	stream.linear.gather [hbm4b:s16+s9], $0x2710, $0x38;
	[tilespmem:$0x1EE20] =	vst v63  }
0x44: {  	_ =	swait.ge [sflag:s22], $0x2710  }
0x45: {  	[sflag:s22] =	ssyncset.done $0x0  }
0x46: {  	s7 =	simm.s32 $0x2710;
	[sflag:s22] =	ssyncadd.s32 $0xFFFFD8F0  }
0x47: {  	[tilespmem:s7], [sflag:$0x6] =	stream.linear.gather [hbm4b:s17+s9], $0x2710, $0x38;
	[tilespmem:$0x1EE20] =	vst v63  }
0x48: {  	_ =	swait.ge [sflag:s22], $0x2710  }
0x49: {  	[sflag:s22] =	ssyncset.done $0x0  }
0x4a: {  	[sflag:s22] =	ssyncadd.s32 $0xFFFFD8F0  }
0x4b: {  	_ =	swait.ge [sflag:s24], $0x13C0  }
0x4c: {  	[sflag:s24] =	ssyncset.done $0x0  }
0x4d: {  	[sflag:s24] =	ssyncadd.s32 $0xFFFFEC40  }
0x4e: {  	[bflag:$0x0] =	sbarrier.arrive $0xFFFF  }
0x4f: {  	[tilespmem:s21], [sflag:$0x1] =	stream.indirect.gather [spmem:s1], $0x40, s9, s25, $0xb8;
	[tilespmem:$0x1EE20] =	vst v63  }
0x50: {  	_ = 	snop  }
0x51: {  	[tilespmem:s26], [sflag:$0x2] =	stream.indirect.gather [spmem:s1], $0x40, s25, s25, $0xb8;
	[tilespmem:$0x1EE20] =	vst v63  }
0x52: {  	s7 =	simm.s32 $0xA0  }
0x53: {  	[tilespmem:s29], [sflag:$0x3] =	stream.indirect.gather [spmem:s1], $0x40, s7, s25, $0xb8;
	[tilespmem:$0x1EE20] =	vst v63  }
0x54: {  	s9 =	simm.s32 $0xF0  }
0x55: {  	[tilespmem:s31], [sflag:$0x4] =	stream.indirect.gather [spmem:s1], $0x40, s9, s25, $0xb8;
	[tilespmem:$0x1EE20] =	vst v63  }
0x56: {  	s7 =	simm.s32 $0x140  }
0x57: {  	[tilespmem:s0], [sflag:$0x5] =	stream.indirect.gather [spmem:s1], $0x40, s7, s25, $0xb8;
	[tilespmem:$0x1EE20] =	vst v63  }
0x58: {  	_ =	swait.ge [sflag:s24], $0x1400  }
0x59: {  	[sflag:s24] =	ssyncset.done $0x0  }
0x5a: {  	s9 =	simm.s32 $0x2710;
	[sflag:s24] =	ssyncadd.s32 $0xFFFFEC00  }
0x5b: {  	[spmem:s3] =	stream.indirect.scatter.add.f32 [tilespmem:s21], [sflag:$0x6], $0x40, s9, s25, $0xb8;
	[tilespmem:$0x1EE20] =	vst v63  }
0x5c: {  	_ =	swait.ge [sflag:s22], $0x1400  }
0x5d: {  	[sflag:s22] =	ssyncset.done $0x0  }
0x5e: {  	s7 =	simm.s32 $0x190;
	[sflag:s22] =	ssyncadd.s32 $0xFFFFEC00  }
0x5f: {  	[tilespmem:s21], [sflag:$0x1] =	stream.indirect.gather [spmem:s1], $0x40, s7, s25, $0xb8;
	[tilespmem:$0x1EE20] =	vst v63  }
0x60: {  	_ =	swait.ge [sflag:s23], $0x1400  }
0x61: {  	[sflag:s23] =	ssyncset.done $0x0  }
0x62: {  	s9 =	simm.s32 $0x2760;
	[sflag:s23] =	ssyncadd.s32 $0xFFFFEC00  }
0x63: {  	[spmem:s3] =	stream.indirect.scatter.add.f32 [tilespmem:s26], [sflag:$0x6], $0x40, s9, s25, $0xb8;
	[tilespmem:$0x1EE20] =	vst v63  }
0x64: {  	_ =	swait.ge [sflag:s22], $0x1400  }
0x65: {  	[sflag:s22] =	ssyncset.done $0x0  }
0x66: {  	s7 =	simm.s32 $0x1E0;
	[sflag:s22] =	ssyncadd.s32 $0xFFFFEC00  }
0x67: {  	[tilespmem:s26], [sflag:$0x2] =	stream.indirect.gather [spmem:s1], $0x40, s7, s25, $0xb8;
	[tilespmem:$0x1EE20] =	vst v63  }
0x68: {  	_ =	swait.ge [sflag:s28], $0x1400  }
0x69: {  	[sflag:s28] =	ssyncset.done $0x0  }
0x6a: {  	s9 =	simm.s32 $0x27B0;
	[sflag:s28] =	ssyncadd.s32 $0xFFFFEC00  }
0x6b: {  	[spmem:s3] =	stream.indirect.scatter.add.f32 [tilespmem:s29], [sflag:$0x6], $0x40, s9, s25, $0xb8;
	[tilespmem:$0x1EE20] =	vst v63  }
0x6c: {  	_ =	swait.ge [sflag:s22], $0x1400  }
0x6d: {  	[sflag:s22] =	ssyncset.done $0x0  }
0x6e: {  	s7 =	simm.s32 $0x230;
	[sflag:s22] =	ssyncadd.s32 $0xFFFFEC00  }
0x6f: {  	[tilespmem:s29], [sflag:$0x3] =	stream.indirect.gather [spmem:s1], $0x40, s7, s25, $0xb8;
	[tilespmem:$0x1EE20] =	vst v63  }
0x70: {  	_ =	swait.ge [sflag:s30], $0x1400  }
0x71: {  	[sflag:s30] =	ssyncset.done $0x0  }
0x72: {  	s9 =	simm.s32 $0x2800;
	[sflag:s30] =	ssyncadd.s32 $0xFFFFEC00  }
0x73: {  	[spmem:s3] =	stream.indirect.scatter.add.f32 [tilespmem:s31], [sflag:$0x6], $0x40, s9, s25, $0xb8;
	[tilespmem:$0x1EE20] =	vst v63  }
0x74: {  	_ =	swait.ge [sflag:s22], $0x1400  }
0x75: {  	[sflag:s22] =	ssyncset.done $0x0  }
0x76: {  	s7 =	simm.s32 $0x280;
	[sflag:s22] =	ssyncadd.s32 $0xFFFFEC00  }
0x77: {  	[tilespmem:s31], [sflag:$0x4] =	stream.indirect.gather [spmem:s1], $0x40, s7, s25, $0xb8;
	[tilespmem:$0x1EE20] =	vst v63  }
0x78: {  	_ =	swait.ge [sflag:s2], $0x1400  }
0x79: {  	[sflag:s2] =	ssyncset.done $0x0  }
0x7a: {  	s9 =	simm.s32 $0x2850;
	[sflag:s2] =	ssyncadd.s32 $0xFFFFEC00  }
0x7b: {  	[spmem:s3] =	stream.indirect.scatter.add.f32 [tilespmem:s0], [sflag:$0x6], $0x40, s9, s25, $0xb8;
	[tilespmem:$0x1EE20] =	vst v63  }
0x7c: {  	_ =	swait.ge [sflag:s22], $0x1400  }
0x7d: {  	[sflag:s22] =	ssyncset.done $0x0  }
0x7e: {  	s5 =	simm.s32 $0x640;
	s7 =	simm.s32 $0x2D0;
	[sflag:s22] =	ssyncadd.s32 $0xFFFFEC00  }
.LBB2_4:
0x7f: {  	[tilespmem:s0], [sflag:$0x5] =	stream.indirect.gather [spmem:s1], $0x40, s7, s25, $0xb8;
	[tilespmem:$0x1EE20] =	vst v63  }
0x80: {  	s7 =	smov.u32 s5  }
0x81: {  	p0 =	sne.s32 s5, $0x8FC0;
	s5 =	sadd.s32 $0x640, s5;
	_ =	swait.ge [sflag:s24], $0x1400  }
0x82: {  	s7 =	sshra.s32 s7, $0x2;
	[sflag:s24] =	ssyncset.done $0x0  }
0x83: {  	s9 =	sadd.s32 $0x2710, s7;
	[sflag:s24] =	ssyncadd.s32 $0xFFFFEC00  }
0x84: {  	[spmem:s3] =	stream.indirect.scatter.add.f32 [tilespmem:s21], [sflag:$0x6], $0x40, s9, s25, $0xb8;
	[tilespmem:$0x1EE20] =	vst v63  }
0x85: {  	_ =	swait.ge [sflag:s22], $0x1400  }
0x86: {  	[sflag:s22] =	ssyncset.done $0x0  }
0x87: {  	s9 =	sadd.s32 $0x190, s7;
	[sflag:s22] =	ssyncadd.s32 $0xFFFFEC00  }
0x88: {  	[tilespmem:s21], [sflag:$0x1] =	stream.indirect.gather [spmem:s1], $0x40, s9, s25, $0xb8;
	[tilespmem:$0x1EE20] =	vst v63  }
0x89: {  	_ =	swait.ge [sflag:s23], $0x1400  }
0x8a: {  	[sflag:s23] =	ssyncset.done $0x0  }
0x8b: {  	s9 =	sadd.s32 $0x2760, s7;
	[sflag:s23] =	ssyncadd.s32 $0xFFFFEC00  }
0x8c: {  	[spmem:s3] =	stream.indirect.scatter.add.f32 [tilespmem:s26], [sflag:$0x6], $0x40, s9, s25, $0xb8;
	[tilespmem:$0x1EE20] =	vst v63  }
0x8d: {  	_ =	swait.ge [sflag:s22], $0x1400  }
0x8e: {  	[sflag:s22] =	ssyncset.done $0x0  }
0x8f: {  	s9 =	sadd.s32 $0x1E0, s7;
	[sflag:s22] =	ssyncadd.s32 $0xFFFFEC00  }
0x90: {  	[tilespmem:s26], [sflag:$0x2] =	stream.indirect.gather [spmem:s1], $0x40, s9, s25, $0xb8;
	[tilespmem:$0x1EE20] =	vst v63  }
0x91: {  	_ =	swait.ge [sflag:s28], $0x1400  }
0x92: {  	[sflag:s28] =	ssyncset.done $0x0  }
0x93: {  	s9 =	sadd.s32 $0x27B0, s7;
	[sflag:s28] =	ssyncadd.s32 $0xFFFFEC00  }
0x94: {  	[spmem:s3] =	stream.indirect.scatter.add.f32 [tilespmem:s29], [sflag:$0x6], $0x40, s9, s25, $0xb8;
	[tilespmem:$0x1EE20] =	vst v63  }
0x95: {  	_ =	swait.ge [sflag:s22], $0x1400  }
0x96: {  	[sflag:s22] =	ssyncset.done $0x0  }
0x97: {  	s9 =	sadd.s32 $0x230, s7;
	[sflag:s22] =	ssyncadd.s32 $0xFFFFEC00  }
0x98: {  	[tilespmem:s29], [sflag:$0x3] =	stream.indirect.gather [spmem:s1], $0x40, s9, s25, $0xb8;
	[tilespmem:$0x1EE20] =	vst v63  }
0x99: {  	_ =	swait.ge [sflag:s30], $0x1400  }
0x9a: {  	[sflag:s30] =	ssyncset.done $0x0  }
0x9b: {  	s9 =	sadd.s32 $0x2800, s7;
	[sflag:s30] =	ssyncadd.s32 $0xFFFFEC00  }
0x9c: {  	[spmem:s3] =	stream.indirect.scatter.add.f32 [tilespmem:s31], [sflag:$0x6], $0x40, s9, s25, $0xb8;
	[tilespmem:$0x1EE20] =	vst v63  }
0x9d: {  	_ =	swait.ge [sflag:s22], $0x1400  }
0x9e: {  	[sflag:s22] =	ssyncset.done $0x0  }
0x9f: {  	s9 =	sadd.s32 $0x280, s7;
	[sflag:s22] =	ssyncadd.s32 $0xFFFFEC00  }
0xa0: {  	[tilespmem:s31], [sflag:$0x4] =	stream.indirect.gather [spmem:s1], $0x40, s9, s25, $0xb8;
	[tilespmem:$0x1EE20] =	vst v63  }
0xa1: {  	_ =	swait.ge [sflag:s2], $0x1400  }
0xa2: {  	[sflag:s2] =	ssyncset.done $0x0  }
.Ltmp1:
0xa3: {  	s9 =	sadd.s32 $0x2850, s7;
	[sflag:s2] =	ssyncadd.s32 $0xFFFFEC00;
	(pc) =	sbr.rel @p0 .LBB2_4-.Ltmp1, $4  }
0xa4: {  	[spmem:s3] =	stream.indirect.scatter.add.f32 [tilespmem:s0], [sflag:$0x6], $0x40, s9, s25, $0xb8;
	[tilespmem:$0x1EE20] =	vst v63  }
0xa5: {  	_ =	swait.ge [sflag:s22], $0x1400  }
0xa6: {  	[sflag:s22] =	ssyncset.done $0x0  }
0xa7: {  	s7 =	sadd.s32 $0x2D0, s7;
	[sflag:s22] =	ssyncadd.s32 $0xFFFFEC00  }
0xa8: {  	[tilespmem:s0], [sflag:$0x5] =	stream.indirect.gather [spmem:s1], $0x40, s7, s25, $0xb8;
	[tilespmem:$0x1EE20] =	vst v63  }
0xa9: {  	_ =	swait.ge [sflag:s24], $0x1400  }
0xaa: {  	[sflag:s24] =	ssyncset.done $0x0  }
0xab: {  	s5 =	simm.s32 $0x4C90;
	[sflag:s24] =	ssyncadd.s32 $0xFFFFEC00  }
0xac: {  	[spmem:s3] =	stream.indirect.scatter.add.f32 [tilespmem:s21], [sflag:$0x6], $0x40, s5, s25, $0xb8;
	[tilespmem:$0x1EE20] =	vst v63  }
0xad: {  	_ =	swait.ge [sflag:s22], $0x1400  }
0xae: {  	[sflag:s22] =	ssyncset.done $0x0  }
0xaf: {  	[sflag:s22] =	ssyncadd.s32 $0xFFFFEC00  }
0xb0: {  	_ =	swait.ge [sflag:s23], $0x1400  }
0xb1: {  	[sflag:s23] =	ssyncset.done $0x0  }
0xb2: {  	s7 =	simm.s32 $0x4CE0;
	[sflag:s23] =	ssyncadd.s32 $0xFFFFEC00  }
0xb3: {  	[spmem:s3] =	stream.indirect.scatter.add.f32 [tilespmem:s26], [sflag:$0x6], $0x40, s7, s25, $0xb8;
	[tilespmem:$0x1EE20] =	vst v63  }
0xb4: {  	_ =	swait.ge [sflag:s22], $0x1400  }
0xb5: {  	[sflag:s22] =	ssyncset.done $0x0  }
0xb6: {  	[sflag:s22] =	ssyncadd.s32 $0xFFFFEC00  }
0xb7: {  	_ =	swait.ge [sflag:s28], $0x1400  }
0xb8: {  	[sflag:s28] =	ssyncset.done $0x0  }
0xb9: {  	s9 =	simm.s32 $0x4D30;
	[sflag:s28] =	ssyncadd.s32 $0xFFFFEC00  }
0xba: {  	[spmem:s3] =	stream.indirect.scatter.add.f32 [tilespmem:s29], [sflag:$0x6], $0x40, s9, s25, $0xb8;
	[tilespmem:$0x1EE20] =	vst v63  }
0xbb: {  	_ =	swait.ge [sflag:s22], $0x1400  }
0xbc: {  	[sflag:s22] =	ssyncset.done $0x0  }
0xbd: {  	[sflag:s22] =	ssyncadd.s32 $0xFFFFEC00  }
0xbe: {  	_ =	swait.ge [sflag:s30], $0x1400  }
0xbf: {  	[sflag:s30] =	ssyncset.done $0x0  }
0xc0: {  	s7 =	simm.s32 $0x4D80;
	[sflag:s30] =	ssyncadd.s32 $0xFFFFEC00  }
0xc1: {  	[spmem:s3] =	stream.indirect.scatter.add.f32 [tilespmem:s31], [sflag:$0x6], $0x40, s7, s25, $0xb8;
	[tilespmem:$0x1EE20] =	vst v63  }
0xc2: {  	_ =	swait.ge [sflag:s22], $0x1400  }
0xc3: {  	[sflag:s22] =	ssyncset.done $0x0  }
0xc4: {  	[sflag:s22] =	ssyncadd.s32 $0xFFFFEC00  }
0xc5: {  	_ =	swait.ge [sflag:s2], $0x1400  }
0xc6: {  	[sflag:s2] =	ssyncset.done $0x0  }
0xc7: {  	s9 =	simm.s32 $0x4DD0;
	[sflag:s2] =	ssyncadd.s32 $0xFFFFEC00  }
0xc8: {  	[spmem:s3] =	stream.indirect.scatter.add.f32 [tilespmem:s0], [sflag:$0x6], $0x40, s9, s25, $0xb8;
	[tilespmem:$0x1EE20] =	vst v63  }
0xc9: {  	_ =	swait.ge [sflag:s22], $0x1400  }
0xca: {  	s4 =	sadd.s32 $0x1, s4;
	[sflag:s22] =	ssyncset.done $0x0  }
0xcb: {  	p0 =	sne.s32 s4, s18;
	s7 =	sor.u32 $0x1C06, s6;
	[sflag:s22] =	ssyncadd.s32 $0xFFFFEC00  }
.Ltmp2:
0xcc: {  	s9 =	sshrl.u32 s8, $0x3;
	[bflag:$0x0] =	sbarrier.arrive $0xFFFF;
	(pc) =	sbr.rel @p0 .LBB2_1-.Ltmp2, $4  }
0xcd: {  	[hbm:s19], [sflag:s7] =	dma.local [spmem:s9], $0x13C0  }
0xce: {  	_ =	swait.ge [sflag:s22], $0x13C0  }
0xcf: {  	[sflag:s22] =	ssyncset.done $0x0  }
0xd0: {  	[sflag:s22] =	ssyncadd.s32 $0xFFFFEC40  }
0xd1: {  	_ =	sfence.sel $0x180000  }
0xd2: {  	[bflag:$0x0] =	sbarrier.arrive $0xFFFF  }
0xd3: {  	_ =	strace $0x9000004D  }
0xd4: {  	s0 =	stileid.u32;
	[bflag:$0x2] =	sbarrier.arrive $0xFFFF  }
0xd5: {  	p0 =	sne.s32 s0, $0x0;
	s0 =	rddreg [dreg:$0x3]  }
0xd6: {  	s0 =	sadd.s32 @!p0 $0x100000, s0  }
0xd7: {  	[sflag:s0] =	ssyncadd.tile.s32 @!p0 $0x1;
	_ =	shalt  }
.Lfunc_end2:
_tile_overlayer_lowered:
.L_overlay_start_2:
0xd8: {  	(tag) =	ssettag $0x2  }
0xd9: {  	s0 =	rddreg [dreg:$0x0];
	s2 =	stileid.u32  }
0xda: {  	s1 =	rddreg [dreg:$0x1];
	p0 =	sne.s32 s2, $0x0  }
0xdb: {  	s3 =	rddreg [dreg:$0x2];
	[bflag:$0x3] =	sbarrier.arrive $0xFFFF;
	s2 =	simm.s32 @!p0 $0x1C06  }
0xdc: {  	[timem:s3], [sflag:s2] =	dma.local @!p0 [hbm:s0], s1  }
0xdd: {  	s0 =	simm.s32 @!p0 $0x6  }
0xde: {  	_ =	swait.ge @!p0 [sflag:s0], s1  }
0xdf: {  	s1 =	ssub.s32 @!p0 $0x0, s1;
	[sflag:s0] =	ssyncset.done @!p0 $0x0  }
0xe0: {  	[sflag:s0] =	ssyncadd.s32 @!p0 s1  }
0xe1: {  	[bflag:$0x3] =	sbarrier.arrive $0xFFFF  }
0xe2: {  	_ =	shalt  }

</sc_bundles>
